<compile_context>
chip_gen: v7x
topology: tpu7x:2x2x1
jax: 0.10.2.dev20260603
libtpu: 0.0.44.dev20260713+nightly
codegen_flags: <defaults>
</compile_context>

<pallas_src>
import functools

import jax
import jax.numpy as jnp
from jax import lax
from jax.experimental import pallas as pl
from jax.experimental.pallas import tpu as pltpu
from jax.experimental.pallas import tpu_sc as plsc

_FACTOR = 1e-11 / 299792458.0 / 1.602176634e-19
_SCALE = 1.0 / _FACTOR

N_ATOMS = 1600000
N_GRAPHS = 100000


def _build(n_atoms, n_graphs, nc=2, ns=16, ch=1024, sub=128, interpret=False):
    nw = nc * ns
    nsub = ch // sub
    nfull = n_atoms // ch
    tail0 = nfull * ch
    tch = n_atoms - tail0
    assert tch % sub == 0 and tail0 % 8 == 0
    tsub = tch // sub
    maxcpw = -(-nfull // nw)
    tailw = nw - 1
    gpad = -(-n_graphs // (8 * ns)) * 8 * ns
    zr = gpad // ns
    w = 16

    def sc_body(dx_hbm, dy_hbm, dz_hbm, px_hbm, py_hbm, pz_hbm,
                chg_hbm, batchf_hbm, zrows_hbm, out_hbm,
                dipv, posv, chgv, vals, bidx, acc, sem_in, sem_sc):
        cid = lax.axis_index("c")
        sid = lax.axis_index("s")
        wid = sid * nc + cid

        z0 = pl.multiple_of(sid * zr, 8)
        pltpu.sync_copy(zrows_hbm, acc.at[pl.ds(z0, zr), :])
        plsc.subcore_barrier()

        lane = lax.iota(jnp.int32, 16)

        def fire_inputs(a0, nrow, bsel):
            a0 = pl.multiple_of(a0, sub)
            cps = [
                pltpu.async_copy(src.at[pl.ds(a0, nrow)],
                                 dst.at[c, pl.ds(0, nrow)], sem_in)
                for src, dst, c in
                [(dx_hbm, dipv, 0), (dy_hbm, dipv, 1), (dz_hbm, dipv, 2),
                 (px_hbm, posv, 0), (py_hbm, posv, 1), (pz_hbm, posv, 2)]
            ]
            cps.append(pltpu.async_copy(chg_hbm.at[pl.ds(a0, nrow)],
                                        chgv.at[pl.ds(0, nrow)], sem_in))
            for j in range(nrow // sub):
                cps.append(pltpu.async_copy(
                    batchf_hbm.at[pl.ds(pl.multiple_of(a0 + j * sub, 8), sub)],
                    bidx.at[bsel, j], sem_in))
            return cps

        def drain(cps):
            for c in cps:
                c.wait()

        def fire_scatters(nsub_c, bsel):
            for j in range(nsub_c):
                pltpu.async_copy(vals.at[pl.ds(j * sub, sub), :],
                                 acc.at[bidx.at[bsel, j]], sem_sc, add=True)

        def drain_scatters(nsub_c):
            for j in range(nsub_c):
                pltpu.make_async_copy(vals.at[pl.ds(j * sub, sub), :],
                                      acc.at[bidx.at[0, j]], sem_sc).wait()

        colc = [lane * 0 + c for c in range(3)]

        def compute(nrow):
            unroll = 4

            def grp(k, carry):
                for u in range(unroll):
                    rbase = k * (16 * unroll) + u * 16
                    rows = rbase + lane
                    for c in range(3):
                        v = (dipv[c, pl.ds(rbase, 16)]
                             + posv[c, pl.ds(rbase, 16)]
                             * chgv[pl.ds(rbase, 16)] * _SCALE)
                        plsc.store_scatter(vals, [rows, colc[c]], v)
                return carry

            lax.fori_loop(0, nrow // (16 * unroll), grp, 0)

        def chunk_iter(ci, carry):
            cg = wid + nw * ci

            @pl.when(cg < nfull)
            def _():
                cps = fire_inputs(cg * ch, ch, ci % 2)

                @pl.when(ci > 0)
                def _():
                    drain_scatters(nsub)

                drain(cps)
                compute(ch)
                fire_scatters(nsub, ci % 2)

            return carry

        lax.fori_loop(0, maxcpw, chunk_iter, 0)
        drain_scatters(nsub)

        if tsub:
            @pl.when(wid == tailw)
            def _():
                cps = fire_inputs(tail0, tch, 0)
                drain(cps)
                compute(tch)
                fire_scatters(tsub, 0)
                drain_scatters(tsub)

        plsc.subcore_barrier()
        pltpu.sync_copy(acc.at[pl.ds(z0, zr), :],
                        out_hbm.at[cid, pl.ds(z0, zr), :])

    sc_kernel = functools.partial(
        pl.kernel,
        compiler_params=pltpu.CompilerParams(
            needs_layout_passes=False, use_tc_tiling_on_sc=False),
        out_type=jax.ShapeDtypeStruct((nc, gpad, w), jnp.float32),
        mesh=plsc.VectorSubcoreMesh(
            core_axis_name="c", subcore_axis_name="s",
            num_cores=nc, num_subcores=ns),
        scratch_types=[
            pltpu.VMEM((3, ch), jnp.float32),
            pltpu.VMEM((3, ch), jnp.float32),
            pltpu.VMEM((ch,), jnp.float32),
            pltpu.VMEM((ch, w), jnp.float32),
            pltpu.VMEM((2, nsub, sub), jnp.int32),
            pltpu.VMEM_SHARED((gpad, w), jnp.float32),
            pltpu.SemaphoreType.DMA,
            pltpu.SemaphoreType.DMA,
        ],
        interpret=interpret,
    )(sc_body)

    def combine_body(p_ref, o_ref):
        o_ref[...] = p_ref[0] + p_ref[1]

    def run(atomic_dipoles, charges, positions, batch, ptr):
        del ptr
        batchf = batch.astype(jnp.int32)
        zrows = jnp.zeros((zr, w), jnp.float32)
        partials = sc_kernel(
            atomic_dipoles[:, 0], atomic_dipoles[:, 1], atomic_dipoles[:, 2],
            positions[:, 0], positions[:, 1], positions[:, 2],
            charges, batchf, zrows)
        summed = pl.pallas_call(
            combine_body,
            out_shape=jax.ShapeDtypeStruct((gpad * w // 128, 128),
                                           jnp.float32),
            interpret=interpret,
        )(partials.reshape(nc, gpad * w // 128, 128))
        return summed.reshape(gpad, w)[:n_graphs, :3]

    return run


_run = _build(N_ATOMS, N_GRAPHS)


def kernel(atomic_dipoles, charges, positions, batch, ptr):
    return _run(atomic_dipoles, charges, positions, batch, ptr)

# --- scband reference (transcript-rebuilt; emitter-appended) ---
"""Pipeline reference for scband-dipole-model-mixin-37434934952451 (READ-ONLY COPY).

The authoritative reference and input builder live on the scoring server;
editing this copy changes nothing except your own understanding.
"""

import jax, jax.numpy as jnp
import numpy as np

N_ATOMS = 1600000
NUM_GRAPHS = 100000


def setup_inputs(seed: int = 0) -> dict:
    key = jax.random.key(seed)
    k1, k2, k3, k4 = jax.random.split(key, 4)
    atomic_dipoles = jax.random.normal(k1, (N_ATOMS, 3), dtype=jnp.float32)
    charges = jax.random.normal(k2, (N_ATOMS,), dtype=jnp.float32)
    positions = jax.random.normal(k3, (N_ATOMS, 3), dtype=jnp.float32)
    batch = jnp.sort(jax.random.randint(k4, (N_ATOMS,), 0, NUM_GRAPHS, dtype=jnp.int64))
    ptr = jnp.arange(NUM_GRAPHS + 1, dtype=jnp.int64)
    return {
        'atomic_dipoles': atomic_dipoles,
        'charges': charges,
        'positions': positions,
        'batch': batch,
        'ptr': ptr,
    }


def compute_fixed_charge_dipole(charges, positions, batch, num_graphs):
    # MACE unit conversion: Debye per (e * Angstrom)
    c = 299792458.0
    e = 1.602176634e-19
    factor = 1e-11 / c / e
    mu = positions * charges[:, None] / factor  # [N_atoms, 3]
    return jax.ops.segment_sum(mu, batch, num_segments=num_graphs)  # [num_graphs, 3]


def reference(atomic_dipoles, charges, positions, batch, ptr):
    num_graphs = ptr.shape[0] - 1
    baseline_dipole = compute_fixed_charge_dipole(charges, positions, batch, num_graphs)
    # scatter_sum(src=atomic_dipoles, index=batch.unsqueeze(-1), dim=0, dim_size=num_graphs)
    total_dipole = jax.ops.segment_sum(atomic_dipoles, batch, num_segments=num_graphs)
    total_dipole = total_dipole + baseline_dipole
    return total_dipole

if __name__ == "__main__":
    import jax
    _d = setup_inputs()
    print(jax.jit(kernel)(*tuple(_d.values())))

</pallas_src>

<mosaic_0001>
#map = affine_map<(d0, d1) -> (0)>
#map1 = affine_map<(d0, d1) -> (0, 0)>
#map2 = affine_map<(d0, d1) -> (0, 0, 0)>
module attributes {stable_mosaic.version = 14 : i64} {
  func.func @sc_body(%arg0: i32, %arg1: i32, %arg2: memref<1600000xf32, #tpu.memory_space<hbm>>, %arg3: memref<1600000xf32, #tpu.memory_space<hbm>>, %arg4: memref<1600000xf32, #tpu.memory_space<hbm>>, %arg5: memref<1600000xf32, #tpu.memory_space<hbm>>, %arg6: memref<1600000xf32, #tpu.memory_space<hbm>>, %arg7: memref<1600000xf32, #tpu.memory_space<hbm>>, %arg8: memref<1600000xf32, #tpu.memory_space<hbm>>, %arg9: memref<1600000xi32, #tpu.memory_space<hbm>>, %arg10: memref<6256x16xf32, #tpu.memory_space<hbm>>, %arg11: memref<2x100096x16xf32, #tpu.memory_space<hbm>>, %arg12: memref<3x1024xf32, #tpu.memory_space<vmem>>, %arg13: memref<3x1024xf32, #tpu.memory_space<vmem>>, %arg14: memref<1024xf32, #tpu.memory_space<vmem>>, %arg15: memref<1024x16xf32, #tpu.memory_space<vmem>>, %arg16: memref<2x8x128xi32, #tpu.memory_space<vmem>>, %arg17: memref<100096x16xf32, #tpu.memory_space<vmem_shared>>, %arg18: memref<!tpu.dma_semaphore, #tpu.memory_space<semaphore_mem>>, %arg19: memref<!tpu.dma_semaphore, #tpu.memory_space<semaphore_mem>>) attributes {dimension_semantics = [#tpu.dimension_semantics<core_parallel>, #tpu.dimension_semantics<subcore_parallel>], iteration_bounds = array<i64: 2, 16>, scalar_prefetch = 0 : i64, scratch_operands = 8 : i64, tpu.core_type = #tpu.core_type<sc_vector_subcore>, window_params = [{transform_indices = #map}, {transform_indices = #map}, {transform_indices = #map}, {transform_indices = #map}, {transform_indices = #map}, {transform_indices = #map}, {transform_indices = #map}, {transform_indices = #map}, {transform_indices = #map1}, {transform_indices = #map2}]} {
    %mul3A = arith.constant 2 : i32
    %mul3A_0 = arith.muli %arg1, %mul3A : i32
    %add3A = arith.addi %mul3A_0, %arg0 : i32
    %mul3A_1 = arith.constant 6256 : i32
    %mul3A_2 = arith.muli %arg1, %mul3A_1 : i32
    %multiple_of3A = tpu.assume_multiple %mul3A_2, 8 : i32
    "tpu.region"() ({
      %run_scoped3A = tpu.sem_alloc : memref<!tpu.dma_semaphore, #tpu.memory_space<semaphore_mem>>
      %dma_start3A = arith.constant 0 : i32
      %dma_start3A_116 = tpu.memref_slice %arg17[%multiple_of3A, %dma_start3A] : memref<100096x16xf32, #tpu.memory_space<vmem_shared>> -> memref<6256x16xf32, #tpu.memory_space<vmem_shared>>
      tpu.enqueue_dma source(%arg10 : memref<6256x16xf32, #tpu.memory_space<hbm>>) target(%dma_start3A_116 : memref<6256x16xf32, #tpu.memory_space<vmem_shared>>) target_semaphore(%run_scoped3A : memref<!tpu.dma_semaphore, #tpu.memory_space<semaphore_mem>>)
      %dma_wait3A_117 = arith.constant 0 : i32
      %dma_wait3A_118 = tpu.memref_slice %arg17[%multiple_of3A, %dma_wait3A_117] : memref<100096x16xf32, #tpu.memory_space<vmem_shared>> -> memref<6256x16xf32, #tpu.memory_space<vmem_shared>>
      tpu.wait_dma2 semaphore(%run_scoped3A : memref<!tpu.dma_semaphore, #tpu.memory_space<semaphore_mem>>) src(%arg10 : memref<6256x16xf32, #tpu.memory_space<hbm>>) dst(%dma_wait3A_118 : memref<6256x16xf32, #tpu.memory_space<vmem_shared>>)
      tpu.yield
    }) : () -> ()
    %barrier3A = arith.constant 0 : index
    tpu.barrier barrier_id(%barrier3A)
    %iota3A = tpu.iota {dimensions = array<i32: 0>} : vector<16xi32>
    %mul3A_3 = arith.constant 0 : i32
    %mul3A_4 = vector.broadcast %mul3A_3 : i32 to vector<16xi32>
    %mul3A_5 = arith.muli %iota3A, %mul3A_4 : vector<16xi32>
    %add3A_6 = arith.constant 0 : i32
    %add3A_7 = vector.broadcast %add3A_6 : i32 to vector<16xi32>
    %add3A_8 = arith.addi %mul3A_5, %add3A_7 : vector<16xi32>
    %mul3A_9 = arith.constant 0 : i32
    %mul3A_10 = vector.broadcast %mul3A_9 : i32 to vector<16xi32>
    %mul3A_11 = arith.muli %iota3A, %mul3A_10 : vector<16xi32>
    %add3A_12 = arith.constant 1 : i32
    %add3A_13 = vector.broadcast %add3A_12 : i32 to vector<16xi32>
    %add3A_14 = arith.addi %mul3A_11, %add3A_13 : vector<16xi32>
    %mul3A_15 = arith.constant 0 : i32
    %mul3A_16 = vector.broadcast %mul3A_15 : i32 to vector<16xi32>
    %mul3A_17 = arith.muli %iota3A, %mul3A_16 : vector<16xi32>
    %add3A_18 = arith.constant 2 : i32
    %add3A_19 = vector.broadcast %add3A_18 : i32 to vector<16xi32>
    %add3A_20 = arith.addi %mul3A_17, %add3A_19 : vector<16xi32>
    %scan3A = arith.constant 0 : i32
    %scan3A_21 = arith.constant 0 : i32
    %scan3A_22 = arith.constant 49 : i32
    %scan3A_23 = arith.addi %scan3A_21, %scan3A_22 : i32
    %scan3A_24 = arith.constant 1 : i32
    scf.for %scan3A_116 = %scan3A_21 to %scan3A_23 step %scan3A_24  : i32 {
      %mul3A_117 = arith.constant 32 : i32
      %mul3A_118 = arith.muli %mul3A_117, %scan3A_116 : i32
      %add3A_119 = arith.addi %add3A, %mul3A_118 : i32
      %lt3A = arith.constant 1562 : i32
      %lt3A_120 = arith.cmpi slt, %add3A_119, %lt3A : i32
      %convert_element_type3A_121 = arith.extui %lt3A_120 : i1 to i32
      %cond3A_122 = arith.constant 0 : i32
      %cond3A_123 = arith.cmpi ne, %convert_element_type3A_121, %cond3A_122 : i32
      scf.if %cond3A_123 {
        %mul3A_124 = arith.constant 1024 : i32
        %mul3A_125 = arith.muli %add3A_119, %mul3A_124 : i32
        %jit3A = arith.constant 2 : i32
        %eq3A_126 = arith.constant 0 : i32
        %eq3A_127 = arith.cmpi eq, %jit3A, %eq3A_126 : i32
        %jit3A_128 = arith.constant 1 : i32
        %select_n3A = arith.select %eq3A_127, %jit3A_128, %jit3A : i32
        %rem3A = arith.remsi %scan3A_116, %select_n3A : i32
        %ne3A = arith.constant 0 : i32
        %ne3A_129 = arith.cmpi ne, %rem3A, %ne3A : i32
        %lt3A_130 = arith.constant 0 : i32
        %lt3A_131 = arith.cmpi slt, %rem3A, %lt3A_130 : i32
        %lt3A_132 = arith.constant 0 : i32
        %lt3A_133 = arith.cmpi slt, %select_n3A, %lt3A_132 : i32
        %ne3A_134 = arith.xori %lt3A_131, %lt3A_133 : i1
        %and3A = arith.andi %ne3A_134, %ne3A_129 : i1
        %add3A_135 = arith.addi %rem3A, %select_n3A : i32
        %select_n3A_136 = arith.select %and3A, %add3A_135, %rem3A : i32
        %multiple_of3A_137 = tpu.assume_multiple %mul3A_125, 128 : i32
        %dma_start3A = arith.constant 0 : i32
        %dma_start3A_138 = arith.constant 0 : i32
        %dma_start3A_139 = tpu.memref_slice %arg12[%dma_start3A, %dma_start3A_138] : memref<3x1024xf32, #tpu.memory_space<vmem>> -> memref<1x1024xf32, #tpu.memory_space<vmem>>
        %dma_start3A_140 = tpu.memref_squeeze %dma_start3A_139 : memref<1x1024xf32, #tpu.memory_space<vmem>> -> memref<1024xf32, #tpu.memory_space<vmem>>
        %dma_start3A_141 = tpu.memref_slice %arg2[%multiple_of3A_137] : memref<1600000xf32, #tpu.memory_space<hbm>> -> memref<1024xf32, #tpu.memory_space<hbm>>
        %dma_start3A_142 = arith.constant 0 : i32
        %dma_start3A_143 = tpu.memref_slice %arg12[%dma_start3A, %dma_start3A_142] : memref<3x1024xf32, #tpu.memory_space<vmem>> -> memref<1x1024xf32, #tpu.memory_space<vmem>>
        %dma_start3A_144 = tpu.memref_squeeze %dma_start3A_143 : memref<1x1024xf32, #tpu.memory_space<vmem>> -> memref<1024xf32, #tpu.memory_space<vmem>>
        %dma_start3A_145 = tpu.memref_slice %arg2[%multiple_of3A_137] : memref<1600000xf32, #tpu.memory_space<hbm>> -> memref<1024xf32, #tpu.memory_space<hbm>>
        tpu.enqueue_dma source(%dma_start3A_145 : memref<1024xf32, #tpu.memory_space<hbm>>) target(%dma_start3A_144 : memref<1024xf32, #tpu.memory_space<vmem>>) target_semaphore(%arg18 : memref<!tpu.dma_semaphore, #tpu.memory_space<semaphore_mem>>)
        %dma_start3A_146 = arith.constant 1 : i32
        %dma_start3A_147 = arith.constant 0 : i32
        %dma_start3A_148 = tpu.memref_slice %arg12[%dma_start3A_146, %dma_start3A_147] : memref<3x1024xf32, #tpu.memory_space<vmem>> -> memref<1x1024xf32, #tpu.memory_space<vmem>>
        %dma_start3A_149 = tpu.memref_squeeze %dma_start3A_148 : memref<1x1024xf32, #tpu.memory_space<vmem>> -> memref<1024xf32, #tpu.memory_space<vmem>>
        %dma_start3A_150 = tpu.memref_slice %arg3[%multiple_of3A_137] : memref<1600000xf32, #tpu.memory_space<hbm>> -> memref<1024xf32, #tpu.memory_space<hbm>>
        %dma_start3A_151 = arith.constant 0 : i32
        %dma_start3A_152 = tpu.memref_slice %arg12[%dma_start3A_146, %dma_start3A_151] : memref<3x1024xf32, #tpu.memory_space<vmem>> -> memref<1x1024xf32, #tpu.memory_space<vmem>>
        %dma_start3A_153 = tpu.memref_squeeze %dma_start3A_152 : memref<1x1024xf32, #tpu.memory_space<vmem>> -> memref<1024xf32, #tpu.memory_space<vmem>>
        %dma_start3A_154 = tpu.memref_slice %arg3[%multiple_of3A_137] : memref<1600000xf32, #tpu.memory_space<hbm>> -> memref<1024xf32, #tpu.memory_space<hbm>>
        tpu.enqueue_dma source(%dma_start3A_154 : memref<1024xf32, #tpu.memory_space<hbm>>) target(%dma_start3A_153 : memref<1024xf32, #tpu.memory_space<vmem>>) target_semaphore(%arg18 : memref<!tpu.dma_semaphore, #tpu.memory_space<semaphore_mem>>)
        %dma_start3A_155 = arith.constant 2 : i32
        %dma_start3A_156 = arith.constant 0 : i32
        %dma_start3A_157 = tpu.memref_slice %arg12[%dma_start3A_155, %dma_start3A_156] : memref<3x1024xf32, #tpu.memory_space<vmem>> -> memref<1x1024xf32, #tpu.memory_space<vmem>>
        %dma_start3A_158 = tpu.memref_squeeze %dma_start3A_157 : memref<1x1024xf32, #tpu.memory_space<vmem>> -> memref<1024xf32, #tpu.memory_space<vmem>>
        %dma_start3A_159 = tpu.memref_slice %arg4[%multiple_of3A_137] : memref<1600000xf32, #tpu.memory_space<hbm>> -> memref<1024xf32, #tpu.memory_space<hbm>>
        %dma_start3A_160 = arith.constant 0 : i32
        %dma_start3A_161 = tpu.memref_slice %arg12[%dma_start3A_155, %dma_start3A_160] : memref<3x1024xf32, #tpu.memory_space<vmem>> -> memref<1x1024xf32, #tpu.memory_space<vmem>>
        %dma_start3A_162 = tpu.memref_squeeze %dma_start3A_161 : memref<1x1024xf32, #tpu.memory_space<vmem>> -> memref<1024xf32, #tpu.memory_space<vmem>>
        %dma_start3A_163 = tpu.memref_slice %arg4[%multiple_of3A_137] : memref<1600000xf32, #tpu.memory_space<hbm>> -> memref<1024xf32, #tpu.memory_space<hbm>>
        tpu.enqueue_dma source(%dma_start3A_163 : memref<1024xf32, #tpu.memory_space<hbm>>) target(%dma_start3A_162 : memref<1024xf32, #tpu.memory_space<vmem>>) target_semaphore(%arg18 : memref<!tpu.dma_semaphore, #tpu.memory_space<semaphore_mem>>)
        %dma_start3A_164 = arith.constant 0 : i32
        %dma_start3A_165 = arith.constant 0 : i32
        %dma_start3A_166 = tpu.memref_slice %arg13[%dma_start3A_164, %dma_start3A_165] : memref<3x1024xf32, #tpu.memory_space<vmem>> -> memref<1x1024xf32, #tpu.memory_space<vmem>>
        %dma_start3A_167 = tpu.memref_squeeze %dma_start3A_166 : memref<1x1024xf32, #tpu.memory_space<vmem>> -> memref<1024xf32, #tpu.memory_space<vmem>>
        %dma_start3A_168 = tpu.memref_slice %arg5[%multiple_of3A_137] : memref<1600000xf32, #tpu.memory_space<hbm>> -> memref<1024xf32, #tpu.memory_space<hbm>>
        %dma_start3A_169 = arith.constant 0 : i32
        %dma_start3A_170 = tpu.memref_slice %arg13[%dma_start3A_164, %dma_start3A_169] : memref<3x1024xf32, #tpu.memory_space<vmem>> -> memref<1x1024xf32, #tpu.memory_space<vmem>>
        %dma_start3A_171 = tpu.memref_squeeze %dma_start3A_170 : memref<1x1024xf32, #tpu.memory_space<vmem>> -> memref<1024xf32, #tpu.memory_space<vmem>>
        %dma_start3A_172 = tpu.memref_slice %arg5[%multiple_of3A_137] : memref<1600000xf32, #tpu.memory_space<hbm>> -> memref<1024xf32, #tpu.memory_space<hbm>>
        tpu.enqueue_dma source(%dma_start3A_172 : memref<1024xf32, #tpu.memory_space<hbm>>) target(%dma_start3A_171 : memref<1024xf32, #tpu.memory_space<vmem>>) target_semaphore(%arg18 : memref<!tpu.dma_semaphore, #tpu.memory_space<semaphore_mem>>)
        %dma_start3A_173 = arith.constant 1 : i32
        %dma_start3A_174 = arith.constant 0 : i32
        %dma_start3A_175 = tpu.memref_slice %arg13[%dma_start3A_173, %dma_start3A_174] : memref<3x1024xf32, #tpu.memory_space<vmem>> -> memref<1x1024xf32, #tpu.memory_space<vmem>>
        %dma_start3A_176 = tpu.memref_squeeze %dma_start3A_175 : memref<1x1024xf32, #tpu.memory_space<vmem>> -> memref<1024xf32, #tpu.memory_space<vmem>>
        %dma_start3A_177 = tpu.memref_slice %arg6[%multiple_of3A_137] : memref<1600000xf32, #tpu.memory_space<hbm>> -> memref<1024xf32, #tpu.memory_space<hbm>>
        %dma_start3A_178 = arith.constant 0 : i32
        %dma_start3A_179 = tpu.memref_slice %arg13[%dma_start3A_173, %dma_start3A_178] : memref<3x1024xf32, #tpu.memory_space<vmem>> -> memref<1x1024xf32, #tpu.memory_space<vmem>>
        %dma_start3A_180 = tpu.memref_squeeze %dma_start3A_179 : memref<1x1024xf32, #tpu.memory_space<vmem>> -> memref<1024xf32, #tpu.memory_space<vmem>>
        %dma_start3A_181 = tpu.memref_slice %arg6[%multiple_of3A_137] : memref<1600000xf32, #tpu.memory_space<hbm>> -> memref<1024xf32, #tpu.memory_space<hbm>>
        tpu.enqueue_dma source(%dma_start3A_181 : memref<1024xf32, #tpu.memory_space<hbm>>) target(%dma_start3A_180 : memref<1024xf32, #tpu.memory_space<vmem>>) target_semaphore(%arg18 : memref<!tpu.dma_semaphore, #tpu.memory_space<semaphore_mem>>)
        %dma_start3A_182 = arith.constant 2 : i32
        %dma_start3A_183 = arith.constant 0 : i32
        %dma_start3A_184 = tpu.memref_slice %arg13[%dma_start3A_182, %dma_start3A_183] : memref<3x1024xf32, #tpu.memory_space<vmem>> -> memref<1x1024xf32, #tpu.memory_space<vmem>>
        %dma_start3A_185 = tpu.memref_squeeze %dma_start3A_184 : memref<1x1024xf32, #tpu.memory_space<vmem>> -> memref<1024xf32, #tpu.memory_space<vmem>>
        %dma_start3A_186 = tpu.memref_slice %arg7[%multiple_of3A_137] : memref<1600000xf32, #tpu.memory_space<hbm>> -> memref<1024xf32, #tpu.memory_space<hbm>>
        %dma_start3A_187 = arith.constant 0 : i32
        %dma_start3A_188 = tpu.memref_slice %arg13[%dma_start3A_182, %dma_start3A_187] : memref<3x1024xf32, #tpu.memory_space<vmem>> -> memref<1x1024xf32, #tpu.memory_space<vmem>>
        %dma_start3A_189 = tpu.memref_squeeze %dma_start3A_188 : memref<1x1024xf32, #tpu.memory_space<vmem>> -> memref<1024xf32, #tpu.memory_space<vmem>>
        %dma_start3A_190 = tpu.memref_slice %arg7[%multiple_of3A_137] : memref<1600000xf32, #tpu.memory_space<hbm>> -> memref<1024xf32, #tpu.memory_space<hbm>>
        tpu.enqueue_dma source(%dma_start3A_190 : memref<1024xf32, #tpu.memory_space<hbm>>) target(%dma_start3A_189 : memref<1024xf32, #tpu.memory_space<vmem>>) target_semaphore(%arg18 : memref<!tpu.dma_semaphore, #tpu.memory_space<semaphore_mem>>)
        %dma_start3A_191 = arith.constant 0 : i32
        %dma_start3A_192 = tpu.memref_slice %arg14[%dma_start3A_191] : memref<1024xf32, #tpu.memory_space<vmem>> -> memref<1024xf32, #tpu.memory_space<vmem>>
        %dma_start3A_193 = tpu.memref_slice %arg8[%multiple_of3A_137] : memref<1600000xf32, #tpu.memory_space<hbm>> -> memref<1024xf32, #tpu.memory_space<hbm>>
        %dma_start3A_194 = arith.constant 0 : i32
        %dma_start3A_195 = tpu.memref_slice %arg14[%dma_start3A_194] : memref<1024xf32, #tpu.memory_space<vmem>> -> memref<1024xf32, #tpu.memory_space<vmem>>
        %dma_start3A_196 = tpu.memref_slice %arg8[%multiple_of3A_137] : memref<1600000xf32, #tpu.memory_space<hbm>> -> memref<1024xf32, #tpu.memory_space<hbm>>
        tpu.enqueue_dma source(%dma_start3A_196 : memref<1024xf32, #tpu.memory_space<hbm>>) target(%dma_start3A_195 : memref<1024xf32, #tpu.memory_space<vmem>>) target_semaphore(%arg18 : memref<!tpu.dma_semaphore, #tpu.memory_space<semaphore_mem>>)
        %add3A_197 = arith.constant 0 : i32
        %add3A_198 = arith.addi %multiple_of3A_137, %add3A_197 : i32
        %multiple_of3A_199 = tpu.assume_multiple %add3A_198, 8 : i32
        %dma_start3A_200 = arith.constant 0 : i32
        %dma_start3A_201 = arith.constant 0 : i32
        %dma_start3A_202 = tpu.memref_slice %arg16[%select_n3A_136, %dma_start3A_200, %dma_start3A_201] : memref<2x8x128xi32, #tpu.memory_space<vmem>> -> memref<1x1x128xi32, #tpu.memory_space<vmem>>
        %dma_start3A_203 = tpu.memref_squeeze %dma_start3A_202 : memref<1x1x128xi32, #tpu.memory_space<vmem>> -> memref<128xi32, #tpu.memory_space<vmem>>
        %dma_start3A_204 = tpu.memref_slice %arg9[%multiple_of3A_199] : memref<1600000xi32, #tpu.memory_space<hbm>> -> memref<128xi32, #tpu.memory_space<hbm>>
        %dma_start3A_205 = arith.constant 0 : i32
        %dma_start3A_206 = tpu.memref_slice %arg16[%select_n3A_136, %dma_start3A_200, %dma_start3A_205] : memref<2x8x128xi32, #tpu.memory_space<vmem>> -> memref<1x1x128xi32, #tpu.memory_space<vmem>>
        %dma_start3A_207 = tpu.memref_squeeze %dma_start3A_206 : memref<1x1x128xi32, #tpu.memory_space<vmem>> -> memref<128xi32, #tpu.memory_space<vmem>>
        %dma_start3A_208 = tpu.memref_slice %arg9[%multiple_of3A_199] : memref<1600000xi32, #tpu.memory_space<hbm>> -> memref<128xi32, #tpu.memory_space<hbm>>
        tpu.enqueue_dma source(%dma_start3A_208 : memref<128xi32, #tpu.memory_space<hbm>>) target(%dma_start3A_207 : memref<128xi32, #tpu.memory_space<vmem>>) target_semaphore(%arg18 : memref<!tpu.dma_semaphore, #tpu.memory_space<semaphore_mem>>)
        %add3A_209 = arith.constant 128 : i32
        %add3A_210 = arith.addi %multiple_of3A_137, %add3A_209 : i32
        %multiple_of3A_211 = tpu.assume_multiple %add3A_210, 8 : i32
        %dma_start3A_212 = arith.constant 1 : i32
        %dma_start3A_213 = arith.constant 0 : i32
        %dma_start3A_214 = tpu.memref_slice %arg16[%select_n3A_136, %dma_start3A_212, %dma_start3A_213] : memref<2x8x128xi32, #tpu.memory_space<vmem>> -> memref<1x1x128xi32, #tpu.memory_space<vmem>>
        %dma_start3A_215 = tpu.memref_squeeze %dma_start3A_214 : memref<1x1x128xi32, #tpu.memory_space<vmem>> -> memref<128xi32, #tpu.memory_space<vmem>>
        %dma_start3A_216 = tpu.memref_slice %arg9[%multiple_of3A_211] : memref<1600000xi32, #tpu.memory_space<hbm>> -> memref<128xi32, #tpu.memory_space<hbm>>
        %dma_start3A_217 = arith.constant 0 : i32
        %dma_start3A_218 = tpu.memref_slice %arg16[%select_n3A_136, %dma_start3A_212, %dma_start3A_217] : memref<2x8x128xi32, #tpu.memory_space<vmem>> -> memref<1x1x128xi32, #tpu.memory_space<vmem>>
        %dma_start3A_219 = tpu.memref_squeeze %dma_start3A_218 : memref<1x1x128xi32, #tpu.memory_space<vmem>> -> memref<128xi32, #tpu.memory_space<vmem>>
        %dma_start3A_220 = tpu.memref_slice %arg9[%multiple_of3A_211] : memref<1600000xi32, #tpu.memory_space<hbm>> -> memref<128xi32, #tpu.memory_space<hbm>>
        tpu.enqueue_dma source(%dma_start3A_220 : memref<128xi32, #tpu.memory_space<hbm>>) target(%dma_start3A_219 : memref<128xi32, #tpu.memory_space<vmem>>) target_semaphore(%arg18 : memref<!tpu.dma_semaphore, #tpu.memory_space<semaphore_mem>>)
        %add3A_221 = arith.constant 256 : i32
        %add3A_222 = arith.addi %multiple_of3A_137, %add3A_221 : i32
        %multiple_of3A_223 = tpu.assume_multiple %add3A_222, 8 : i32
        %dma_start3A_224 = arith.constant 2 : i32
        %dma_start3A_225 = arith.constant 0 : i32
        %dma_start3A_226 = tpu.memref_slice %arg16[%select_n3A_136, %dma_start3A_224, %dma_start3A_225] : memref<2x8x128xi32, #tpu.memory_space<vmem>> -> memref<1x1x128xi32, #tpu.memory_space<vmem>>
        %dma_start3A_227 = tpu.memref_squeeze %dma_start3A_226 : memref<1x1x128xi32, #tpu.memory_space<vmem>> -> memref<128xi32, #tpu.memory_space<vmem>>
        %dma_start3A_228 = tpu.memref_slice %arg9[%multiple_of3A_223] : memref<1600000xi32, #tpu.memory_space<hbm>> -> memref<128xi32, #tpu.memory_space<hbm>>
        %dma_start3A_229 = arith.constant 0 : i32
        %dma_start3A_230 = tpu.memref_slice %arg16[%select_n3A_136, %dma_start3A_224, %dma_start3A_229] : memref<2x8x128xi32, #tpu.memory_space<vmem>> -> memref<1x1x128xi32, #tpu.memory_space<vmem>>
        %dma_start3A_231 = tpu.memref_squeeze %dma_start3A_230 : memref<1x1x128xi32, #tpu.memory_space<vmem>> -> memref<128xi32, #tpu.memory_space<vmem>>
        %dma_start3A_232 = tpu.memref_slice %arg9[%multiple_of3A_223] : memref<1600000xi32, #tpu.memory_space<hbm>> -> memref<128xi32, #tpu.memory_space<hbm>>
        tpu.enqueue_dma source(%dma_start3A_232 : memref<128xi32, #tpu.memory_space<hbm>>) target(%dma_start3A_231 : memref<128xi32, #tpu.memory_space<vmem>>) target_semaphore(%arg18 : memref<!tpu.dma_semaphore, #tpu.memory_space<semaphore_mem>>)
        %add3A_233 = arith.constant 384 : i32
        %add3A_234 = arith.addi %multiple_of3A_137, %add3A_233 : i32
        %multiple_of3A_235 = tpu.assume_multiple %add3A_234, 8 : i32
        %dma_start3A_236 = arith.constant 3 : i32
        %dma_start3A_237 = arith.constant 0 : i32
        %dma_start3A_238 = tpu.memref_slice %arg16[%select_n3A_136, %dma_start3A_236, %dma_start3A_237] : memref<2x8x128xi32, #tpu.memory_space<vmem>> -> memref<1x1x128xi32, #tpu.memory_space<vmem>>
        %dma_start3A_239 = tpu.memref_squeeze %dma_start3A_238 : memref<1x1x128xi32, #tpu.memory_space<vmem>> -> memref<128xi32, #tpu.memory_space<vmem>>
        %dma_start3A_240 = tpu.memref_slice %arg9[%multiple_of3A_235] : memref<1600000xi32, #tpu.memory_space<hbm>> -> memref<128xi32, #tpu.memory_space<hbm>>
        %dma_start3A_241 = arith.constant 0 : i32
        %dma_start3A_242 = tpu.memref_slice %arg16[%select_n3A_136, %dma_start3A_236, %dma_start3A_241] : memref<2x8x128xi32, #tpu.memory_space<vmem>> -> memref<1x1x128xi32, #tpu.memory_space<vmem>>
        %dma_start3A_243 = tpu.memref_squeeze %dma_start3A_242 : memref<1x1x128xi32, #tpu.memory_space<vmem>> -> memref<128xi32, #tpu.memory_space<vmem>>
        %dma_start3A_244 = tpu.memref_slice %arg9[%multiple_of3A_235] : memref<1600000xi32, #tpu.memory_space<hbm>> -> memref<128xi32, #tpu.memory_space<hbm>>
        tpu.enqueue_dma source(%dma_start3A_244 : memref<128xi32, #tpu.memory_space<hbm>>) target(%dma_start3A_243 : memref<128xi32, #tpu.memory_space<vmem>>) target_semaphore(%arg18 : memref<!tpu.dma_semaphore, #tpu.memory_space<semaphore_mem>>)
        %add3A_245 = arith.constant 512 : i32
        %add3A_246 = arith.addi %multiple_of3A_137, %add3A_245 : i32
        %multiple_of3A_247 = tpu.assume_multiple %add3A_246, 8 : i32
        %dma_start3A_248 = arith.constant 4 : i32
        %dma_start3A_249 = arith.constant 0 : i32
        %dma_start3A_250 = tpu.memref_slice %arg16[%select_n3A_136, %dma_start3A_248, %dma_start3A_249] : memref<2x8x128xi32, #tpu.memory_space<vmem>> -> memref<1x1x128xi32, #tpu.memory_space<vmem>>
        %dma_start3A_251 = tpu.memref_squeeze %dma_start3A_250 : memref<1x1x128xi32, #tpu.memory_space<vmem>> -> memref<128xi32, #tpu.memory_space<vmem>>
        %dma_start3A_252 = tpu.memref_slice %arg9[%multiple_of3A_247] : memref<1600000xi32, #tpu.memory_space<hbm>> -> memref<128xi32, #tpu.memory_space<hbm>>
        %dma_start3A_253 = arith.constant 0 : i32
        %dma_start3A_254 = tpu.memref_slice %arg16[%select_n3A_136, %dma_start3A_248, %dma_start3A_253] : memref<2x8x128xi32, #tpu.memory_space<vmem>> -> memref<1x1x128xi32, #tpu.memory_space<vmem>>
        %dma_start3A_255 = tpu.memref_squeeze %dma_start3A_254 : memref<1x1x128xi32, #tpu.memory_space<vmem>> -> memref<128xi32, #tpu.memory_space<vmem>>
        %dma_start3A_256 = tpu.memref_slice %arg9[%multiple_of3A_247] : memref<1600000xi32, #tpu.memory_space<hbm>> -> memref<128xi32, #tpu.memory_space<hbm>>
        tpu.enqueue_dma source(%dma_start3A_256 : memref<128xi32, #tpu.memory_space<hbm>>) target(%dma_start3A_255 : memref<128xi32, #tpu.memory_space<vmem>>) target_semaphore(%arg18 : memref<!tpu.dma_semaphore, #tpu.memory_space<semaphore_mem>>)
        %add3A_257 = arith.constant 640 : i32
        %add3A_258 = arith.addi %multiple_of3A_137, %add3A_257 : i32
        %multiple_of3A_259 = tpu.assume_multiple %add3A_258, 8 : i32
        %dma_start3A_260 = arith.constant 5 : i32
        %dma_start3A_261 = arith.constant 0 : i32
        %dma_start3A_262 = tpu.memref_slice %arg16[%select_n3A_136, %dma_start3A_260, %dma_start3A_261] : memref<2x8x128xi32, #tpu.memory_space<vmem>> -> memref<1x1x128xi32, #tpu.memory_space<vmem>>
        %dma_start3A_263 = tpu.memref_squeeze %dma_start3A_262 : memref<1x1x128xi32, #tpu.memory_space<vmem>> -> memref<128xi32, #tpu.memory_space<vmem>>
        %dma_start3A_264 = tpu.memref_slice %arg9[%multiple_of3A_259] : memref<1600000xi32, #tpu.memory_space<hbm>> -> memref<128xi32, #tpu.memory_space<hbm>>
        %dma_start3A_265 = arith.constant 0 : i32
        %dma_start3A_266 = tpu.memref_slice %arg16[%select_n3A_136, %dma_start3A_260, %dma_start3A_265] : memref<2x8x128xi32, #tpu.memory_space<vmem>> -> memref<1x1x128xi32, #tpu.memory_space<vmem>>
        %dma_start3A_267 = tpu.memref_squeeze %dma_start3A_266 : memref<1x1x128xi32, #tpu.memory_space<vmem>> -> memref<128xi32, #tpu.memory_space<vmem>>
        %dma_start3A_268 = tpu.memref_slice %arg9[%multiple_of3A_259] : memref<1600000xi32, #tpu.memory_space<hbm>> -> memref<128xi32, #tpu.memory_space<hbm>>
        tpu.enqueue_dma source(%dma_start3A_268 : memref<128xi32, #tpu.memory_space<hbm>>) target(%dma_start3A_267 : memref<128xi32, #tpu.memory_space<vmem>>) target_semaphore(%arg18 : memref<!tpu.dma_semaphore, #tpu.memory_space<semaphore_mem>>)
        %add3A_269 = arith.constant 768 : i32
        %add3A_270 = arith.addi %multiple_of3A_137, %add3A_269 : i32
        %multiple_of3A_271 = tpu.assume_multiple %add3A_270, 8 : i32
        %dma_start3A_272 = arith.constant 6 : i32
        %dma_start3A_273 = arith.constant 0 : i32
        %dma_start3A_274 = tpu.memref_slice %arg16[%select_n3A_136, %dma_start3A_272, %dma_start3A_273] : memref<2x8x128xi32, #tpu.memory_space<vmem>> -> memref<1x1x128xi32, #tpu.memory_space<vmem>>
        %dma_start3A_275 = tpu.memref_squeeze %dma_start3A_274 : memref<1x1x128xi32, #tpu.memory_space<vmem>> -> memref<128xi32, #tpu.memory_space<vmem>>
        %dma_start3A_276 = tpu.memref_slice %arg9[%multiple_of3A_271] : memref<1600000xi32, #tpu.memory_space<hbm>> -> memref<128xi32, #tpu.memory_space<hbm>>
        %dma_start3A_277 = arith.constant 0 : i32
        %dma_start3A_278 = tpu.memref_slice %arg16[%select_n3A_136, %dma_start3A_272, %dma_start3A_277] : memref<2x8x128xi32, #tpu.memory_space<vmem>> -> memref<1x1x128xi32, #tpu.memory_space<vmem>>
        %dma_start3A_279 = tpu.memref_squeeze %dma_start3A_278 : memref<1x1x128xi32, #tpu.memory_space<vmem>> -> memref<128xi32, #tpu.memory_space<vmem>>
        %dma_start3A_280 = tpu.memref_slice %arg9[%multiple_of3A_271] : memref<1600000xi32, #tpu.memory_space<hbm>> -> memref<128xi32, #tpu.memory_space<hbm>>
        tpu.enqueue_dma source(%dma_start3A_280 : memref<128xi32, #tpu.memory_space<hbm>>) target(%dma_start3A_279 : memref<128xi32, #tpu.memory_space<vmem>>) target_semaphore(%arg18 : memref<!tpu.dma_semaphore, #tpu.memory_space<semaphore_mem>>)
        %add3A_281 = arith.constant 896 : i32
        %add3A_282 = arith.addi %multiple_of3A_137, %add3A_281 : i32
        %multiple_of3A_283 = tpu.assume_multiple %add3A_282, 8 : i32
        %dma_start3A_284 = arith.constant 7 : i32
        %dma_start3A_285 = arith.constant 0 : i32
        %dma_start3A_286 = tpu.memref_slice %arg16[%select_n3A_136, %dma_start3A_284, %dma_start3A_285] : memref<2x8x128xi32, #tpu.memory_space<vmem>> -> memref<1x1x128xi32, #tpu.memory_space<vmem>>
        %dma_start3A_287 = tpu.memref_squeeze %dma_start3A_286 : memref<1x1x128xi32, #tpu.memory_space<vmem>> -> memref<128xi32, #tpu.memory_space<vmem>>
        %dma_start3A_288 = tpu.memref_slice %arg9[%multiple_of3A_283] : memref<1600000xi32, #tpu.memory_space<hbm>> -> memref<128xi32, #tpu.memory_space<hbm>>
        %dma_start3A_289 = arith.constant 0 : i32
        %dma_start3A_290 = tpu.memref_slice %arg16[%select_n3A_136, %dma_start3A_284, %dma_start3A_289] : memref<2x8x128xi32, #tpu.memory_space<vmem>> -> memref<1x1x128xi32, #tpu.memory_space<vmem>>
        %dma_start3A_291 = tpu.memref_squeeze %dma_start3A_290 : memref<1x1x128xi32, #tpu.memory_space<vmem>> -> memref<128xi32, #tpu.memory_space<vmem>>
        %dma_start3A_292 = tpu.memref_slice %arg9[%multiple_of3A_283] : memref<1600000xi32, #tpu.memory_space<hbm>> -> memref<128xi32, #tpu.memory_space<hbm>>
        tpu.enqueue_dma source(%dma_start3A_292 : memref<128xi32, #tpu.memory_space<hbm>>) target(%dma_start3A_291 : memref<128xi32, #tpu.memory_space<vmem>>) target_semaphore(%arg18 : memref<!tpu.dma_semaphore, #tpu.memory_space<semaphore_mem>>)
        %gt3A = arith.constant 0 : i32
        %gt3A_293 = arith.cmpi sgt, %scan3A_116, %gt3A : i32
        %convert_element_type3A_294 = arith.extui %gt3A_293 : i1 to i32
        %cond3A_295 = arith.constant 0 : i32
        %cond3A_296 = arith.cmpi ne, %convert_element_type3A_294, %cond3A_295 : i32
        scf.if %cond3A_296 {
          %dma_wait3A_531 = arith.constant 0 : i32
          %dma_wait3A_532 = arith.constant 0 : i32
          %dma_wait3A_533 = arith.constant 0 : i32
          %dma_wait3A_534 = arith.constant 0 : i32
          %dma_wait3A_535 = tpu.memref_slice %arg15[%dma_wait3A_533, %dma_wait3A_534] : memref<1024x16xf32, #tpu.memory_space<vmem>> -> memref<128x16xf32, #tpu.memory_space<vmem>>
          %dma_wait3A_536 = arith.constant 0 : i32
          %dma_wait3A_537 = tpu.memref_slice %arg16[%dma_wait3A_531, %dma_wait3A_532, %dma_wait3A_536] : memref<2x8x128xi32, #tpu.memory_space<vmem>> -> memref<1x1x128xi32, #tpu.memory_space<vmem>>
          %dma_wait3A_538 = tpu.memref_squeeze %dma_wait3A_537 : memref<1x1x128xi32, #tpu.memory_space<vmem>> -> memref<128xi32, #tpu.memory_space<vmem>>
          %dma_wait3A_539 = arith.constant 0 : i32
          %dma_wait3A_540 = arith.constant 0 : i32
          %dma_wait3A_541 = tpu.memref_slice %arg17[%dma_wait3A_539, %dma_wait3A_540] : memref<100096x16xf32, #tpu.memory_space<vmem_shared>> -> memref<100096x16xf32, #tpu.memory_space<vmem_shared>>
          tpu.wait_indirect_dma semaphore(%arg19 : memref<!tpu.dma_semaphore, #tpu.memory_space<semaphore_mem>>) src(%dma_wait3A_535 : memref<128x16xf32, #tpu.memory_space<vmem>>) dst(%dma_wait3A_541 : memref<100096x16xf32, #tpu.memory_space<vmem_shared>>)
          %dma_wait3A_542 = arith.constant 0 : i32
          %dma_wait3A_543 = arith.constant 1 : i32
          %dma_wait3A_544 = arith.constant 128 : i32
          %dma_wait3A_545 = arith.constant 0 : i32
          %dma_wait3A_546 = tpu.memref_slice %arg15[%dma_wait3A_544, %dma_wait3A_545] : memref<1024x16xf32, #tpu.memory_space<vmem>> -> memref<128x16xf32, #tpu.memory_space<vmem>>
          %dma_wait3A_547 = arith.constant 0 : i32
          %dma_wait3A_548 = tpu.memref_slice %arg16[%dma_wait3A_542, %dma_wait3A_543, %dma_wait3A_547] : memref<2x8x128xi32, #tpu.memory_space<vmem>> -> memref<1x1x128xi32, #tpu.memory_space<vmem>>
          %dma_wait3A_549 = tpu.memref_squeeze %dma_wait3A_548 : memref<1x1x128xi32, #tpu.memory_space<vmem>> -> memref<128xi32, #tpu.memory_space<vmem>>
          %dma_wait3A_550 = arith.constant 0 : i32
          %dma_wait3A_551 = arith.constant 0 : i32
          %dma_wait3A_552 = tpu.memref_slice %arg17[%dma_wait3A_550, %dma_wait3A_551] : memref<100096x16xf32, #tpu.memory_space<vmem_shared>> -> memref<100096x16xf32, #tpu.memory_space<vmem_shared>>
          tpu.wait_indirect_dma semaphore(%arg19 : memref<!tpu.dma_semaphore, #tpu.memory_space<semaphore_mem>>) src(%dma_wait3A_546 : memref<128x16xf32, #tpu.memory_space<vmem>>) dst(%dma_wait3A_552 : memref<100096x16xf32, #tpu.memory_space<vmem_shared>>)
          %dma_wait3A_553 = arith.constant 0 : i32
          %dma_wait3A_554 = arith.constant 2 : i32
          %dma_wait3A_555 = arith.constant 256 : i32
          %dma_wait3A_556 = arith.constant 0 : i32
          %dma_wait3A_557 = tpu.memref_slice %arg15[%dma_wait3A_555, %dma_wait3A_556] : memref<1024x16xf32, #tpu.memory_space<vmem>> -> memref<128x16xf32, #tpu.memory_space<vmem>>
          %dma_wait3A_558 = arith.constant 0 : i32
          %dma_wait3A_559 = tpu.memref_slice %arg16[%dma_wait3A_553, %dma_wait3A_554, %dma_wait3A_558] : memref<2x8x128xi32, #tpu.memory_space<vmem>> -> memref<1x1x128xi32, #tpu.memory_space<vmem>>
          %dma_wait3A_560 = tpu.memref_squeeze %dma_wait3A_559 : memref<1x1x128xi32, #tpu.memory_space<vmem>> -> memref<128xi32, #tpu.memory_space<vmem>>
          %dma_wait3A_561 = arith.constant 0 : i32
          %dma_wait3A_562 = arith.constant 0 : i32
          %dma_wait3A_563 = tpu.memref_slice %arg17[%dma_wait3A_561, %dma_wait3A_562] : memref<100096x16xf32, #tpu.memory_space<vmem_shared>> -> memref<100096x16xf32, #tpu.memory_space<vmem_shared>>
          tpu.wait_indirect_dma semaphore(%arg19 : memref<!tpu.dma_semaphore, #tpu.memory_space<semaphore_mem>>) src(%dma_wait3A_557 : memref<128x16xf32, #tpu.memory_space<vmem>>) dst(%dma_wait3A_563 : memref<100096x16xf32, #tpu.memory_space<vmem_shared>>)
          %dma_wait3A_564 = arith.constant 0 : i32
          %dma_wait3A_565 = arith.constant 3 : i32
          %dma_wait3A_566 = arith.constant 384 : i32
          %dma_wait3A_567 = arith.constant 0 : i32
          %dma_wait3A_568 = tpu.memref_slice %arg15[%dma_wait3A_566, %dma_wait3A_567] : memref<1024x16xf32, #tpu.memory_space<vmem>> -> memref<128x16xf32, #tpu.memory_space<vmem>>
          %dma_wait3A_569 = arith.constant 0 : i32
          %dma_wait3A_570 = tpu.memref_slice %arg16[%dma_wait3A_564, %dma_wait3A_565, %dma_wait3A_569] : memref<2x8x128xi32, #tpu.memory_space<vmem>> -> memref<1x1x128xi32, #tpu.memory_space<vmem>>
          %dma_wait3A_571 = tpu.memref_squeeze %dma_wait3A_570 : memref<1x1x128xi32, #tpu.memory_space<vmem>> -> memref<128xi32, #tpu.memory_space<vmem>>
          %dma_wait3A_572 = arith.constant 0 : i32
          %dma_wait3A_573 = arith.constant 0 : i32
          %dma_wait3A_574 = tpu.memref_slice %arg17[%dma_wait3A_572, %dma_wait3A_573] : memref<100096x16xf32, #tpu.memory_space<vmem_shared>> -> memref<100096x16xf32, #tpu.memory_space<vmem_shared>>
          tpu.wait_indirect_dma semaphore(%arg19 : memref<!tpu.dma_semaphore, #tpu.memory_space<semaphore_mem>>) src(%dma_wait3A_568 : memref<128x16xf32, #tpu.memory_space<vmem>>) dst(%dma_wait3A_574 : memref<100096x16xf32, #tpu.memory_space<vmem_shared>>)
          %dma_wait3A_575 = arith.constant 0 : i32
          %dma_wait3A_576 = arith.constant 4 : i32
          %dma_wait3A_577 = arith.constant 512 : i32
          %dma_wait3A_578 = arith.constant 0 : i32
          %dma_wait3A_579 = tpu.memref_slice %arg15[%dma_wait3A_577, %dma_wait3A_578] : memref<1024x16xf32, #tpu.memory_space<vmem>> -> memref<128x16xf32, #tpu.memory_space<vmem>>
          %dma_wait3A_580 = arith.constant 0 : i32
          %dma_wait3A_581 = tpu.memref_slice %arg16[%dma_wait3A_575, %dma_wait3A_576, %dma_wait3A_580] : memref<2x8x128xi32, #tpu.memory_space<vmem>> -> memref<1x1x128xi32, #tpu.memory_space<vmem>>
          %dma_wait3A_582 = tpu.memref_squeeze %dma_wait3A_581 : memref<1x1x128xi32, #tpu.memory_space<vmem>> -> memref<128xi32, #tpu.memory_space<vmem>>
          %dma_wait3A_583 = arith.constant 0 : i32
          %dma_wait3A_584 = arith.constant 0 : i32
          %dma_wait3A_585 = tpu.memref_slice %arg17[%dma_wait3A_583, %dma_wait3A_584] : memref<100096x16xf32, #tpu.memory_space<vmem_shared>> -> memref<100096x16xf32, #tpu.memory_space<vmem_shared>>
          tpu.wait_indirect_dma semaphore(%arg19 : memref<!tpu.dma_semaphore, #tpu.memory_space<semaphore_mem>>) src(%dma_wait3A_579 : memref<128x16xf32, #tpu.memory_space<vmem>>) dst(%dma_wait3A_585 : memref<100096x16xf32, #tpu.memory_space<vmem_shared>>)
          %dma_wait3A_586 = arith.constant 0 : i32
          %dma_wait3A_587 = arith.constant 5 : i32
          %dma_wait3A_588 = arith.constant 640 : i32
          %dma_wait3A_589 = arith.constant 0 : i32
          %dma_wait3A_590 = tpu.memref_slice %arg15[%dma_wait3A_588, %dma_wait3A_589] : memref<1024x16xf32, #tpu.memory_space<vmem>> -> memref<128x16xf32, #tpu.memory_space<vmem>>
          %dma_wait3A_591 = arith.constant 0 : i32
          %dma_wait3A_592 = tpu.memref_slice %arg16[%dma_wait3A_586, %dma_wait3A_587, %dma_wait3A_591] : memref<2x8x128xi32, #tpu.memory_space<vmem>> -> memref<1x1x128xi32, #tpu.memory_space<vmem>>
          %dma_wait3A_593 = tpu.memref_squeeze %dma_wait3A_592 : memref<1x1x128xi32, #tpu.memory_space<vmem>> -> memref<128xi32, #tpu.memory_space<vmem>>
          %dma_wait3A_594 = arith.constant 0 : i32
          %dma_wait3A_595 = arith.constant 0 : i32
          %dma_wait3A_596 = tpu.memref_slice %arg17[%dma_wait3A_594, %dma_wait3A_595] : memref<100096x16xf32, #tpu.memory_space<vmem_shared>> -> memref<100096x16xf32, #tpu.memory_space<vmem_shared>>
          tpu.wait_indirect_dma semaphore(%arg19 : memref<!tpu.dma_semaphore, #tpu.memory_space<semaphore_mem>>) src(%dma_wait3A_590 : memref<128x16xf32, #tpu.memory_space<vmem>>) dst(%dma_wait3A_596 : memref<100096x16xf32, #tpu.memory_space<vmem_shared>>)
          %dma_wait3A_597 = arith.constant 0 : i32
          %dma_wait3A_598 = arith.constant 6 : i32
          %dma_wait3A_599 = arith.constant 768 : i32
          %dma_wait3A_600 = arith.constant 0 : i32
          %dma_wait3A_601 = tpu.memref_slice %arg15[%dma_wait3A_599, %dma_wait3A_600] : memref<1024x16xf32, #tpu.memory_space<vmem>> -> memref<128x16xf32, #tpu.memory_space<vmem>>
          %dma_wait3A_602 = arith.constant 0 : i32
          %dma_wait3A_603 = tpu.memref_slice %arg16[%dma_wait3A_597, %dma_wait3A_598, %dma_wait3A_602] : memref<2x8x128xi32, #tpu.memory_space<vmem>> -> memref<1x1x128xi32, #tpu.memory_space<vmem>>
          %dma_wait3A_604 = tpu.memref_squeeze %dma_wait3A_603 : memref<1x1x128xi32, #tpu.memory_space<vmem>> -> memref<128xi32, #tpu.memory_space<vmem>>
          %dma_wait3A_605 = arith.constant 0 : i32
          %dma_wait3A_606 = arith.constant 0 : i32
          %dma_wait3A_607 = tpu.memref_slice %arg17[%dma_wait3A_605, %dma_wait3A_606] : memref<100096x16xf32, #tpu.memory_space<vmem_shared>> -> memref<100096x16xf32, #tpu.memory_space<vmem_shared>>
          tpu.wait_indirect_dma semaphore(%arg19 : memref<!tpu.dma_semaphore, #tpu.memory_space<semaphore_mem>>) src(%dma_wait3A_601 : memref<128x16xf32, #tpu.memory_space<vmem>>) dst(%dma_wait3A_607 : memref<100096x16xf32, #tpu.memory_space<vmem_shared>>)
          %dma_wait3A_608 = arith.constant 0 : i32
          %dma_wait3A_609 = arith.constant 7 : i32
          %dma_wait3A_610 = arith.constant 896 : i32
          %dma_wait3A_611 = arith.constant 0 : i32
          %dma_wait3A_612 = tpu.memref_slice %arg15[%dma_wait3A_610, %dma_wait3A_611] : memref<1024x16xf32, #tpu.memory_space<vmem>> -> memref<128x16xf32, #tpu.memory_space<vmem>>
          %dma_wait3A_613 = arith.constant 0 : i32
          %dma_wait3A_614 = tpu.memref_slice %arg16[%dma_wait3A_608, %dma_wait3A_609, %dma_wait3A_613] : memref<2x8x128xi32, #tpu.memory_space<vmem>> -> memref<1x1x128xi32, #tpu.memory_space<vmem>>
          %dma_wait3A_615 = tpu.memref_squeeze %dma_wait3A_614 : memref<1x1x128xi32, #tpu.memory_space<vmem>> -> memref<128xi32, #tpu.memory_space<vmem>>
          %dma_wait3A_616 = arith.constant 0 : i32
          %dma_wait3A_617 = arith.constant 0 : i32
          %dma_wait3A_618 = tpu.memref_slice %arg17[%dma_wait3A_616, %dma_wait3A_617] : memref<100096x16xf32, #tpu.memory_space<vmem_shared>> -> memref<100096x16xf32, #tpu.memory_space<vmem_shared>>
          tpu.wait_indirect_dma semaphore(%arg19 : memref<!tpu.dma_semaphore, #tpu.memory_space<semaphore_mem>>) src(%dma_wait3A_612 : memref<128x16xf32, #tpu.memory_space<vmem>>) dst(%dma_wait3A_618 : memref<100096x16xf32, #tpu.memory_space<vmem_shared>>)
        } else {
        }
        %dma_wait3A_297 = arith.constant 0 : i32
        %dma_wait3A_298 = arith.constant 0 : i32
        %dma_wait3A_299 = tpu.memref_slice %arg12[%dma_wait3A_297, %dma_wait3A_298] : memref<3x1024xf32, #tpu.memory_space<vmem>> -> memref<1x1024xf32, #tpu.memory_space<vmem>>
        %dma_wait3A_300 = tpu.memref_squeeze %dma_wait3A_299 : memref<1x1024xf32, #tpu.memory_space<vmem>> -> memref<1024xf32, #tpu.memory_space<vmem>>
        %dma_wait3A_301 = tpu.memref_slice %arg2[%multiple_of3A_137] : memref<1600000xf32, #tpu.memory_space<hbm>> -> memref<1024xf32, #tpu.memory_space<hbm>>
        %dma_wait3A_302 = arith.constant 0 : i32
        %dma_wait3A_303 = tpu.memref_slice %arg12[%dma_wait3A_297, %dma_wait3A_302] : memref<3x1024xf32, #tpu.memory_space<vmem>> -> memref<1x1024xf32, #tpu.memory_space<vmem>>
        %dma_wait3A_304 = tpu.memref_squeeze %dma_wait3A_303 : memref<1x1024xf32, #tpu.memory_space<vmem>> -> memref<1024xf32, #tpu.memory_space<vmem>>
        %dma_wait3A_305 = tpu.memref_slice %arg2[%multiple_of3A_137] : memref<1600000xf32, #tpu.memory_space<hbm>> -> memref<1024xf32, #tpu.memory_space<hbm>>
        tpu.wait_dma2 semaphore(%arg18 : memref<!tpu.dma_semaphore, #tpu.memory_space<semaphore_mem>>) src(%dma_wait3A_305 : memref<1024xf32, #tpu.memory_space<hbm>>) dst(%dma_wait3A_304 : memref<1024xf32, #tpu.memory_space<vmem>>)
        %dma_wait3A_306 = arith.constant 1 : i32
        %dma_wait3A_307 = arith.constant 0 : i32
        %dma_wait3A_308 = tpu.memref_slice %arg12[%dma_wait3A_306, %dma_wait3A_307] : memref<3x1024xf32, #tpu.memory_space<vmem>> -> memref<1x1024xf32, #tpu.memory_space<vmem>>
        %dma_wait3A_309 = tpu.memref_squeeze %dma_wait3A_308 : memref<1x1024xf32, #tpu.memory_space<vmem>> -> memref<1024xf32, #tpu.memory_space<vmem>>
        %dma_wait3A_310 = tpu.memref_slice %arg3[%multiple_of3A_137] : memref<1600000xf32, #tpu.memory_space<hbm>> -> memref<1024xf32, #tpu.memory_space<hbm>>
        %dma_wait3A_311 = arith.constant 0 : i32
        %dma_wait3A_312 = tpu.memref_slice %arg12[%dma_wait3A_306, %dma_wait3A_311] : memref<3x1024xf32, #tpu.memory_space<vmem>> -> memref<1x1024xf32, #tpu.memory_space<vmem>>
        %dma_wait3A_313 = tpu.memref_squeeze %dma_wait3A_312 : memref<1x1024xf32, #tpu.memory_space<vmem>> -> memref<1024xf32, #tpu.memory_space<vmem>>
        %dma_wait3A_314 = tpu.memref_slice %arg3[%multiple_of3A_137] : memref<1600000xf32, #tpu.memory_space<hbm>> -> memref<1024xf32, #tpu.memory_space<hbm>>
        tpu.wait_dma2 semaphore(%arg18 : memref<!tpu.dma_semaphore, #tpu.memory_space<semaphore_mem>>) src(%dma_wait3A_314 : memref<1024xf32, #tpu.memory_space<hbm>>) dst(%dma_wait3A_313 : memref<1024xf32, #tpu.memory_space<vmem>>)
        %dma_wait3A_315 = arith.constant 2 : i32
        %dma_wait3A_316 = arith.constant 0 : i32
        %dma_wait3A_317 = tpu.memref_slice %arg12[%dma_wait3A_315, %dma_wait3A_316] : memref<3x1024xf32, #tpu.memory_space<vmem>> -> memref<1x1024xf32, #tpu.memory_space<vmem>>
        %dma_wait3A_318 = tpu.memref_squeeze %dma_wait3A_317 : memref<1x1024xf32, #tpu.memory_space<vmem>> -> memref<1024xf32, #tpu.memory_space<vmem>>
        %dma_wait3A_319 = tpu.memref_slice %arg4[%multiple_of3A_137] : memref<1600000xf32, #tpu.memory_space<hbm>> -> memref<1024xf32, #tpu.memory_space<hbm>>
        %dma_wait3A_320 = arith.constant 0 : i32
        %dma_wait3A_321 = tpu.memref_slice %arg12[%dma_wait3A_315, %dma_wait3A_320] : memref<3x1024xf32, #tpu.memory_space<vmem>> -> memref<1x1024xf32, #tpu.memory_space<vmem>>
        %dma_wait3A_322 = tpu.memref_squeeze %dma_wait3A_321 : memref<1x1024xf32, #tpu.memory_space<vmem>> -> memref<1024xf32, #tpu.memory_space<vmem>>
        %dma_wait3A_323 = tpu.memref_slice %arg4[%multiple_of3A_137] : memref<1600000xf32, #tpu.memory_space<hbm>> -> memref<1024xf32, #tpu.memory_space<hbm>>
        tpu.wait_dma2 semaphore(%arg18 : memref<!tpu.dma_semaphore, #tpu.memory_space<semaphore_mem>>) src(%dma_wait3A_323 : memref<1024xf32, #tpu.memory_space<hbm>>) dst(%dma_wait3A_322 : memref<1024xf32, #tpu.memory_space<vmem>>)
        %dma_wait3A_324 = arith.constant 0 : i32
        %dma_wait3A_325 = arith.constant 0 : i32
        %dma_wait3A_326 = tpu.memref_slice %arg13[%dma_wait3A_324, %dma_wait3A_325] : memref<3x1024xf32, #tpu.memory_space<vmem>> -> memref<1x1024xf32, #tpu.memory_space<vmem>>
        %dma_wait3A_327 = tpu.memref_squeeze %dma_wait3A_326 : memref<1x1024xf32, #tpu.memory_space<vmem>> -> memref<1024xf32, #tpu.memory_space<vmem>>
        %dma_wait3A_328 = tpu.memref_slice %arg5[%multiple_of3A_137] : memref<1600000xf32, #tpu.memory_space<hbm>> -> memref<1024xf32, #tpu.memory_space<hbm>>
        %dma_wait3A_329 = arith.constant 0 : i32
        %dma_wait3A_330 = tpu.memref_slice %arg13[%dma_wait3A_324, %dma_wait3A_329] : memref<3x1024xf32, #tpu.memory_space<vmem>> -> memref<1x1024xf32, #tpu.memory_space<vmem>>
        %dma_wait3A_331 = tpu.memref_squeeze %dma_wait3A_330 : memref<1x1024xf32, #tpu.memory_space<vmem>> -> memref<1024xf32, #tpu.memory_space<vmem>>
        %dma_wait3A_332 = tpu.memref_slice %arg5[%multiple_of3A_137] : memref<1600000xf32, #tpu.memory_space<hbm>> -> memref<1024xf32, #tpu.memory_space<hbm>>
        tpu.wait_dma2 semaphore(%arg18 : memref<!tpu.dma_semaphore, #tpu.memory_space<semaphore_mem>>) src(%dma_wait3A_332 : memref<1024xf32, #tpu.memory_space<hbm>>) dst(%dma_wait3A_331 : memref<1024xf32, #tpu.memory_space<vmem>>)
        %dma_wait3A_333 = arith.constant 1 : i32
        %dma_wait3A_334 = arith.constant 0 : i32
        %dma_wait3A_335 = tpu.memref_slice %arg13[%dma_wait3A_333, %dma_wait3A_334] : memref<3x1024xf32, #tpu.memory_space<vmem>> -> memref<1x1024xf32, #tpu.memory_space<vmem>>
        %dma_wait3A_336 = tpu.memref_squeeze %dma_wait3A_335 : memref<1x1024xf32, #tpu.memory_space<vmem>> -> memref<1024xf32, #tpu.memory_space<vmem>>
        %dma_wait3A_337 = tpu.memref_slice %arg6[%multiple_of3A_137] : memref<1600000xf32, #tpu.memory_space<hbm>> -> memref<1024xf32, #tpu.memory_space<hbm>>
        %dma_wait3A_338 = arith.constant 0 : i32
        %dma_wait3A_339 = tpu.memref_slice %arg13[%dma_wait3A_333, %dma_wait3A_338] : memref<3x1024xf32, #tpu.memory_space<vmem>> -> memref<1x1024xf32, #tpu.memory_space<vmem>>
        %dma_wait3A_340 = tpu.memref_squeeze %dma_wait3A_339 : memref<1x1024xf32, #tpu.memory_space<vmem>> -> memref<1024xf32, #tpu.memory_space<vmem>>
        %dma_wait3A_341 = tpu.memref_slice %arg6[%multiple_of3A_137] : memref<1600000xf32, #tpu.memory_space<hbm>> -> memref<1024xf32, #tpu.memory_space<hbm>>
        tpu.wait_dma2 semaphore(%arg18 : memref<!tpu.dma_semaphore, #tpu.memory_space<semaphore_mem>>) src(%dma_wait3A_341 : memref<1024xf32, #tpu.memory_space<hbm>>) dst(%dma_wait3A_340 : memref<1024xf32, #tpu.memory_space<vmem>>)
        %dma_wait3A_342 = arith.constant 2 : i32
        %dma_wait3A_343 = arith.constant 0 : i32
        %dma_wait3A_344 = tpu.memref_slice %arg13[%dma_wait3A_342, %dma_wait3A_343] : memref<3x1024xf32, #tpu.memory_space<vmem>> -> memref<1x1024xf32, #tpu.memory_space<vmem>>
        %dma_wait3A_345 = tpu.memref_squeeze %dma_wait3A_344 : memref<1x1024xf32, #tpu.memory_space<vmem>> -> memref<1024xf32, #tpu.memory_space<vmem>>
        %dma_wait3A_346 = tpu.memref_slice %arg7[%multiple_of3A_137] : memref<1600000xf32, #tpu.memory_space<hbm>> -> memref<1024xf32, #tpu.memory_space<hbm>>
        %dma_wait3A_347 = arith.constant 0 : i32
        %dma_wait3A_348 = tpu.memref_slice %arg13[%dma_wait3A_342, %dma_wait3A_347] : memref<3x1024xf32, #tpu.memory_space<vmem>> -> memref<1x1024xf32, #tpu.memory_space<vmem>>
        %dma_wait3A_349 = tpu.memref_squeeze %dma_wait3A_348 : memref<1x1024xf32, #tpu.memory_space<vmem>> -> memref<1024xf32, #tpu.memory_space<vmem>>
        %dma_wait3A_350 = tpu.memref_slice %arg7[%multiple_of3A_137] : memref<1600000xf32, #tpu.memory_space<hbm>> -> memref<1024xf32, #tpu.memory_space<hbm>>
        tpu.wait_dma2 semaphore(%arg18 : memref<!tpu.dma_semaphore, #tpu.memory_space<semaphore_mem>>) src(%dma_wait3A_350 : memref<1024xf32, #tpu.memory_space<hbm>>) dst(%dma_wait3A_349 : memref<1024xf32, #tpu.memory_space<vmem>>)
        %dma_wait3A_351 = arith.constant 0 : i32
        %dma_wait3A_352 = tpu.memref_slice %arg14[%dma_wait3A_351] : memref<1024xf32, #tpu.memory_space<vmem>> -> memref<1024xf32, #tpu.memory_space<vmem>>
        %dma_wait3A_353 = tpu.memref_slice %arg8[%multiple_of3A_137] : memref<1600000xf32, #tpu.memory_space<hbm>> -> memref<1024xf32, #tpu.memory_space<hbm>>
        %dma_wait3A_354 = arith.constant 0 : i32
        %dma_wait3A_355 = tpu.memref_slice %arg14[%dma_wait3A_354] : memref<1024xf32, #tpu.memory_space<vmem>> -> memref<1024xf32, #tpu.memory_space<vmem>>
        %dma_wait3A_356 = tpu.memref_slice %arg8[%multiple_of3A_137] : memref<1600000xf32, #tpu.memory_space<hbm>> -> memref<1024xf32, #tpu.memory_space<hbm>>
        tpu.wait_dma2 semaphore(%arg18 : memref<!tpu.dma_semaphore, #tpu.memory_space<semaphore_mem>>) src(%dma_wait3A_356 : memref<1024xf32, #tpu.memory_space<hbm>>) dst(%dma_wait3A_355 : memref<1024xf32, #tpu.memory_space<vmem>>)
        %dma_wait3A_357 = arith.constant 0 : i32
        %dma_wait3A_358 = arith.constant 0 : i32
        %dma_wait3A_359 = tpu.memref_slice %arg16[%select_n3A_136, %dma_wait3A_357, %dma_wait3A_358] : memref<2x8x128xi32, #tpu.memory_space<vmem>> -> memref<1x1x128xi32, #tpu.memory_space<vmem>>
        %dma_wait3A_360 = tpu.memref_squeeze %dma_wait3A_359 : memref<1x1x128xi32, #tpu.memory_space<vmem>> -> memref<128xi32, #tpu.memory_space<vmem>>
        %dma_wait3A_361 = tpu.memref_slice %arg9[%multiple_of3A_199] : memref<1600000xi32, #tpu.memory_space<hbm>> -> memref<128xi32, #tpu.memory_space<hbm>>
        %dma_wait3A_362 = arith.constant 0 : i32
        %dma_wait3A_363 = tpu.memref_slice %arg16[%select_n3A_136, %dma_wait3A_357, %dma_wait3A_362] : memref<2x8x128xi32, #tpu.memory_space<vmem>> -> memref<1x1x128xi32, #tpu.memory_space<vmem>>
        %dma_wait3A_364 = tpu.memref_squeeze %dma_wait3A_363 : memref<1x1x128xi32, #tpu.memory_space<vmem>> -> memref<128xi32, #tpu.memory_space<vmem>>
        %dma_wait3A_365 = tpu.memref_slice %arg9[%multiple_of3A_199] : memref<1600000xi32, #tpu.memory_space<hbm>> -> memref<128xi32, #tpu.memory_space<hbm>>
        tpu.wait_dma2 semaphore(%arg18 : memref<!tpu.dma_semaphore, #tpu.memory_space<semaphore_mem>>) src(%dma_wait3A_365 : memref<128xi32, #tpu.memory_space<hbm>>) dst(%dma_wait3A_364 : memref<128xi32, #tpu.memory_space<vmem>>)
        %dma_wait3A_366 = arith.constant 1 : i32
        %dma_wait3A_367 = arith.constant 0 : i32
        %dma_wait3A_368 = tpu.memref_slice %arg16[%select_n3A_136, %dma_wait3A_366, %dma_wait3A_367] : memref<2x8x128xi32, #tpu.memory_space<vmem>> -> memref<1x1x128xi32, #tpu.memory_space<vmem>>
        %dma_wait3A_369 = tpu.memref_squeeze %dma_wait3A_368 : memref<1x1x128xi32, #tpu.memory_space<vmem>> -> memref<128xi32, #tpu.memory_space<vmem>>
        %dma_wait3A_370 = tpu.memref_slice %arg9[%multiple_of3A_211] : memref<1600000xi32, #tpu.memory_space<hbm>> -> memref<128xi32, #tpu.memory_space<hbm>>
        %dma_wait3A_371 = arith.constant 0 : i32
        %dma_wait3A_372 = tpu.memref_slice %arg16[%select_n3A_136, %dma_wait3A_366, %dma_wait3A_371] : memref<2x8x128xi32, #tpu.memory_space<vmem>> -> memref<1x1x128xi32, #tpu.memory_space<vmem>>
        %dma_wait3A_373 = tpu.memref_squeeze %dma_wait3A_372 : memref<1x1x128xi32, #tpu.memory_space<vmem>> -> memref<128xi32, #tpu.memory_space<vmem>>
        %dma_wait3A_374 = tpu.memref_slice %arg9[%multiple_of3A_211] : memref<1600000xi32, #tpu.memory_space<hbm>> -> memref<128xi32, #tpu.memory_space<hbm>>
        tpu.wait_dma2 semaphore(%arg18 : memref<!tpu.dma_semaphore, #tpu.memory_space<semaphore_mem>>) src(%dma_wait3A_374 : memref<128xi32, #tpu.memory_space<hbm>>) dst(%dma_wait3A_373 : memref<128xi32, #tpu.memory_space<vmem>>)
        %dma_wait3A_375 = arith.constant 2 : i32
        %dma_wait3A_376 = arith.constant 0 : i32
        %dma_wait3A_377 = tpu.memref_slice %arg16[%select_n3A_136, %dma_wait3A_375, %dma_wait3A_376] : memref<2x8x128xi32, #tpu.memory_space<vmem>> -> memref<1x1x128xi32, #tpu.memory_space<vmem>>
        %dma_wait3A_378 = tpu.memref_squeeze %dma_wait3A_377 : memref<1x1x128xi32, #tpu.memory_space<vmem>> -> memref<128xi32, #tpu.memory_space<vmem>>
        %dma_wait3A_379 = tpu.memref_slice %arg9[%multiple_of3A_223] : memref<1600000xi32, #tpu.memory_space<hbm>> -> memref<128xi32, #tpu.memory_space<hbm>>
        %dma_wait3A_380 = arith.constant 0 : i32
        %dma_wait3A_381 = tpu.memref_slice %arg16[%select_n3A_136, %dma_wait3A_375, %dma_wait3A_380] : memref<2x8x128xi32, #tpu.memory_space<vmem>> -> memref<1x1x128xi32, #tpu.memory_space<vmem>>
        %dma_wait3A_382 = tpu.memref_squeeze %dma_wait3A_381 : memref<1x1x128xi32, #tpu.memory_space<vmem>> -> memref<128xi32, #tpu.memory_space<vmem>>
        %dma_wait3A_383 = tpu.memref_slice %arg9[%multiple_of3A_223] : memref<1600000xi32, #tpu.memory_space<hbm>> -> memref<128xi32, #tpu.memory_space<hbm>>
        tpu.wait_dma2 semaphore(%arg18 : memref<!tpu.dma_semaphore, #tpu.memory_space<semaphore_mem>>) src(%dma_wait3A_383 : memref<128xi32, #tpu.memory_space<hbm>>) dst(%dma_wait3A_382 : memref<128xi32, #tpu.memory_space<vmem>>)
        %dma_wait3A_384 = arith.constant 3 : i32
        %dma_wait3A_385 = arith.constant 0 : i32
        %dma_wait3A_386 = tpu.memref_slice %arg16[%select_n3A_136, %dma_wait3A_384, %dma_wait3A_385] : memref<2x8x128xi32, #tpu.memory_space<vmem>> -> memref<1x1x128xi32, #tpu.memory_space<vmem>>
        %dma_wait3A_387 = tpu.memref_squeeze %dma_wait3A_386 : memref<1x1x128xi32, #tpu.memory_space<vmem>> -> memref<128xi32, #tpu.memory_space<vmem>>
        %dma_wait3A_388 = tpu.memref_slice %arg9[%multiple_of3A_235] : memref<1600000xi32, #tpu.memory_space<hbm>> -> memref<128xi32, #tpu.memory_space<hbm>>
        %dma_wait3A_389 = arith.constant 0 : i32
        %dma_wait3A_390 = tpu.memref_slice %arg16[%select_n3A_136, %dma_wait3A_384, %dma_wait3A_389] : memref<2x8x128xi32, #tpu.memory_space<vmem>> -> memref<1x1x128xi32, #tpu.memory_space<vmem>>
        %dma_wait3A_391 = tpu.memref_squeeze %dma_wait3A_390 : memref<1x1x128xi32, #tpu.memory_space<vmem>> -> memref<128xi32, #tpu.memory_space<vmem>>
        %dma_wait3A_392 = tpu.memref_slice %arg9[%multiple_of3A_235] : memref<1600000xi32, #tpu.memory_space<hbm>> -> memref<128xi32, #tpu.memory_space<hbm>>
        tpu.wait_dma2 semaphore(%arg18 : memref<!tpu.dma_semaphore, #tpu.memory_space<semaphore_mem>>) src(%dma_wait3A_392 : memref<128xi32, #tpu.memory_space<hbm>>) dst(%dma_wait3A_391 : memref<128xi32, #tpu.memory_space<vmem>>)
        %dma_wait3A_393 = arith.constant 4 : i32
        %dma_wait3A_394 = arith.constant 0 : i32
        %dma_wait3A_395 = tpu.memref_slice %arg16[%select_n3A_136, %dma_wait3A_393, %dma_wait3A_394] : memref<2x8x128xi32, #tpu.memory_space<vmem>> -> memref<1x1x128xi32, #tpu.memory_space<vmem>>
        %dma_wait3A_396 = tpu.memref_squeeze %dma_wait3A_395 : memref<1x1x128xi32, #tpu.memory_space<vmem>> -> memref<128xi32, #tpu.memory_space<vmem>>
        %dma_wait3A_397 = tpu.memref_slice %arg9[%multiple_of3A_247] : memref<1600000xi32, #tpu.memory_space<hbm>> -> memref<128xi32, #tpu.memory_space<hbm>>
        %dma_wait3A_398 = arith.constant 0 : i32
        %dma_wait3A_399 = tpu.memref_slice %arg16[%select_n3A_136, %dma_wait3A_393, %dma_wait3A_398] : memref<2x8x128xi32, #tpu.memory_space<vmem>> -> memref<1x1x128xi32, #tpu.memory_space<vmem>>
        %dma_wait3A_400 = tpu.memref_squeeze %dma_wait3A_399 : memref<1x1x128xi32, #tpu.memory_space<vmem>> -> memref<128xi32, #tpu.memory_space<vmem>>
        %dma_wait3A_401 = tpu.memref_slice %arg9[%multiple_of3A_247] : memref<1600000xi32, #tpu.memory_space<hbm>> -> memref<128xi32, #tpu.memory_space<hbm>>
        tpu.wait_dma2 semaphore(%arg18 : memref<!tpu.dma_semaphore, #tpu.memory_space<semaphore_mem>>) src(%dma_wait3A_401 : memref<128xi32, #tpu.memory_space<hbm>>) dst(%dma_wait3A_400 : memref<128xi32, #tpu.memory_space<vmem>>)
        %dma_wait3A_402 = arith.constant 5 : i32
        %dma_wait3A_403 = arith.constant 0 : i32
        %dma_wait3A_404 = tpu.memref_slice %arg16[%select_n3A_136, %dma_wait3A_402, %dma_wait3A_403] : memref<2x8x128xi32, #tpu.memory_space<vmem>> -> memref<1x1x128xi32, #tpu.memory_space<vmem>>
        %dma_wait3A_405 = tpu.memref_squeeze %dma_wait3A_404 : memref<1x1x128xi32, #tpu.memory_space<vmem>> -> memref<128xi32, #tpu.memory_space<vmem>>
        %dma_wait3A_406 = tpu.memref_slice %arg9[%multiple_of3A_259] : memref<1600000xi32, #tpu.memory_space<hbm>> -> memref<128xi32, #tpu.memory_space<hbm>>
        %dma_wait3A_407 = arith.constant 0 : i32
        %dma_wait3A_408 = tpu.memref_slice %arg16[%select_n3A_136, %dma_wait3A_402, %dma_wait3A_407] : memref<2x8x128xi32, #tpu.memory_space<vmem>> -> memref<1x1x128xi32, #tpu.memory_space<vmem>>
        %dma_wait3A_409 = tpu.memref_squeeze %dma_wait3A_408 : memref<1x1x128xi32, #tpu.memory_space<vmem>> -> memref<128xi32, #tpu.memory_space<vmem>>
        %dma_wait3A_410 = tpu.memref_slice %arg9[%multiple_of3A_259] : memref<1600000xi32, #tpu.memory_space<hbm>> -> memref<128xi32, #tpu.memory_space<hbm>>
        tpu.wait_dma2 semaphore(%arg18 : memref<!tpu.dma_semaphore, #tpu.memory_space<semaphore_mem>>) src(%dma_wait3A_410 : memref<128xi32, #tpu.memory_space<hbm>>) dst(%dma_wait3A_409 : memref<128xi32, #tpu.memory_space<vmem>>)
        %dma_wait3A_411 = arith.constant 6 : i32
        %dma_wait3A_412 = arith.constant 0 : i32
        %dma_wait3A_413 = tpu.memref_slice %arg16[%select_n3A_136, %dma_wait3A_411, %dma_wait3A_412] : memref<2x8x128xi32, #tpu.memory_space<vmem>> -> memref<1x1x128xi32, #tpu.memory_space<vmem>>
        %dma_wait3A_414 = tpu.memref_squeeze %dma_wait3A_413 : memref<1x1x128xi32, #tpu.memory_space<vmem>> -> memref<128xi32, #tpu.memory_space<vmem>>
        %dma_wait3A_415 = tpu.memref_slice %arg9[%multiple_of3A_271] : memref<1600000xi32, #tpu.memory_space<hbm>> -> memref<128xi32, #tpu.memory_space<hbm>>
        %dma_wait3A_416 = arith.constant 0 : i32
        %dma_wait3A_417 = tpu.memref_slice %arg16[%select_n3A_136, %dma_wait3A_411, %dma_wait3A_416] : memref<2x8x128xi32, #tpu.memory_space<vmem>> -> memref<1x1x128xi32, #tpu.memory_space<vmem>>
        %dma_wait3A_418 = tpu.memref_squeeze %dma_wait3A_417 : memref<1x1x128xi32, #tpu.memory_space<vmem>> -> memref<128xi32, #tpu.memory_space<vmem>>
        %dma_wait3A_419 = tpu.memref_slice %arg9[%multiple_of3A_271] : memref<1600000xi32, #tpu.memory_space<hbm>> -> memref<128xi32, #tpu.memory_space<hbm>>
        tpu.wait_dma2 semaphore(%arg18 : memref<!tpu.dma_semaphore, #tpu.memory_space<semaphore_mem>>) src(%dma_wait3A_419 : memref<128xi32, #tpu.memory_space<hbm>>) dst(%dma_wait3A_418 : memref<128xi32, #tpu.memory_space<vmem>>)
        %dma_wait3A_420 = arith.constant 7 : i32
        %dma_wait3A_421 = arith.constant 0 : i32
        %dma_wait3A_422 = tpu.memref_slice %arg16[%select_n3A_136, %dma_wait3A_420, %dma_wait3A_421] : memref<2x8x128xi32, #tpu.memory_space<vmem>> -> memref<1x1x128xi32, #tpu.memory_space<vmem>>
        %dma_wait3A_423 = tpu.memref_squeeze %dma_wait3A_422 : memref<1x1x128xi32, #tpu.memory_space<vmem>> -> memref<128xi32, #tpu.memory_space<vmem>>
        %dma_wait3A_424 = tpu.memref_slice %arg9[%multiple_of3A_283] : memref<1600000xi32, #tpu.memory_space<hbm>> -> memref<128xi32, #tpu.memory_space<hbm>>
        %dma_wait3A_425 = arith.constant 0 : i32
        %dma_wait3A_426 = tpu.memref_slice %arg16[%select_n3A_136, %dma_wait3A_420, %dma_wait3A_425] : memref<2x8x128xi32, #tpu.memory_space<vmem>> -> memref<1x1x128xi32, #tpu.memory_space<vmem>>
        %dma_wait3A_427 = tpu.memref_squeeze %dma_wait3A_426 : memref<1x1x128xi32, #tpu.memory_space<vmem>> -> memref<128xi32, #tpu.memory_space<vmem>>
        %dma_wait3A_428 = tpu.memref_slice %arg9[%multiple_of3A_283] : memref<1600000xi32, #tpu.memory_space<hbm>> -> memref<128xi32, #tpu.memory_space<hbm>>
        tpu.wait_dma2 semaphore(%arg18 : memref<!tpu.dma_semaphore, #tpu.memory_space<semaphore_mem>>) src(%dma_wait3A_428 : memref<128xi32, #tpu.memory_space<hbm>>) dst(%dma_wait3A_427 : memref<128xi32, #tpu.memory_space<vmem>>)
        %scan3A_429 = arith.constant 0 : i32
        %scan3A_430 = arith.constant 0 : i32
        %scan3A_431 = arith.constant 16 : i32
        %scan3A_432 = arith.addi %scan3A_430, %scan3A_431 : i32
        %scan3A_433 = arith.constant 1 : i32
        scf.for %scan3A_531 = %scan3A_430 to %scan3A_432 step %scan3A_433  : i32 {
          %mul3A_532 = arith.constant 64 : i32
          %mul3A_533 = arith.muli %scan3A_531, %mul3A_532 : i32
          %add3A_534 = arith.constant 0 : i32
          %add3A_535 = arith.addi %mul3A_533, %add3A_534 : i32
          %add3A_536 = vector.broadcast %add3A_535 : i32 to vector<16xi32>
          %add3A_537 = arith.addi %add3A_536, %iota3A : vector<16xi32>
          %get3A = arith.constant 0 : i32
          %get3A_538 = arith.index_cast %get3A : i32 to index
          %get3A_539 = arith.index_cast %add3A_535 : i32 to index
          %get3A_540 = tpu.vector_load %arg12[%get3A_538, %get3A_539] {strides = array<i32>} : memref<3x1024xf32, #tpu.memory_space<vmem>>, vector<16xf32>,
          %get3A_541 = arith.constant 0 : i32
          %get3A_542 = arith.index_cast %get3A_541 : i32 to index
          %get3A_543 = arith.index_cast %add3A_535 : i32 to index
          %get3A_544 = tpu.vector_load %arg13[%get3A_542, %get3A_543] {strides = array<i32>} : memref<3x1024xf32, #tpu.memory_space<vmem>>, vector<16xf32>,
          %get3A_545 = arith.index_cast %add3A_535 : i32 to index
          %get3A_546 = tpu.vector_load %arg14[%get3A_545] {strides = array<i32>} : memref<1024xf32, #tpu.memory_space<vmem>>, vector<16xf32>,
          %mul3A_547 = arith.mulf %get3A_544, %get3A_546 : vector<16xf32>
          %mul3A_548 = arith.constant 4.80320454 : f32
          %mul3A_549 = vector.broadcast %mul3A_548 : f32 to vector<16xf32>
          %mul3A_550 = arith.mulf %mul3A_547, %mul3A_549 : vector<16xf32>
          %add3A_551 = arith.addf %get3A_540, %mul3A_550 : vector<16xf32>
          tpu.vector_store_idx %arg15[%add3A_537, %add3A_8], %add3A_551 : memref<1024x16xf32, #tpu.memory_space<vmem>>[vector<16xi32>, vector<16xi32>], vector<16xf32>,
          %get3A_552 = arith.constant 1 : i32
          %get3A_553 = arith.index_cast %get3A_552 : i32 to index
          %get3A_554 = arith.index_cast %add3A_535 : i32 to index
          %get3A_555 = tpu.vector_load %arg12[%get3A_553, %get3A_554] {strides = array<i32>} : memref<3x1024xf32, #tpu.memory_space<vmem>>, vector<16xf32>,
          %get3A_556 = arith.constant 1 : i32
          %get3A_557 = arith.index_cast %get3A_556 : i32 to index
          %get3A_558 = arith.index_cast %add3A_535 : i32 to index
          %get3A_559 = tpu.vector_load %arg13[%get3A_557, %get3A_558] {strides = array<i32>} : memref<3x1024xf32, #tpu.memory_space<vmem>>, vector<16xf32>,
          %get3A_560 = arith.index_cast %add3A_535 : i32 to index
          %get3A_561 = tpu.vector_load %arg14[%get3A_560] {strides = array<i32>} : memref<1024xf32, #tpu.memory_space<vmem>>, vector<16xf32>,
          %mul3A_562 = arith.mulf %get3A_559, %get3A_561 : vector<16xf32>
          %mul3A_563 = arith.constant 4.80320454 : f32
          %mul3A_564 = vector.broadcast %mul3A_563 : f32 to vector<16xf32>
          %mul3A_565 = arith.mulf %mul3A_562, %mul3A_564 : vector<16xf32>
          %add3A_566 = arith.addf %get3A_555, %mul3A_565 : vector<16xf32>
          tpu.vector_store_idx %arg15[%add3A_537, %add3A_14], %add3A_566 : memref<1024x16xf32, #tpu.memory_space<vmem>>[vector<16xi32>, vector<16xi32>], vector<16xf32>,
          %get3A_567 = arith.constant 2 : i32
          %get3A_568 = arith.index_cast %get3A_567 : i32 to index
          %get3A_569 = arith.index_cast %add3A_535 : i32 to index
          %get3A_570 = tpu.vector_load %arg12[%get3A_568, %get3A_569] {strides = array<i32>} : memref<3x1024xf32, #tpu.memory_space<vmem>>, vector<16xf32>,
          %get3A_571 = arith.constant 2 : i32
          %get3A_572 = arith.index_cast %get3A_571 : i32 to index
          %get3A_573 = arith.index_cast %add3A_535 : i32 to index
          %get3A_574 = tpu.vector_load %arg13[%get3A_572, %get3A_573] {strides = array<i32>} : memref<3x1024xf32, #tpu.memory_space<vmem>>, vector<16xf32>,
          %get3A_575 = arith.index_cast %add3A_535 : i32 to index
          %get3A_576 = tpu.vector_load %arg14[%get3A_575] {strides = array<i32>} : memref<1024xf32, #tpu.memory_space<vmem>>, vector<16xf32>,
          %mul3A_577 = arith.mulf %get3A_574, %get3A_576 : vector<16xf32>
          %mul3A_578 = arith.constant 4.80320454 : f32
          %mul3A_579 = vector.broadcast %mul3A_578 : f32 to vector<16xf32>
          %mul3A_580 = arith.mulf %mul3A_577, %mul3A_579 : vector<16xf32>
          %add3A_581 = arith.addf %get3A_570, %mul3A_580 : vector<16xf32>
          tpu.vector_store_idx %arg15[%add3A_537, %add3A_20], %add3A_581 : memref<1024x16xf32, #tpu.memory_space<vmem>>[vector<16xi32>, vector<16xi32>], vector<16xf32>,
          %mul3A_582 = arith.constant 64 : i32
          %mul3A_583 = arith.muli %scan3A_531, %mul3A_582 : i32
          %add3A_584 = arith.constant 16 : i32
          %add3A_585 = arith.addi %mul3A_583, %add3A_584 : i32
          %add3A_586 = vector.broadcast %add3A_585 : i32 to vector<16xi32>
          %add3A_587 = arith.addi %add3A_586, %iota3A : vector<16xi32>
          %get3A_588 = arith.constant 0 : i32
          %get3A_589 = arith.index_cast %get3A_588 : i32 to index
          %get3A_590 = arith.index_cast %add3A_585 : i32 to index
          %get3A_591 = tpu.vector_load %arg12[%get3A_589, %get3A_590] {strides = array<i32>} : memref<3x1024xf32, #tpu.memory_space<vmem>>, vector<16xf32>,
          %get3A_592 = arith.constant 0 : i32
          %get3A_593 = arith.index_cast %get3A_592 : i32 to index
          %get3A_594 = arith.index_cast %add3A_585 : i32 to index
          %get3A_595 = tpu.vector_load %arg13[%get3A_593, %get3A_594] {strides = array<i32>} : memref<3x1024xf32, #tpu.memory_space<vmem>>, vector<16xf32>,
          %get3A_596 = arith.index_cast %add3A_585 : i32 to index
          %get3A_597 = tpu.vector_load %arg14[%get3A_596] {strides = array<i32>} : memref<1024xf32, #tpu.memory_space<vmem>>, vector<16xf32>,
          %mul3A_598 = arith.mulf %get3A_595, %get3A_597 : vector<16xf32>
          %mul3A_599 = arith.constant 4.80320454 : f32
          %mul3A_600 = vector.broadcast %mul3A_599 : f32 to vector<16xf32>
          %mul3A_601 = arith.mulf %mul3A_598, %mul3A_600 : vector<16xf32>
          %add3A_602 = arith.addf %get3A_591, %mul3A_601 : vector<16xf32>
          tpu.vector_store_idx %arg15[%add3A_587, %add3A_8], %add3A_602 : memref<1024x16xf32, #tpu.memory_space<vmem>>[vector<16xi32>, vector<16xi32>], vector<16xf32>,
          %get3A_603 = arith.constant 1 : i32
          %get3A_604 = arith.index_cast %get3A_603 : i32 to index
          %get3A_605 = arith.index_cast %add3A_585 : i32 to index
          %get3A_606 = tpu.vector_load %arg12[%get3A_604, %get3A_605] {strides = array<i32>} : memref<3x1024xf32, #tpu.memory_space<vmem>>, vector<16xf32>,
          %get3A_607 = arith.constant 1 : i32
          %get3A_608 = arith.index_cast %get3A_607 : i32 to index
          %get3A_609 = arith.index_cast %add3A_585 : i32 to index
          %get3A_610 = tpu.vector_load %arg13[%get3A_608, %get3A_609] {strides = array<i32>} : memref<3x1024xf32, #tpu.memory_space<vmem>>, vector<16xf32>,
          %get3A_611 = arith.index_cast %add3A_585 : i32 to index
          %get3A_612 = tpu.vector_load %arg14[%get3A_611] {strides = array<i32>} : memref<1024xf32, #tpu.memory_space<vmem>>, vector<16xf32>,
          %mul3A_613 = arith.mulf %get3A_610, %get3A_612 : vector<16xf32>
          %mul3A_614 = arith.constant 4.80320454 : f32
          %mul3A_615 = vector.broadcast %mul3A_614 : f32 to vector<16xf32>
          %mul3A_616 = arith.mulf %mul3A_613, %mul3A_615 : vector<16xf32>
          %add3A_617 = arith.addf %get3A_606, %mul3A_616 : vector<16xf32>
          tpu.vector_store_idx %arg15[%add3A_587, %add3A_14], %add3A_617 : memref<1024x16xf32, #tpu.memory_space<vmem>>[vector<16xi32>, vector<16xi32>], vector<16xf32>,
          %get3A_618 = arith.constant 2 : i32
          %get3A_619 = arith.index_cast %get3A_618 : i32 to index
          %get3A_620 = arith.index_cast %add3A_585 : i32 to index
          %get3A_621 = tpu.vector_load %arg12[%get3A_619, %get3A_620] {strides = array<i32>} : memref<3x1024xf32, #tpu.memory_space<vmem>>, vector<16xf32>,
          %get3A_622 = arith.constant 2 : i32
          %get3A_623 = arith.index_cast %get3A_622 : i32 to index
          %get3A_624 = arith.index_cast %add3A_585 : i32 to index
          %get3A_625 = tpu.vector_load %arg13[%get3A_623, %get3A_624] {strides = array<i32>} : memref<3x1024xf32, #tpu.memory_space<vmem>>, vector<16xf32>,
          %get3A_626 = arith.index_cast %add3A_585 : i32 to index
          %get3A_627 = tpu.vector_load %arg14[%get3A_626] {strides = array<i32>} : memref<1024xf32, #tpu.memory_space<vmem>>, vector<16xf32>,
          %mul3A_628 = arith.mulf %get3A_625, %get3A_627 : vector<16xf32>
          %mul3A_629 = arith.constant 4.80320454 : f32
          %mul3A_630 = vector.broadcast %mul3A_629 : f32 to vector<16xf32>
          %mul3A_631 = arith.mulf %mul3A_628, %mul3A_630 : vector<16xf32>
          %add3A_632 = arith.addf %get3A_621, %mul3A_631 : vector<16xf32>
          tpu.vector_store_idx %arg15[%add3A_587, %add3A_20], %add3A_632 : memref<1024x16xf32, #tpu.memory_space<vmem>>[vector<16xi32>, vector<16xi32>], vector<16xf32>,
          %mul3A_633 = arith.constant 64 : i32
          %mul3A_634 = arith.muli %scan3A_531, %mul3A_633 : i32
          %add3A_635 = arith.constant 32 : i32
          %add3A_636 = arith.addi %mul3A_634, %add3A_635 : i32
          %add3A_637 = vector.broadcast %add3A_636 : i32 to vector<16xi32>
          %add3A_638 = arith.addi %add3A_637, %iota3A : vector<16xi32>
          %get3A_639 = arith.constant 0 : i32
          %get3A_640 = arith.index_cast %get3A_639 : i32 to index
          %get3A_641 = arith.index_cast %add3A_636 : i32 to index
          %get3A_642 = tpu.vector_load %arg12[%get3A_640, %get3A_641] {strides = array<i32>} : memref<3x1024xf32, #tpu.memory_space<vmem>>, vector<16xf32>,
          %get3A_643 = arith.constant 0 : i32
          %get3A_644 = arith.index_cast %get3A_643 : i32 to index
          %get3A_645 = arith.index_cast %add3A_636 : i32 to index
          %get3A_646 = tpu.vector_load %arg13[%get3A_644, %get3A_645] {strides = array<i32>} : memref<3x1024xf32, #tpu.memory_space<vmem>>, vector<16xf32>,
          %get3A_647 = arith.index_cast %add3A_636 : i32 to index
          %get3A_648 = tpu.vector_load %arg14[%get3A_647] {strides = array<i32>} : memref<1024xf32, #tpu.memory_space<vmem>>, vector<16xf32>,
          %mul3A_649 = arith.mulf %get3A_646, %get3A_648 : vector<16xf32>
          %mul3A_650 = arith.constant 4.80320454 : f32
          %mul3A_651 = vector.broadcast %mul3A_650 : f32 to vector<16xf32>
          %mul3A_652 = arith.mulf %mul3A_649, %mul3A_651 : vector<16xf32>
          %add3A_653 = arith.addf %get3A_642, %mul3A_652 : vector<16xf32>
          tpu.vector_store_idx %arg15[%add3A_638, %add3A_8], %add3A_653 : memref<1024x16xf32, #tpu.memory_space<vmem>>[vector<16xi32>, vector<16xi32>], vector<16xf32>,
          %get3A_654 = arith.constant 1 : i32
          %get3A_655 = arith.index_cast %get3A_654 : i32 to index
          %get3A_656 = arith.index_cast %add3A_636 : i32 to index
          %get3A_657 = tpu.vector_load %arg12[%get3A_655, %get3A_656] {strides = array<i32>} : memref<3x1024xf32, #tpu.memory_space<vmem>>, vector<16xf32>,
          %get3A_658 = arith.constant 1 : i32
          %get3A_659 = arith.index_cast %get3A_658 : i32 to index
          %get3A_660 = arith.index_cast %add3A_636 : i32 to index
          %get3A_661 = tpu.vector_load %arg13[%get3A_659, %get3A_660] {strides = array<i32>} : memref<3x1024xf32, #tpu.memory_space<vmem>>, vector<16xf32>,
          %get3A_662 = arith.index_cast %add3A_636 : i32 to index
          %get3A_663 = tpu.vector_load %arg14[%get3A_662] {strides = array<i32>} : memref<1024xf32, #tpu.memory_space<vmem>>, vector<16xf32>,
          %mul3A_664 = arith.mulf %get3A_661, %get3A_663 : vector<16xf32>
          %mul3A_665 = arith.constant 4.80320454 : f32
          %mul3A_666 = vector.broadcast %mul3A_665 : f32 to vector<16xf32>
          %mul3A_667 = arith.mulf %mul3A_664, %mul3A_666 : vector<16xf32>
          %add3A_668 = arith.addf %get3A_657, %mul3A_667 : vector<16xf32>
          tpu.vector_store_idx %arg15[%add3A_638, %add3A_14], %add3A_668 : memref<1024x16xf32, #tpu.memory_space<vmem>>[vector<16xi32>, vector<16xi32>], vector<16xf32>,
          %get3A_669 = arith.constant 2 : i32
          %get3A_670 = arith.index_cast %get3A_669 : i32 to index
          %get3A_671 = arith.index_cast %add3A_636 : i32 to index
          %get3A_672 = tpu.vector_load %arg12[%get3A_670, %get3A_671] {strides = array<i32>} : memref<3x1024xf32, #tpu.memory_space<vmem>>, vector<16xf32>,
          %get3A_673 = arith.constant 2 : i32
          %get3A_674 = arith.index_cast %get3A_673 : i32 to index
          %get3A_675 = arith.index_cast %add3A_636 : i32 to index
          %get3A_676 = tpu.vector_load %arg13[%get3A_674, %get3A_675] {strides = array<i32>} : memref<3x1024xf32, #tpu.memory_space<vmem>>, vector<16xf32>,
          %get3A_677 = arith.index_cast %add3A_636 : i32 to index
          %get3A_678 = tpu.vector_load %arg14[%get3A_677] {strides = array<i32>} : memref<1024xf32, #tpu.memory_space<vmem>>, vector<16xf32>,
          %mul3A_679 = arith.mulf %get3A_676, %get3A_678 : vector<16xf32>
          %mul3A_680 = arith.constant 4.80320454 : f32
          %mul3A_681 = vector.broadcast %mul3A_680 : f32 to vector<16xf32>
          %mul3A_682 = arith.mulf %mul3A_679, %mul3A_681 : vector<16xf32>
          %add3A_683 = arith.addf %get3A_672, %mul3A_682 : vector<16xf32>
          tpu.vector_store_idx %arg15[%add3A_638, %add3A_20], %add3A_683 : memref<1024x16xf32, #tpu.memory_space<vmem>>[vector<16xi32>, vector<16xi32>], vector<16xf32>,
          %mul3A_684 = arith.constant 64 : i32
          %mul3A_685 = arith.muli %scan3A_531, %mul3A_684 : i32
          %add3A_686 = arith.constant 48 : i32
          %add3A_687 = arith.addi %mul3A_685, %add3A_686 : i32
          %add3A_688 = vector.broadcast %add3A_687 : i32 to vector<16xi32>
          %add3A_689 = arith.addi %add3A_688, %iota3A : vector<16xi32>
          %get3A_690 = arith.constant 0 : i32
          %get3A_691 = arith.index_cast %get3A_690 : i32 to index
          %get3A_692 = arith.index_cast %add3A_687 : i32 to index
          %get3A_693 = tpu.vector_load %arg12[%get3A_691, %get3A_692] {strides = array<i32>} : memref<3x1024xf32, #tpu.memory_space<vmem>>, vector<16xf32>,
          %get3A_694 = arith.constant 0 : i32
          %get3A_695 = arith.index_cast %get3A_694 : i32 to index
          %get3A_696 = arith.index_cast %add3A_687 : i32 to index
          %get3A_697 = tpu.vector_load %arg13[%get3A_695, %get3A_696] {strides = array<i32>} : memref<3x1024xf32, #tpu.memory_space<vmem>>, vector<16xf32>,
          %get3A_698 = arith.index_cast %add3A_687 : i32 to index
          %get3A_699 = tpu.vector_load %arg14[%get3A_698] {strides = array<i32>} : memref<1024xf32, #tpu.memory_space<vmem>>, vector<16xf32>,
          %mul3A_700 = arith.mulf %get3A_697, %get3A_699 : vector<16xf32>
          %mul3A_701 = arith.constant 4.80320454 : f32
          %mul3A_702 = vector.broadcast %mul3A_701 : f32 to vector<16xf32>
          %mul3A_703 = arith.mulf %mul3A_700, %mul3A_702 : vector<16xf32>
          %add3A_704 = arith.addf %get3A_693, %mul3A_703 : vector<16xf32>
          tpu.vector_store_idx %arg15[%add3A_689, %add3A_8], %add3A_704 : memref<1024x16xf32, #tpu.memory_space<vmem>>[vector<16xi32>, vector<16xi32>], vector<16xf32>,
          %get3A_705 = arith.constant 1 : i32
          %get3A_706 = arith.index_cast %get3A_705 : i32 to index
          %get3A_707 = arith.index_cast %add3A_687 : i32 to index
          %get3A_708 = tpu.vector_load %arg12[%get3A_706, %get3A_707] {strides = array<i32>} : memref<3x1024xf32, #tpu.memory_space<vmem>>, vector<16xf32>,
          %get3A_709 = arith.constant 1 : i32
          %get3A_710 = arith.index_cast %get3A_709 : i32 to index
          %get3A_711 = arith.index_cast %add3A_687 : i32 to index
          %get3A_712 = tpu.vector_load %arg13[%get3A_710, %get3A_711] {strides = array<i32>} : memref<3x1024xf32, #tpu.memory_space<vmem>>, vector<16xf32>,
          %get3A_713 = arith.index_cast %add3A_687 : i32 to index
          %get3A_714 = tpu.vector_load %arg14[%get3A_713] {strides = array<i32>} : memref<1024xf32, #tpu.memory_space<vmem>>, vector<16xf32>,
          %mul3A_715 = arith.mulf %get3A_712, %get3A_714 : vector<16xf32>
          %mul3A_716 = arith.constant 4.80320454 : f32
          %mul3A_717 = vector.broadcast %mul3A_716 : f32 to vector<16xf32>
          %mul3A_718 = arith.mulf %mul3A_715, %mul3A_717 : vector<16xf32>
          %add3A_719 = arith.addf %get3A_708, %mul3A_718 : vector<16xf32>
          tpu.vector_store_idx %arg15[%add3A_689, %add3A_14], %add3A_719 : memref<1024x16xf32, #tpu.memory_space<vmem>>[vector<16xi32>, vector<16xi32>], vector<16xf32>,
          %get3A_720 = arith.constant 2 : i32
          %get3A_721 = arith.index_cast %get3A_720 : i32 to index
          %get3A_722 = arith.index_cast %add3A_687 : i32 to index
          %get3A_723 = tpu.vector_load %arg12[%get3A_721, %get3A_722] {strides = array<i32>} : memref<3x1024xf32, #tpu.memory_space<vmem>>, vector<16xf32>,
          %get3A_724 = arith.constant 2 : i32
          %get3A_725 = arith.index_cast %get3A_724 : i32 to index
          %get3A_726 = arith.index_cast %add3A_687 : i32 to index
          %get3A_727 = tpu.vector_load %arg13[%get3A_725, %get3A_726] {strides = array<i32>} : memref<3x1024xf32, #tpu.memory_space<vmem>>, vector<16xf32>,
          %get3A_728 = arith.index_cast %add3A_687 : i32 to index
          %get3A_729 = tpu.vector_load %arg14[%get3A_728] {strides = array<i32>} : memref<1024xf32, #tpu.memory_space<vmem>>, vector<16xf32>,
          %mul3A_730 = arith.mulf %get3A_727, %get3A_729 : vector<16xf32>
          %mul3A_731 = arith.constant 4.80320454 : f32
          %mul3A_732 = vector.broadcast %mul3A_731 : f32 to vector<16xf32>
          %mul3A_733 = arith.mulf %mul3A_730, %mul3A_732 : vector<16xf32>
          %add3A_734 = arith.addf %get3A_723, %mul3A_733 : vector<16xf32>
          tpu.vector_store_idx %arg15[%add3A_689, %add3A_20], %add3A_734 : memref<1024x16xf32, #tpu.memory_space<vmem>>[vector<16xi32>, vector<16xi32>], vector<16xf32>,
        }
        %scan3A_434 = arith.constant 16 : i32
        %jit3A_435 = arith.constant 2 : i32
        %eq3A_436 = arith.constant 0 : i32
        %eq3A_437 = arith.cmpi eq, %jit3A_435, %eq3A_436 : i32
        %jit3A_438 = arith.constant 1 : i32
        %select_n3A_439 = arith.select %eq3A_437, %jit3A_438, %jit3A_435 : i32
        %rem3A_440 = arith.remsi %scan3A_116, %select_n3A_439 : i32
        %ne3A_441 = arith.constant 0 : i32
        %ne3A_442 = arith.cmpi ne, %rem3A_440, %ne3A_441 : i32
        %lt3A_443 = arith.constant 0 : i32
        %lt3A_444 = arith.cmpi slt, %rem3A_440, %lt3A_443 : i32
        %lt3A_445 = arith.constant 0 : i32
        %lt3A_446 = arith.cmpi slt, %select_n3A_439, %lt3A_445 : i32
        %ne3A_447 = arith.xori %lt3A_444, %lt3A_446 : i1
        %and3A_448 = arith.andi %ne3A_447, %ne3A_442 : i1
        %add3A_449 = arith.addi %rem3A_440, %select_n3A_439 : i32
        %select_n3A_450 = arith.select %and3A_448, %add3A_449, %rem3A_440 : i32
        %dma_start3A_451 = arith.constant 0 : i32
        %dma_start3A_452 = arith.constant 0 : i32
        %dma_start3A_453 = arith.constant 0 : i32
        %dma_start3A_454 = tpu.memref_slice %arg15[%dma_start3A_452, %dma_start3A_453] : memref<1024x16xf32, #tpu.memory_space<vmem>> -> memref<128x16xf32, #tpu.memory_space<vmem>>
        %dma_start3A_455 = arith.constant 0 : i32
        %dma_start3A_456 = tpu.memref_slice %arg16[%select_n3A_450, %dma_start3A_451, %dma_start3A_455] : memref<2x8x128xi32, #tpu.memory_space<vmem>> -> memref<1x1x128xi32, #tpu.memory_space<vmem>>
        %dma_start3A_457 = tpu.memref_squeeze %dma_start3A_456 : memref<1x1x128xi32, #tpu.memory_space<vmem>> -> memref<128xi32, #tpu.memory_space<vmem>>
        %dma_start3A_458 = arith.constant 0 : i32
        %dma_start3A_459 = arith.constant 0 : i32
        %dma_start3A_460 = tpu.memref_slice %arg17[%dma_start3A_458, %dma_start3A_459] : memref<100096x16xf32, #tpu.memory_space<vmem_shared>> -> memref<100096x16xf32, #tpu.memory_space<vmem_shared>>
        tpu.enqueue_indirect_dma source(%dma_start3A_454 : memref<128x16xf32, #tpu.memory_space<vmem>>) target(%dma_start3A_460 : memref<100096x16xf32, #tpu.memory_space<vmem_shared>>) offsets(%dma_start3A_457 : memref<128xi32, #tpu.memory_space<vmem>>) semaphore(%arg19 : memref<!tpu.dma_semaphore, #tpu.memory_space<semaphore_mem>>) {add = true}
        %dma_start3A_461 = arith.constant 1 : i32
        %dma_start3A_462 = arith.constant 128 : i32
        %dma_start3A_463 = arith.constant 0 : i32
        %dma_start3A_464 = tpu.memref_slice %arg15[%dma_start3A_462, %dma_start3A_463] : memref<1024x16xf32, #tpu.memory_space<vmem>> -> memref<128x16xf32, #tpu.memory_space<vmem>>
        %dma_start3A_465 = arith.constant 0 : i32
        %dma_start3A_466 = tpu.memref_slice %arg16[%select_n3A_450, %dma_start3A_461, %dma_start3A_465] : memref<2x8x128xi32, #tpu.memory_space<vmem>> -> memref<1x1x128xi32, #tpu.memory_space<vmem>>
        %dma_start3A_467 = tpu.memref_squeeze %dma_start3A_466 : memref<1x1x128xi32, #tpu.memory_space<vmem>> -> memref<128xi32, #tpu.memory_space<vmem>>
        %dma_start3A_468 = arith.constant 0 : i32
        %dma_start3A_469 = arith.constant 0 : i32
        %dma_start3A_470 = tpu.memref_slice %arg17[%dma_start3A_468, %dma_start3A_469] : memref<100096x16xf32, #tpu.memory_space<vmem_shared>> -> memref<100096x16xf32, #tpu.memory_space<vmem_shared>>
        tpu.enqueue_indirect_dma source(%dma_start3A_464 : memref<128x16xf32, #tpu.memory_space<vmem>>) target(%dma_start3A_470 : memref<100096x16xf32, #tpu.memory_space<vmem_shared>>) offsets(%dma_start3A_467 : memref<128xi32, #tpu.memory_space<vmem>>) semaphore(%arg19 : memref<!tpu.dma_semaphore, #tpu.memory_space<semaphore_mem>>) {add = true}
        %dma_start3A_471 = arith.constant 2 : i32
        %dma_start3A_472 = arith.constant 256 : i32
        %dma_start3A_473 = arith.constant 0 : i32
        %dma_start3A_474 = tpu.memref_slice %arg15[%dma_start3A_472, %dma_start3A_473] : memref<1024x16xf32, #tpu.memory_space<vmem>> -> memref<128x16xf32, #tpu.memory_space<vmem>>
        %dma_start3A_475 = arith.constant 0 : i32
        %dma_start3A_476 = tpu.memref_slice %arg16[%select_n3A_450, %dma_start3A_471, %dma_start3A_475] : memref<2x8x128xi32, #tpu.memory_space<vmem>> -> memref<1x1x128xi32, #tpu.memory_space<vmem>>
        %dma_start3A_477 = tpu.memref_squeeze %dma_start3A_476 : memref<1x1x128xi32, #tpu.memory_space<vmem>> -> memref<128xi32, #tpu.memory_space<vmem>>
        %dma_start3A_478 = arith.constant 0 : i32
        %dma_start3A_479 = arith.constant 0 : i32
        %dma_start3A_480 = tpu.memref_slice %arg17[%dma_start3A_478, %dma_start3A_479] : memref<100096x16xf32, #tpu.memory_space<vmem_shared>> -> memref<100096x16xf32, #tpu.memory_space<vmem_shared>>
        tpu.enqueue_indirect_dma source(%dma_start3A_474 : memref<128x16xf32, #tpu.memory_space<vmem>>) target(%dma_start3A_480 : memref<100096x16xf32, #tpu.memory_space<vmem_shared>>) offsets(%dma_start3A_477 : memref<128xi32, #tpu.memory_space<vmem>>) semaphore(%arg19 : memref<!tpu.dma_semaphore, #tpu.memory_space<semaphore_mem>>) {add = true}
        %dma_start3A_481 = arith.constant 3 : i32
        %dma_start3A_482 = arith.constant 384 : i32
        %dma_start3A_483 = arith.constant 0 : i32
        %dma_start3A_484 = tpu.memref_slice %arg15[%dma_start3A_482, %dma_start3A_483] : memref<1024x16xf32, #tpu.memory_space<vmem>> -> memref<128x16xf32, #tpu.memory_space<vmem>>
        %dma_start3A_485 = arith.constant 0 : i32
        %dma_start3A_486 = tpu.memref_slice %arg16[%select_n3A_450, %dma_start3A_481, %dma_start3A_485] : memref<2x8x128xi32, #tpu.memory_space<vmem>> -> memref<1x1x128xi32, #tpu.memory_space<vmem>>
        %dma_start3A_487 = tpu.memref_squeeze %dma_start3A_486 : memref<1x1x128xi32, #tpu.memory_space<vmem>> -> memref<128xi32, #tpu.memory_space<vmem>>
        %dma_start3A_488 = arith.constant 0 : i32
        %dma_start3A_489 = arith.constant 0 : i32
        %dma_start3A_490 = tpu.memref_slice %arg17[%dma_start3A_488, %dma_start3A_489] : memref<100096x16xf32, #tpu.memory_space<vmem_shared>> -> memref<100096x16xf32, #tpu.memory_space<vmem_shared>>
        tpu.enqueue_indirect_dma source(%dma_start3A_484 : memref<128x16xf32, #tpu.memory_space<vmem>>) target(%dma_start3A_490 : memref<100096x16xf32, #tpu.memory_space<vmem_shared>>) offsets(%dma_start3A_487 : memref<128xi32, #tpu.memory_space<vmem>>) semaphore(%arg19 : memref<!tpu.dma_semaphore, #tpu.memory_space<semaphore_mem>>) {add = true}
        %dma_start3A_491 = arith.constant 4 : i32
        %dma_start3A_492 = arith.constant 512 : i32
        %dma_start3A_493 = arith.constant 0 : i32
        %dma_start3A_494 = tpu.memref_slice %arg15[%dma_start3A_492, %dma_start3A_493] : memref<1024x16xf32, #tpu.memory_space<vmem>> -> memref<128x16xf32, #tpu.memory_space<vmem>>
        %dma_start3A_495 = arith.constant 0 : i32
        %dma_start3A_496 = tpu.memref_slice %arg16[%select_n3A_450, %dma_start3A_491, %dma_start3A_495] : memref<2x8x128xi32, #tpu.memory_space<vmem>> -> memref<1x1x128xi32, #tpu.memory_space<vmem>>
        %dma_start3A_497 = tpu.memref_squeeze %dma_start3A_496 : memref<1x1x128xi32, #tpu.memory_space<vmem>> -> memref<128xi32, #tpu.memory_space<vmem>>
        %dma_start3A_498 = arith.constant 0 : i32
        %dma_start3A_499 = arith.constant 0 : i32
        %dma_start3A_500 = tpu.memref_slice %arg17[%dma_start3A_498, %dma_start3A_499] : memref<100096x16xf32, #tpu.memory_space<vmem_shared>> -> memref<100096x16xf32, #tpu.memory_space<vmem_shared>>
        tpu.enqueue_indirect_dma source(%dma_start3A_494 : memref<128x16xf32, #tpu.memory_space<vmem>>) target(%dma_start3A_500 : memref<100096x16xf32, #tpu.memory_space<vmem_shared>>) offsets(%dma_start3A_497 : memref<128xi32, #tpu.memory_space<vmem>>) semaphore(%arg19 : memref<!tpu.dma_semaphore, #tpu.memory_space<semaphore_mem>>) {add = true}
        %dma_start3A_501 = arith.constant 5 : i32
        %dma_start3A_502 = arith.constant 640 : i32
        %dma_start3A_503 = arith.constant 0 : i32
        %dma_start3A_504 = tpu.memref_slice %arg15[%dma_start3A_502, %dma_start3A_503] : memref<1024x16xf32, #tpu.memory_space<vmem>> -> memref<128x16xf32, #tpu.memory_space<vmem>>
        %dma_start3A_505 = arith.constant 0 : i32
        %dma_start3A_506 = tpu.memref_slice %arg16[%select_n3A_450, %dma_start3A_501, %dma_start3A_505] : memref<2x8x128xi32, #tpu.memory_space<vmem>> -> memref<1x1x128xi32, #tpu.memory_space<vmem>>
        %dma_start3A_507 = tpu.memref_squeeze %dma_start3A_506 : memref<1x1x128xi32, #tpu.memory_space<vmem>> -> memref<128xi32, #tpu.memory_space<vmem>>
        %dma_start3A_508 = arith.constant 0 : i32
        %dma_start3A_509 = arith.constant 0 : i32
        %dma_start3A_510 = tpu.memref_slice %arg17[%dma_start3A_508, %dma_start3A_509] : memref<100096x16xf32, #tpu.memory_space<vmem_shared>> -> memref<100096x16xf32, #tpu.memory_space<vmem_shared>>
        tpu.enqueue_indirect_dma source(%dma_start3A_504 : memref<128x16xf32, #tpu.memory_space<vmem>>) target(%dma_start3A_510 : memref<100096x16xf32, #tpu.memory_space<vmem_shared>>) offsets(%dma_start3A_507 : memref<128xi32, #tpu.memory_space<vmem>>) semaphore(%arg19 : memref<!tpu.dma_semaphore, #tpu.memory_space<semaphore_mem>>) {add = true}
        %dma_start3A_511 = arith.constant 6 : i32
        %dma_start3A_512 = arith.constant 768 : i32
        %dma_start3A_513 = arith.constant 0 : i32
        %dma_start3A_514 = tpu.memref_slice %arg15[%dma_start3A_512, %dma_start3A_513] : memref<1024x16xf32, #tpu.memory_space<vmem>> -> memref<128x16xf32, #tpu.memory_space<vmem>>
        %dma_start3A_515 = arith.constant 0 : i32
        %dma_start3A_516 = tpu.memref_slice %arg16[%select_n3A_450, %dma_start3A_511, %dma_start3A_515] : memref<2x8x128xi32, #tpu.memory_space<vmem>> -> memref<1x1x128xi32, #tpu.memory_space<vmem>>
        %dma_start3A_517 = tpu.memref_squeeze %dma_start3A_516 : memref<1x1x128xi32, #tpu.memory_space<vmem>> -> memref<128xi32, #tpu.memory_space<vmem>>
        %dma_start3A_518 = arith.constant 0 : i32
        %dma_start3A_519 = arith.constant 0 : i32
        %dma_start3A_520 = tpu.memref_slice %arg17[%dma_start3A_518, %dma_start3A_519] : memref<100096x16xf32, #tpu.memory_space<vmem_shared>> -> memref<100096x16xf32, #tpu.memory_space<vmem_shared>>
        tpu.enqueue_indirect_dma source(%dma_start3A_514 : memref<128x16xf32, #tpu.memory_space<vmem>>) target(%dma_start3A_520 : memref<100096x16xf32, #tpu.memory_space<vmem_shared>>) offsets(%dma_start3A_517 : memref<128xi32, #tpu.memory_space<vmem>>) semaphore(%arg19 : memref<!tpu.dma_semaphore, #tpu.memory_space<semaphore_mem>>) {add = true}
        %dma_start3A_521 = arith.constant 7 : i32
        %dma_start3A_522 = arith.constant 896 : i32
        %dma_start3A_523 = arith.constant 0 : i32
        %dma_start3A_524 = tpu.memref_slice %arg15[%dma_start3A_522, %dma_start3A_523] : memref<1024x16xf32, #tpu.memory_space<vmem>> -> memref<128x16xf32, #tpu.memory_space<vmem>>
        %dma_start3A_525 = arith.constant 0 : i32
        %dma_start3A_526 = tpu.memref_slice %arg16[%select_n3A_450, %dma_start3A_521, %dma_start3A_525] : memref<2x8x128xi32, #tpu.memory_space<vmem>> -> memref<1x1x128xi32, #tpu.memory_space<vmem>>
        %dma_start3A_527 = tpu.memref_squeeze %dma_start3A_526 : memref<1x1x128xi32, #tpu.memory_space<vmem>> -> memref<128xi32, #tpu.memory_space<vmem>>
        %dma_start3A_528 = arith.constant 0 : i32
        %dma_start3A_529 = arith.constant 0 : i32
        %dma_start3A_530 = tpu.memref_slice %arg17[%dma_start3A_528, %dma_start3A_529] : memref<100096x16xf32, #tpu.memory_space<vmem_shared>> -> memref<100096x16xf32, #tpu.memory_space<vmem_shared>>
        tpu.enqueue_indirect_dma source(%dma_start3A_524 : memref<128x16xf32, #tpu.memory_space<vmem>>) target(%dma_start3A_530 : memref<100096x16xf32, #tpu.memory_space<vmem_shared>>) offsets(%dma_start3A_527 : memref<128xi32, #tpu.memory_space<vmem>>) semaphore(%arg19 : memref<!tpu.dma_semaphore, #tpu.memory_space<semaphore_mem>>) {add = true}
      } else {
      }
    }
    %scan3A_25 = arith.constant 49 : i32
    %dma_wait3A = arith.constant 0 : i32
    %dma_wait3A_26 = arith.constant 0 : i32
    %dma_wait3A_27 = arith.constant 0 : i32
    %dma_wait3A_28 = arith.constant 0 : i32
    %dma_wait3A_29 = tpu.memref_slice %arg15[%dma_wait3A_27, %dma_wait3A_28] : memref<1024x16xf32, #tpu.memory_space<vmem>> -> memref<128x16xf32, #tpu.memory_space<vmem>>
    %dma_wait3A_30 = arith.constant 0 : i32
    %dma_wait3A_31 = tpu.memref_slice %arg16[%dma_wait3A, %dma_wait3A_26, %dma_wait3A_30] : memref<2x8x128xi32, #tpu.memory_space<vmem>> -> memref<1x1x128xi32, #tpu.memory_space<vmem>>
    %dma_wait3A_32 = tpu.memref_squeeze %dma_wait3A_31 : memref<1x1x128xi32, #tpu.memory_space<vmem>> -> memref<128xi32, #tpu.memory_space<vmem>>
    %dma_wait3A_33 = arith.constant 0 : i32
    %dma_wait3A_34 = arith.constant 0 : i32
    %dma_wait3A_35 = tpu.memref_slice %arg17[%dma_wait3A_33, %dma_wait3A_34] : memref<100096x16xf32, #tpu.memory_space<vmem_shared>> -> memref<100096x16xf32, #tpu.memory_space<vmem_shared>>
    tpu.wait_indirect_dma semaphore(%arg19 : memref<!tpu.dma_semaphore, #tpu.memory_space<semaphore_mem>>) src(%dma_wait3A_29 : memref<128x16xf32, #tpu.memory_space<vmem>>) dst(%dma_wait3A_35 : memref<100096x16xf32, #tpu.memory_space<vmem_shared>>)
    %dma_wait3A_36 = arith.constant 0 : i32
    %dma_wait3A_37 = arith.constant 1 : i32
    %dma_wait3A_38 = arith.constant 128 : i32
    %dma_wait3A_39 = arith.constant 0 : i32
    %dma_wait3A_40 = tpu.memref_slice %arg15[%dma_wait3A_38, %dma_wait3A_39] : memref<1024x16xf32, #tpu.memory_space<vmem>> -> memref<128x16xf32, #tpu.memory_space<vmem>>
    %dma_wait3A_41 = arith.constant 0 : i32
    %dma_wait3A_42 = tpu.memref_slice %arg16[%dma_wait3A_36, %dma_wait3A_37, %dma_wait3A_41] : memref<2x8x128xi32, #tpu.memory_space<vmem>> -> memref<1x1x128xi32, #tpu.memory_space<vmem>>
    %dma_wait3A_43 = tpu.memref_squeeze %dma_wait3A_42 : memref<1x1x128xi32, #tpu.memory_space<vmem>> -> memref<128xi32, #tpu.memory_space<vmem>>
    %dma_wait3A_44 = arith.constant 0 : i32
    %dma_wait3A_45 = arith.constant 0 : i32
    %dma_wait3A_46 = tpu.memref_slice %arg17[%dma_wait3A_44, %dma_wait3A_45] : memref<100096x16xf32, #tpu.memory_space<vmem_shared>> -> memref<100096x16xf32, #tpu.memory_space<vmem_shared>>
    tpu.wait_indirect_dma semaphore(%arg19 : memref<!tpu.dma_semaphore, #tpu.memory_space<semaphore_mem>>) src(%dma_wait3A_40 : memref<128x16xf32, #tpu.memory_space<vmem>>) dst(%dma_wait3A_46 : memref<100096x16xf32, #tpu.memory_space<vmem_shared>>)
    %dma_wait3A_47 = arith.constant 0 : i32
    %dma_wait3A_48 = arith.constant 2 : i32
    %dma_wait3A_49 = arith.constant 256 : i32
    %dma_wait3A_50 = arith.constant 0 : i32
    %dma_wait3A_51 = tpu.memref_slice %arg15[%dma_wait3A_49, %dma_wait3A_50] : memref<1024x16xf32, #tpu.memory_space<vmem>> -> memref<128x16xf32, #tpu.memory_space<vmem>>
    %dma_wait3A_52 = arith.constant 0 : i32
    %dma_wait3A_53 = tpu.memref_slice %arg16[%dma_wait3A_47, %dma_wait3A_48, %dma_wait3A_52] : memref<2x8x128xi32, #tpu.memory_space<vmem>> -> memref<1x1x128xi32, #tpu.memory_space<vmem>>
    %dma_wait3A_54 = tpu.memref_squeeze %dma_wait3A_53 : memref<1x1x128xi32, #tpu.memory_space<vmem>> -> memref<128xi32, #tpu.memory_space<vmem>>
    %dma_wait3A_55 = arith.constant 0 : i32
    %dma_wait3A_56 = arith.constant 0 : i32
    %dma_wait3A_57 = tpu.memref_slice %arg17[%dma_wait3A_55, %dma_wait3A_56] : memref<100096x16xf32, #tpu.memory_space<vmem_shared>> -> memref<100096x16xf32, #tpu.memory_space<vmem_shared>>
    tpu.wait_indirect_dma semaphore(%arg19 : memref<!tpu.dma_semaphore, #tpu.memory_space<semaphore_mem>>) src(%dma_wait3A_51 : memref<128x16xf32, #tpu.memory_space<vmem>>) dst(%dma_wait3A_57 : memref<100096x16xf32, #tpu.memory_space<vmem_shared>>)
    %dma_wait3A_58 = arith.constant 0 : i32
    %dma_wait3A_59 = arith.constant 3 : i32
    %dma_wait3A_60 = arith.constant 384 : i32
    %dma_wait3A_61 = arith.constant 0 : i32
    %dma_wait3A_62 = tpu.memref_slice %arg15[%dma_wait3A_60, %dma_wait3A_61] : memref<1024x16xf32, #tpu.memory_space<vmem>> -> memref<128x16xf32, #tpu.memory_space<vmem>>
    %dma_wait3A_63 = arith.constant 0 : i32
    %dma_wait3A_64 = tpu.memref_slice %arg16[%dma_wait3A_58, %dma_wait3A_59, %dma_wait3A_63] : memref<2x8x128xi32, #tpu.memory_space<vmem>> -> memref<1x1x128xi32, #tpu.memory_space<vmem>>
    %dma_wait3A_65 = tpu.memref_squeeze %dma_wait3A_64 : memref<1x1x128xi32, #tpu.memory_space<vmem>> -> memref<128xi32, #tpu.memory_space<vmem>>
    %dma_wait3A_66 = arith.constant 0 : i32
    %dma_wait3A_67 = arith.constant 0 : i32
    %dma_wait3A_68 = tpu.memref_slice %arg17[%dma_wait3A_66, %dma_wait3A_67] : memref<100096x16xf32, #tpu.memory_space<vmem_shared>> -> memref<100096x16xf32, #tpu.memory_space<vmem_shared>>
    tpu.wait_indirect_dma semaphore(%arg19 : memref<!tpu.dma_semaphore, #tpu.memory_space<semaphore_mem>>) src(%dma_wait3A_62 : memref<128x16xf32, #tpu.memory_space<vmem>>) dst(%dma_wait3A_68 : memref<100096x16xf32, #tpu.memory_space<vmem_shared>>)
    %dma_wait3A_69 = arith.constant 0 : i32
    %dma_wait3A_70 = arith.constant 4 : i32
    %dma_wait3A_71 = arith.constant 512 : i32
    %dma_wait3A_72 = arith.constant 0 : i32
    %dma_wait3A_73 = tpu.memref_slice %arg15[%dma_wait3A_71, %dma_wait3A_72] : memref<1024x16xf32, #tpu.memory_space<vmem>> -> memref<128x16xf32, #tpu.memory_space<vmem>>
    %dma_wait3A_74 = arith.constant 0 : i32
    %dma_wait3A_75 = tpu.memref_slice %arg16[%dma_wait3A_69, %dma_wait3A_70, %dma_wait3A_74] : memref<2x8x128xi32, #tpu.memory_space<vmem>> -> memref<1x1x128xi32, #tpu.memory_space<vmem>>
    %dma_wait3A_76 = tpu.memref_squeeze %dma_wait3A_75 : memref<1x1x128xi32, #tpu.memory_space<vmem>> -> memref<128xi32, #tpu.memory_space<vmem>>
    %dma_wait3A_77 = arith.constant 0 : i32
    %dma_wait3A_78 = arith.constant 0 : i32
    %dma_wait3A_79 = tpu.memref_slice %arg17[%dma_wait3A_77, %dma_wait3A_78] : memref<100096x16xf32, #tpu.memory_space<vmem_shared>> -> memref<100096x16xf32, #tpu.memory_space<vmem_shared>>
    tpu.wait_indirect_dma semaphore(%arg19 : memref<!tpu.dma_semaphore, #tpu.memory_space<semaphore_mem>>) src(%dma_wait3A_73 : memref<128x16xf32, #tpu.memory_space<vmem>>) dst(%dma_wait3A_79 : memref<100096x16xf32, #tpu.memory_space<vmem_shared>>)
    %dma_wait3A_80 = arith.constant 0 : i32
    %dma_wait3A_81 = arith.constant 5 : i32
    %dma_wait3A_82 = arith.constant 640 : i32
    %dma_wait3A_83 = arith.constant 0 : i32
    %dma_wait3A_84 = tpu.memref_slice %arg15[%dma_wait3A_82, %dma_wait3A_83] : memref<1024x16xf32, #tpu.memory_space<vmem>> -> memref<128x16xf32, #tpu.memory_space<vmem>>
    %dma_wait3A_85 = arith.constant 0 : i32
    %dma_wait3A_86 = tpu.memref_slice %arg16[%dma_wait3A_80, %dma_wait3A_81, %dma_wait3A_85] : memref<2x8x128xi32, #tpu.memory_space<vmem>> -> memref<1x1x128xi32, #tpu.memory_space<vmem>>
    %dma_wait3A_87 = tpu.memref_squeeze %dma_wait3A_86 : memref<1x1x128xi32, #tpu.memory_space<vmem>> -> memref<128xi32, #tpu.memory_space<vmem>>
    %dma_wait3A_88 = arith.constant 0 : i32
    %dma_wait3A_89 = arith.constant 0 : i32
    %dma_wait3A_90 = tpu.memref_slice %arg17[%dma_wait3A_88, %dma_wait3A_89] : memref<100096x16xf32, #tpu.memory_space<vmem_shared>> -> memref<100096x16xf32, #tpu.memory_space<vmem_shared>>
    tpu.wait_indirect_dma semaphore(%arg19 : memref<!tpu.dma_semaphore, #tpu.memory_space<semaphore_mem>>) src(%dma_wait3A_84 : memref<128x16xf32, #tpu.memory_space<vmem>>) dst(%dma_wait3A_90 : memref<100096x16xf32, #tpu.memory_space<vmem_shared>>)
    %dma_wait3A_91 = arith.constant 0 : i32
    %dma_wait3A_92 = arith.constant 6 : i32
    %dma_wait3A_93 = arith.constant 768 : i32
    %dma_wait3A_94 = arith.constant 0 : i32
    %dma_wait3A_95 = tpu.memref_slice %arg15[%dma_wait3A_93, %dma_wait3A_94] : memref<1024x16xf32, #tpu.memory_space<vmem>> -> memref<128x16xf32, #tpu.memory_space<vmem>>
    %dma_wait3A_96 = arith.constant 0 : i32
    %dma_wait3A_97 = tpu.memref_slice %arg16[%dma_wait3A_91, %dma_wait3A_92, %dma_wait3A_96] : memref<2x8x128xi32, #tpu.memory_space<vmem>> -> memref<1x1x128xi32, #tpu.memory_space<vmem>>
    %dma_wait3A_98 = tpu.memref_squeeze %dma_wait3A_97 : memref<1x1x128xi32, #tpu.memory_space<vmem>> -> memref<128xi32, #tpu.memory_space<vmem>>
    %dma_wait3A_99 = arith.constant 0 : i32
    %dma_wait3A_100 = arith.constant 0 : i32
    %dma_wait3A_101 = tpu.memref_slice %arg17[%dma_wait3A_99, %dma_wait3A_100] : memref<100096x16xf32, #tpu.memory_space<vmem_shared>> -> memref<100096x16xf32, #tpu.memory_space<vmem_shared>>
    tpu.wait_indirect_dma semaphore(%arg19 : memref<!tpu.dma_semaphore, #tpu.memory_space<semaphore_mem>>) src(%dma_wait3A_95 : memref<128x16xf32, #tpu.memory_space<vmem>>) dst(%dma_wait3A_101 : memref<100096x16xf32, #tpu.memory_space<vmem_shared>>)
    %dma_wait3A_102 = arith.constant 0 : i32
    %dma_wait3A_103 = arith.constant 7 : i32
    %dma_wait3A_104 = arith.constant 896 : i32
    %dma_wait3A_105 = arith.constant 0 : i32
    %dma_wait3A_106 = tpu.memref_slice %arg15[%dma_wait3A_104, %dma_wait3A_105] : memref<1024x16xf32, #tpu.memory_space<vmem>> -> memref<128x16xf32, #tpu.memory_space<vmem>>
    %dma_wait3A_107 = arith.constant 0 : i32
    %dma_wait3A_108 = tpu.memref_slice %arg16[%dma_wait3A_102, %dma_wait3A_103, %dma_wait3A_107] : memref<2x8x128xi32, #tpu.memory_space<vmem>> -> memref<1x1x128xi32, #tpu.memory_space<vmem>>
    %dma_wait3A_109 = tpu.memref_squeeze %dma_wait3A_108 : memref<1x1x128xi32, #tpu.memory_space<vmem>> -> memref<128xi32, #tpu.memory_space<vmem>>
    %dma_wait3A_110 = arith.constant 0 : i32
    %dma_wait3A_111 = arith.constant 0 : i32
    %dma_wait3A_112 = tpu.memref_slice %arg17[%dma_wait3A_110, %dma_wait3A_111] : memref<100096x16xf32, #tpu.memory_space<vmem_shared>> -> memref<100096x16xf32, #tpu.memory_space<vmem_shared>>
    tpu.wait_indirect_dma semaphore(%arg19 : memref<!tpu.dma_semaphore, #tpu.memory_space<semaphore_mem>>) src(%dma_wait3A_106 : memref<128x16xf32, #tpu.memory_space<vmem>>) dst(%dma_wait3A_112 : memref<100096x16xf32, #tpu.memory_space<vmem_shared>>)
    %eq3A = arith.constant 31 : i32
    %eq3A_113 = arith.cmpi eq, %add3A, %eq3A : i32
    %convert_element_type3A = arith.extui %eq3A_113 : i1 to i32
    %cond3A = arith.constant 0 : i32
    %cond3A_114 = arith.cmpi ne, %convert_element_type3A, %cond3A : i32
    scf.if %cond3A_114 {
      %multiple_of3A_116 = arith.constant 1599488 : i32
      %multiple_of3A_117 = tpu.assume_multiple %multiple_of3A_116, 128 : i32
      %dma_start3A = arith.constant 0 : i32
      %dma_start3A_118 = arith.constant 0 : i32
      %dma_start3A_119 = tpu.memref_slice %arg12[%dma_start3A, %dma_start3A_118] : memref<3x1024xf32, #tpu.memory_space<vmem>> -> memref<1x512xf32, #tpu.memory_space<vmem>>
      %dma_start3A_120 = tpu.memref_squeeze %dma_start3A_119 : memref<1x512xf32, #tpu.memory_space<vmem>> -> memref<512xf32, #tpu.memory_space<vmem>>
      %dma_start3A_121 = tpu.memref_slice %arg2[%multiple_of3A_117] : memref<1600000xf32, #tpu.memory_space<hbm>> -> memref<512xf32, #tpu.memory_space<hbm>>
      %dma_start3A_122 = arith.constant 0 : i32
      %dma_start3A_123 = tpu.memref_slice %arg12[%dma_start3A, %dma_start3A_122] : memref<3x1024xf32, #tpu.memory_space<vmem>> -> memref<1x512xf32, #tpu.memory_space<vmem>>
      %dma_start3A_124 = tpu.memref_squeeze %dma_start3A_123 : memref<1x512xf32, #tpu.memory_space<vmem>> -> memref<512xf32, #tpu.memory_space<vmem>>
      %dma_start3A_125 = tpu.memref_slice %arg2[%multiple_of3A_117] : memref<1600000xf32, #tpu.memory_space<hbm>> -> memref<512xf32, #tpu.memory_space<hbm>>
      tpu.enqueue_dma source(%dma_start3A_125 : memref<512xf32, #tpu.memory_space<hbm>>) target(%dma_start3A_124 : memref<512xf32, #tpu.memory_space<vmem>>) target_semaphore(%arg18 : memref<!tpu.dma_semaphore, #tpu.memory_space<semaphore_mem>>)
      %dma_start3A_126 = arith.constant 1 : i32
      %dma_start3A_127 = arith.constant 0 : i32
      %dma_start3A_128 = tpu.memref_slice %arg12[%dma_start3A_126, %dma_start3A_127] : memref<3x1024xf32, #tpu.memory_space<vmem>> -> memref<1x512xf32, #tpu.memory_space<vmem>>
      %dma_start3A_129 = tpu.memref_squeeze %dma_start3A_128 : memref<1x512xf32, #tpu.memory_space<vmem>> -> memref<512xf32, #tpu.memory_space<vmem>>
      %dma_start3A_130 = tpu.memref_slice %arg3[%multiple_of3A_117] : memref<1600000xf32, #tpu.memory_space<hbm>> -> memref<512xf32, #tpu.memory_space<hbm>>
      %dma_start3A_131 = arith.constant 0 : i32
      %dma_start3A_132 = tpu.memref_slice %arg12[%dma_start3A_126, %dma_start3A_131] : memref<3x1024xf32, #tpu.memory_space<vmem>> -> memref<1x512xf32, #tpu.memory_space<vmem>>
      %dma_start3A_133 = tpu.memref_squeeze %dma_start3A_132 : memref<1x512xf32, #tpu.memory_space<vmem>> -> memref<512xf32, #tpu.memory_space<vmem>>
      %dma_start3A_134 = tpu.memref_slice %arg3[%multiple_of3A_117] : memref<1600000xf32, #tpu.memory_space<hbm>> -> memref<512xf32, #tpu.memory_space<hbm>>
      tpu.enqueue_dma source(%dma_start3A_134 : memref<512xf32, #tpu.memory_space<hbm>>) target(%dma_start3A_133 : memref<512xf32, #tpu.memory_space<vmem>>) target_semaphore(%arg18 : memref<!tpu.dma_semaphore, #tpu.memory_space<semaphore_mem>>)
      %dma_start3A_135 = arith.constant 2 : i32
      %dma_start3A_136 = arith.constant 0 : i32
      %dma_start3A_137 = tpu.memref_slice %arg12[%dma_start3A_135, %dma_start3A_136] : memref<3x1024xf32, #tpu.memory_space<vmem>> -> memref<1x512xf32, #tpu.memory_space<vmem>>
      %dma_start3A_138 = tpu.memref_squeeze %dma_start3A_137 : memref<1x512xf32, #tpu.memory_space<vmem>> -> memref<512xf32, #tpu.memory_space<vmem>>
      %dma_start3A_139 = tpu.memref_slice %arg4[%multiple_of3A_117] : memref<1600000xf32, #tpu.memory_space<hbm>> -> memref<512xf32, #tpu.memory_space<hbm>>
      %dma_start3A_140 = arith.constant 0 : i32
      %dma_start3A_141 = tpu.memref_slice %arg12[%dma_start3A_135, %dma_start3A_140] : memref<3x1024xf32, #tpu.memory_space<vmem>> -> memref<1x512xf32, #tpu.memory_space<vmem>>
      %dma_start3A_142 = tpu.memref_squeeze %dma_start3A_141 : memref<1x512xf32, #tpu.memory_space<vmem>> -> memref<512xf32, #tpu.memory_space<vmem>>
      %dma_start3A_143 = tpu.memref_slice %arg4[%multiple_of3A_117] : memref<1600000xf32, #tpu.memory_space<hbm>> -> memref<512xf32, #tpu.memory_space<hbm>>
      tpu.enqueue_dma source(%dma_start3A_143 : memref<512xf32, #tpu.memory_space<hbm>>) target(%dma_start3A_142 : memref<512xf32, #tpu.memory_space<vmem>>) target_semaphore(%arg18 : memref<!tpu.dma_semaphore, #tpu.memory_space<semaphore_mem>>)
      %dma_start3A_144 = arith.constant 0 : i32
      %dma_start3A_145 = arith.constant 0 : i32
      %dma_start3A_146 = tpu.memref_slice %arg13[%dma_start3A_144, %dma_start3A_145] : memref<3x1024xf32, #tpu.memory_space<vmem>> -> memref<1x512xf32, #tpu.memory_space<vmem>>
      %dma_start3A_147 = tpu.memref_squeeze %dma_start3A_146 : memref<1x512xf32, #tpu.memory_space<vmem>> -> memref<512xf32, #tpu.memory_space<vmem>>
      %dma_start3A_148 = tpu.memref_slice %arg5[%multiple_of3A_117] : memref<1600000xf32, #tpu.memory_space<hbm>> -> memref<512xf32, #tpu.memory_space<hbm>>
      %dma_start3A_149 = arith.constant 0 : i32
      %dma_start3A_150 = tpu.memref_slice %arg13[%dma_start3A_144, %dma_start3A_149] : memref<3x1024xf32, #tpu.memory_space<vmem>> -> memref<1x512xf32, #tpu.memory_space<vmem>>
      %dma_start3A_151 = tpu.memref_squeeze %dma_start3A_150 : memref<1x512xf32, #tpu.memory_space<vmem>> -> memref<512xf32, #tpu.memory_space<vmem>>
      %dma_start3A_152 = tpu.memref_slice %arg5[%multiple_of3A_117] : memref<1600000xf32, #tpu.memory_space<hbm>> -> memref<512xf32, #tpu.memory_space<hbm>>
      tpu.enqueue_dma source(%dma_start3A_152 : memref<512xf32, #tpu.memory_space<hbm>>) target(%dma_start3A_151 : memref<512xf32, #tpu.memory_space<vmem>>) target_semaphore(%arg18 : memref<!tpu.dma_semaphore, #tpu.memory_space<semaphore_mem>>)
      %dma_start3A_153 = arith.constant 1 : i32
      %dma_start3A_154 = arith.constant 0 : i32
      %dma_start3A_155 = tpu.memref_slice %arg13[%dma_start3A_153, %dma_start3A_154] : memref<3x1024xf32, #tpu.memory_space<vmem>> -> memref<1x512xf32, #tpu.memory_space<vmem>>
      %dma_start3A_156 = tpu.memref_squeeze %dma_start3A_155 : memref<1x512xf32, #tpu.memory_space<vmem>> -> memref<512xf32, #tpu.memory_space<vmem>>
      %dma_start3A_157 = tpu.memref_slice %arg6[%multiple_of3A_117] : memref<1600000xf32, #tpu.memory_space<hbm>> -> memref<512xf32, #tpu.memory_space<hbm>>
      %dma_start3A_158 = arith.constant 0 : i32
      %dma_start3A_159 = tpu.memref_slice %arg13[%dma_start3A_153, %dma_start3A_158] : memref<3x1024xf32, #tpu.memory_space<vmem>> -> memref<1x512xf32, #tpu.memory_space<vmem>>
      %dma_start3A_160 = tpu.memref_squeeze %dma_start3A_159 : memref<1x512xf32, #tpu.memory_space<vmem>> -> memref<512xf32, #tpu.memory_space<vmem>>
      %dma_start3A_161 = tpu.memref_slice %arg6[%multiple_of3A_117] : memref<1600000xf32, #tpu.memory_space<hbm>> -> memref<512xf32, #tpu.memory_space<hbm>>
      tpu.enqueue_dma source(%dma_start3A_161 : memref<512xf32, #tpu.memory_space<hbm>>) target(%dma_start3A_160 : memref<512xf32, #tpu.memory_space<vmem>>) target_semaphore(%arg18 : memref<!tpu.dma_semaphore, #tpu.memory_space<semaphore_mem>>)
      %dma_start3A_162 = arith.constant 2 : i32
      %dma_start3A_163 = arith.constant 0 : i32
      %dma_start3A_164 = tpu.memref_slice %arg13[%dma_start3A_162, %dma_start3A_163] : memref<3x1024xf32, #tpu.memory_space<vmem>> -> memref<1x512xf32, #tpu.memory_space<vmem>>
      %dma_start3A_165 = tpu.memref_squeeze %dma_start3A_164 : memref<1x512xf32, #tpu.memory_space<vmem>> -> memref<512xf32, #tpu.memory_space<vmem>>
      %dma_start3A_166 = tpu.memref_slice %arg7[%multiple_of3A_117] : memref<1600000xf32, #tpu.memory_space<hbm>> -> memref<512xf32, #tpu.memory_space<hbm>>
      %dma_start3A_167 = arith.constant 0 : i32
      %dma_start3A_168 = tpu.memref_slice %arg13[%dma_start3A_162, %dma_start3A_167] : memref<3x1024xf32, #tpu.memory_space<vmem>> -> memref<1x512xf32, #tpu.memory_space<vmem>>
      %dma_start3A_169 = tpu.memref_squeeze %dma_start3A_168 : memref<1x512xf32, #tpu.memory_space<vmem>> -> memref<512xf32, #tpu.memory_space<vmem>>
      %dma_start3A_170 = tpu.memref_slice %arg7[%multiple_of3A_117] : memref<1600000xf32, #tpu.memory_space<hbm>> -> memref<512xf32, #tpu.memory_space<hbm>>
      tpu.enqueue_dma source(%dma_start3A_170 : memref<512xf32, #tpu.memory_space<hbm>>) target(%dma_start3A_169 : memref<512xf32, #tpu.memory_space<vmem>>) target_semaphore(%arg18 : memref<!tpu.dma_semaphore, #tpu.memory_space<semaphore_mem>>)
      %dma_start3A_171 = arith.constant 0 : i32
      %dma_start3A_172 = tpu.memref_slice %arg14[%dma_start3A_171] : memref<1024xf32, #tpu.memory_space<vmem>> -> memref<512xf32, #tpu.memory_space<vmem>>
      %dma_start3A_173 = tpu.memref_slice %arg8[%multiple_of3A_117] : memref<1600000xf32, #tpu.memory_space<hbm>> -> memref<512xf32, #tpu.memory_space<hbm>>
      %dma_start3A_174 = arith.constant 0 : i32
      %dma_start3A_175 = tpu.memref_slice %arg14[%dma_start3A_174] : memref<1024xf32, #tpu.memory_space<vmem>> -> memref<512xf32, #tpu.memory_space<vmem>>
      %dma_start3A_176 = tpu.memref_slice %arg8[%multiple_of3A_117] : memref<1600000xf32, #tpu.memory_space<hbm>> -> memref<512xf32, #tpu.memory_space<hbm>>
      tpu.enqueue_dma source(%dma_start3A_176 : memref<512xf32, #tpu.memory_space<hbm>>) target(%dma_start3A_175 : memref<512xf32, #tpu.memory_space<vmem>>) target_semaphore(%arg18 : memref<!tpu.dma_semaphore, #tpu.memory_space<semaphore_mem>>)
      %add3A_177 = arith.constant 0 : i32
      %add3A_178 = arith.addi %multiple_of3A_117, %add3A_177 : i32
      %multiple_of3A_179 = tpu.assume_multiple %add3A_178, 8 : i32
      %dma_start3A_180 = arith.constant 0 : i32
      %dma_start3A_181 = arith.constant 0 : i32
      %dma_start3A_182 = arith.constant 0 : i32
      %dma_start3A_183 = tpu.memref_slice %arg16[%dma_start3A_180, %dma_start3A_181, %dma_start3A_182] : memref<2x8x128xi32, #tpu.memory_space<vmem>> -> memref<1x1x128xi32, #tpu.memory_space<vmem>>
      %dma_start3A_184 = tpu.memref_squeeze %dma_start3A_183 : memref<1x1x128xi32, #tpu.memory_space<vmem>> -> memref<128xi32, #tpu.memory_space<vmem>>
      %dma_start3A_185 = tpu.memref_slice %arg9[%multiple_of3A_179] : memref<1600000xi32, #tpu.memory_space<hbm>> -> memref<128xi32, #tpu.memory_space<hbm>>
      %dma_start3A_186 = arith.constant 0 : i32
      %dma_start3A_187 = tpu.memref_slice %arg16[%dma_start3A_180, %dma_start3A_181, %dma_start3A_186] : memref<2x8x128xi32, #tpu.memory_space<vmem>> -> memref<1x1x128xi32, #tpu.memory_space<vmem>>
      %dma_start3A_188 = tpu.memref_squeeze %dma_start3A_187 : memref<1x1x128xi32, #tpu.memory_space<vmem>> -> memref<128xi32, #tpu.memory_space<vmem>>
      %dma_start3A_189 = tpu.memref_slice %arg9[%multiple_of3A_179] : memref<1600000xi32, #tpu.memory_space<hbm>> -> memref<128xi32, #tpu.memory_space<hbm>>
      tpu.enqueue_dma source(%dma_start3A_189 : memref<128xi32, #tpu.memory_space<hbm>>) target(%dma_start3A_188 : memref<128xi32, #tpu.memory_space<vmem>>) target_semaphore(%arg18 : memref<!tpu.dma_semaphore, #tpu.memory_space<semaphore_mem>>)
      %add3A_190 = arith.constant 128 : i32
      %add3A_191 = arith.addi %multiple_of3A_117, %add3A_190 : i32
      %multiple_of3A_192 = tpu.assume_multiple %add3A_191, 8 : i32
      %dma_start3A_193 = arith.constant 0 : i32
      %dma_start3A_194 = arith.constant 1 : i32
      %dma_start3A_195 = arith.constant 0 : i32
      %dma_start3A_196 = tpu.memref_slice %arg16[%dma_start3A_193, %dma_start3A_194, %dma_start3A_195] : memref<2x8x128xi32, #tpu.memory_space<vmem>> -> memref<1x1x128xi32, #tpu.memory_space<vmem>>
      %dma_start3A_197 = tpu.memref_squeeze %dma_start3A_196 : memref<1x1x128xi32, #tpu.memory_space<vmem>> -> memref<128xi32, #tpu.memory_space<vmem>>
      %dma_start3A_198 = tpu.memref_slice %arg9[%multiple_of3A_192] : memref<1600000xi32, #tpu.memory_space<hbm>> -> memref<128xi32, #tpu.memory_space<hbm>>
      %dma_start3A_199 = arith.constant 0 : i32
      %dma_start3A_200 = tpu.memref_slice %arg16[%dma_start3A_193, %dma_start3A_194, %dma_start3A_199] : memref<2x8x128xi32, #tpu.memory_space<vmem>> -> memref<1x1x128xi32, #tpu.memory_space<vmem>>
      %dma_start3A_201 = tpu.memref_squeeze %dma_start3A_200 : memref<1x1x128xi32, #tpu.memory_space<vmem>> -> memref<128xi32, #tpu.memory_space<vmem>>
      %dma_start3A_202 = tpu.memref_slice %arg9[%multiple_of3A_192] : memref<1600000xi32, #tpu.memory_space<hbm>> -> memref<128xi32, #tpu.memory_space<hbm>>
      tpu.enqueue_dma source(%dma_start3A_202 : memref<128xi32, #tpu.memory_space<hbm>>) target(%dma_start3A_201 : memref<128xi32, #tpu.memory_space<vmem>>) target_semaphore(%arg18 : memref<!tpu.dma_semaphore, #tpu.memory_space<semaphore_mem>>)
      %add3A_203 = arith.constant 256 : i32
      %add3A_204 = arith.addi %multiple_of3A_117, %add3A_203 : i32
      %multiple_of3A_205 = tpu.assume_multiple %add3A_204, 8 : i32
      %dma_start3A_206 = arith.constant 0 : i32
      %dma_start3A_207 = arith.constant 2 : i32
      %dma_start3A_208 = arith.constant 0 : i32
      %dma_start3A_209 = tpu.memref_slice %arg16[%dma_start3A_206, %dma_start3A_207, %dma_start3A_208] : memref<2x8x128xi32, #tpu.memory_space<vmem>> -> memref<1x1x128xi32, #tpu.memory_space<vmem>>
      %dma_start3A_210 = tpu.memref_squeeze %dma_start3A_209 : memref<1x1x128xi32, #tpu.memory_space<vmem>> -> memref<128xi32, #tpu.memory_space<vmem>>
      %dma_start3A_211 = tpu.memref_slice %arg9[%multiple_of3A_205] : memref<1600000xi32, #tpu.memory_space<hbm>> -> memref<128xi32, #tpu.memory_space<hbm>>
      %dma_start3A_212 = arith.constant 0 : i32
      %dma_start3A_213 = tpu.memref_slice %arg16[%dma_start3A_206, %dma_start3A_207, %dma_start3A_212] : memref<2x8x128xi32, #tpu.memory_space<vmem>> -> memref<1x1x128xi32, #tpu.memory_space<vmem>>
      %dma_start3A_214 = tpu.memref_squeeze %dma_start3A_213 : memref<1x1x128xi32, #tpu.memory_space<vmem>> -> memref<128xi32, #tpu.memory_space<vmem>>
      %dma_start3A_215 = tpu.memref_slice %arg9[%multiple_of3A_205] : memref<1600000xi32, #tpu.memory_space<hbm>> -> memref<128xi32, #tpu.memory_space<hbm>>
      tpu.enqueue_dma source(%dma_start3A_215 : memref<128xi32, #tpu.memory_space<hbm>>) target(%dma_start3A_214 : memref<128xi32, #tpu.memory_space<vmem>>) target_semaphore(%arg18 : memref<!tpu.dma_semaphore, #tpu.memory_space<semaphore_mem>>)
      %add3A_216 = arith.constant 384 : i32
      %add3A_217 = arith.addi %multiple_of3A_117, %add3A_216 : i32
      %multiple_of3A_218 = tpu.assume_multiple %add3A_217, 8 : i32
      %dma_start3A_219 = arith.constant 0 : i32
      %dma_start3A_220 = arith.constant 3 : i32
      %dma_start3A_221 = arith.constant 0 : i32
      %dma_start3A_222 = tpu.memref_slice %arg16[%dma_start3A_219, %dma_start3A_220, %dma_start3A_221] : memref<2x8x128xi32, #tpu.memory_space<vmem>> -> memref<1x1x128xi32, #tpu.memory_space<vmem>>
      %dma_start3A_223 = tpu.memref_squeeze %dma_start3A_222 : memref<1x1x128xi32, #tpu.memory_space<vmem>> -> memref<128xi32, #tpu.memory_space<vmem>>
      %dma_start3A_224 = tpu.memref_slice %arg9[%multiple_of3A_218] : memref<1600000xi32, #tpu.memory_space<hbm>> -> memref<128xi32, #tpu.memory_space<hbm>>
      %dma_start3A_225 = arith.constant 0 : i32
      %dma_start3A_226 = tpu.memref_slice %arg16[%dma_start3A_219, %dma_start3A_220, %dma_start3A_225] : memref<2x8x128xi32, #tpu.memory_space<vmem>> -> memref<1x1x128xi32, #tpu.memory_space<vmem>>
      %dma_start3A_227 = tpu.memref_squeeze %dma_start3A_226 : memref<1x1x128xi32, #tpu.memory_space<vmem>> -> memref<128xi32, #tpu.memory_space<vmem>>
      %dma_start3A_228 = tpu.memref_slice %arg9[%multiple_of3A_218] : memref<1600000xi32, #tpu.memory_space<hbm>> -> memref<128xi32, #tpu.memory_space<hbm>>
      tpu.enqueue_dma source(%dma_start3A_228 : memref<128xi32, #tpu.memory_space<hbm>>) target(%dma_start3A_227 : memref<128xi32, #tpu.memory_space<vmem>>) target_semaphore(%arg18 : memref<!tpu.dma_semaphore, #tpu.memory_space<semaphore_mem>>)
      %dma_wait3A_229 = arith.constant 0 : i32
      %dma_wait3A_230 = arith.constant 0 : i32
      %dma_wait3A_231 = tpu.memref_slice %arg12[%dma_wait3A_229, %dma_wait3A_230] : memref<3x1024xf32, #tpu.memory_space<vmem>> -> memref<1x512xf32, #tpu.memory_space<vmem>>
      %dma_wait3A_232 = tpu.memref_squeeze %dma_wait3A_231 : memref<1x512xf32, #tpu.memory_space<vmem>> -> memref<512xf32, #tpu.memory_space<vmem>>
      %dma_wait3A_233 = tpu.memref_slice %arg2[%multiple_of3A_117] : memref<1600000xf32, #tpu.memory_space<hbm>> -> memref<512xf32, #tpu.memory_space<hbm>>
      %dma_wait3A_234 = arith.constant 0 : i32
      %dma_wait3A_235 = tpu.memref_slice %arg12[%dma_wait3A_229, %dma_wait3A_234] : memref<3x1024xf32, #tpu.memory_space<vmem>> -> memref<1x512xf32, #tpu.memory_space<vmem>>
      %dma_wait3A_236 = tpu.memref_squeeze %dma_wait3A_235 : memref<1x512xf32, #tpu.memory_space<vmem>> -> memref<512xf32, #tpu.memory_space<vmem>>
      %dma_wait3A_237 = tpu.memref_slice %arg2[%multiple_of3A_117] : memref<1600000xf32, #tpu.memory_space<hbm>> -> memref<512xf32, #tpu.memory_space<hbm>>
      tpu.wait_dma2 semaphore(%arg18 : memref<!tpu.dma_semaphore, #tpu.memory_space<semaphore_mem>>) src(%dma_wait3A_237 : memref<512xf32, #tpu.memory_space<hbm>>) dst(%dma_wait3A_236 : memref<512xf32, #tpu.memory_space<vmem>>)
      %dma_wait3A_238 = arith.constant 1 : i32
      %dma_wait3A_239 = arith.constant 0 : i32
      %dma_wait3A_240 = tpu.memref_slice %arg12[%dma_wait3A_238, %dma_wait3A_239] : memref<3x1024xf32, #tpu.memory_space<vmem>> -> memref<1x512xf32, #tpu.memory_space<vmem>>
      %dma_wait3A_241 = tpu.memref_squeeze %dma_wait3A_240 : memref<1x512xf32, #tpu.memory_space<vmem>> -> memref<512xf32, #tpu.memory_space<vmem>>
      %dma_wait3A_242 = tpu.memref_slice %arg3[%multiple_of3A_117] : memref<1600000xf32, #tpu.memory_space<hbm>> -> memref<512xf32, #tpu.memory_space<hbm>>
      %dma_wait3A_243 = arith.constant 0 : i32
      %dma_wait3A_244 = tpu.memref_slice %arg12[%dma_wait3A_238, %dma_wait3A_243] : memref<3x1024xf32, #tpu.memory_space<vmem>> -> memref<1x512xf32, #tpu.memory_space<vmem>>
      %dma_wait3A_245 = tpu.memref_squeeze %dma_wait3A_244 : memref<1x512xf32, #tpu.memory_space<vmem>> -> memref<512xf32, #tpu.memory_space<vmem>>
      %dma_wait3A_246 = tpu.memref_slice %arg3[%multiple_of3A_117] : memref<1600000xf32, #tpu.memory_space<hbm>> -> memref<512xf32, #tpu.memory_space<hbm>>
      tpu.wait_dma2 semaphore(%arg18 : memref<!tpu.dma_semaphore, #tpu.memory_space<semaphore_mem>>) src(%dma_wait3A_246 : memref<512xf32, #tpu.memory_space<hbm>>) dst(%dma_wait3A_245 : memref<512xf32, #tpu.memory_space<vmem>>)
      %dma_wait3A_247 = arith.constant 2 : i32
      %dma_wait3A_248 = arith.constant 0 : i32
      %dma_wait3A_249 = tpu.memref_slice %arg12[%dma_wait3A_247, %dma_wait3A_248] : memref<3x1024xf32, #tpu.memory_space<vmem>> -> memref<1x512xf32, #tpu.memory_space<vmem>>
      %dma_wait3A_250 = tpu.memref_squeeze %dma_wait3A_249 : memref<1x512xf32, #tpu.memory_space<vmem>> -> memref<512xf32, #tpu.memory_space<vmem>>
      %dma_wait3A_251 = tpu.memref_slice %arg4[%multiple_of3A_117] : memref<1600000xf32, #tpu.memory_space<hbm>> -> memref<512xf32, #tpu.memory_space<hbm>>
      %dma_wait3A_252 = arith.constant 0 : i32
      %dma_wait3A_253 = tpu.memref_slice %arg12[%dma_wait3A_247, %dma_wait3A_252] : memref<3x1024xf32, #tpu.memory_space<vmem>> -> memref<1x512xf32, #tpu.memory_space<vmem>>
      %dma_wait3A_254 = tpu.memref_squeeze %dma_wait3A_253 : memref<1x512xf32, #tpu.memory_space<vmem>> -> memref<512xf32, #tpu.memory_space<vmem>>
      %dma_wait3A_255 = tpu.memref_slice %arg4[%multiple_of3A_117] : memref<1600000xf32, #tpu.memory_space<hbm>> -> memref<512xf32, #tpu.memory_space<hbm>>
      tpu.wait_dma2 semaphore(%arg18 : memref<!tpu.dma_semaphore, #tpu.memory_space<semaphore_mem>>) src(%dma_wait3A_255 : memref<512xf32, #tpu.memory_space<hbm>>) dst(%dma_wait3A_254 : memref<512xf32, #tpu.memory_space<vmem>>)
      %dma_wait3A_256 = arith.constant 0 : i32
      %dma_wait3A_257 = arith.constant 0 : i32
      %dma_wait3A_258 = tpu.memref_slice %arg13[%dma_wait3A_256, %dma_wait3A_257] : memref<3x1024xf32, #tpu.memory_space<vmem>> -> memref<1x512xf32, #tpu.memory_space<vmem>>
      %dma_wait3A_259 = tpu.memref_squeeze %dma_wait3A_258 : memref<1x512xf32, #tpu.memory_space<vmem>> -> memref<512xf32, #tpu.memory_space<vmem>>
      %dma_wait3A_260 = tpu.memref_slice %arg5[%multiple_of3A_117] : memref<1600000xf32, #tpu.memory_space<hbm>> -> memref<512xf32, #tpu.memory_space<hbm>>
      %dma_wait3A_261 = arith.constant 0 : i32
      %dma_wait3A_262 = tpu.memref_slice %arg13[%dma_wait3A_256, %dma_wait3A_261] : memref<3x1024xf32, #tpu.memory_space<vmem>> -> memref<1x512xf32, #tpu.memory_space<vmem>>
      %dma_wait3A_263 = tpu.memref_squeeze %dma_wait3A_262 : memref<1x512xf32, #tpu.memory_space<vmem>> -> memref<512xf32, #tpu.memory_space<vmem>>
      %dma_wait3A_264 = tpu.memref_slice %arg5[%multiple_of3A_117] : memref<1600000xf32, #tpu.memory_space<hbm>> -> memref<512xf32, #tpu.memory_space<hbm>>
      tpu.wait_dma2 semaphore(%arg18 : memref<!tpu.dma_semaphore, #tpu.memory_space<semaphore_mem>>) src(%dma_wait3A_264 : memref<512xf32, #tpu.memory_space<hbm>>) dst(%dma_wait3A_263 : memref<512xf32, #tpu.memory_space<vmem>>)
      %dma_wait3A_265 = arith.constant 1 : i32
      %dma_wait3A_266 = arith.constant 0 : i32
      %dma_wait3A_267 = tpu.memref_slice %arg13[%dma_wait3A_265, %dma_wait3A_266] : memref<3x1024xf32, #tpu.memory_space<vmem>> -> memref<1x512xf32, #tpu.memory_space<vmem>>
      %dma_wait3A_268 = tpu.memref_squeeze %dma_wait3A_267 : memref<1x512xf32, #tpu.memory_space<vmem>> -> memref<512xf32, #tpu.memory_space<vmem>>
      %dma_wait3A_269 = tpu.memref_slice %arg6[%multiple_of3A_117] : memref<1600000xf32, #tpu.memory_space<hbm>> -> memref<512xf32, #tpu.memory_space<hbm>>
      %dma_wait3A_270 = arith.constant 0 : i32
      %dma_wait3A_271 = tpu.memref_slice %arg13[%dma_wait3A_265, %dma_wait3A_270] : memref<3x1024xf32, #tpu.memory_space<vmem>> -> memref<1x512xf32, #tpu.memory_space<vmem>>
      %dma_wait3A_272 = tpu.memref_squeeze %dma_wait3A_271 : memref<1x512xf32, #tpu.memory_space<vmem>> -> memref<512xf32, #tpu.memory_space<vmem>>
      %dma_wait3A_273 = tpu.memref_slice %arg6[%multiple_of3A_117] : memref<1600000xf32, #tpu.memory_space<hbm>> -> memref<512xf32, #tpu.memory_space<hbm>>
      tpu.wait_dma2 semaphore(%arg18 : memref<!tpu.dma_semaphore, #tpu.memory_space<semaphore_mem>>) src(%dma_wait3A_273 : memref<512xf32, #tpu.memory_space<hbm>>) dst(%dma_wait3A_272 : memref<512xf32, #tpu.memory_space<vmem>>)
      %dma_wait3A_274 = arith.constant 2 : i32
      %dma_wait3A_275 = arith.constant 0 : i32
      %dma_wait3A_276 = tpu.memref_slice %arg13[%dma_wait3A_274, %dma_wait3A_275] : memref<3x1024xf32, #tpu.memory_space<vmem>> -> memref<1x512xf32, #tpu.memory_space<vmem>>
      %dma_wait3A_277 = tpu.memref_squeeze %dma_wait3A_276 : memref<1x512xf32, #tpu.memory_space<vmem>> -> memref<512xf32, #tpu.memory_space<vmem>>
      %dma_wait3A_278 = tpu.memref_slice %arg7[%multiple_of3A_117] : memref<1600000xf32, #tpu.memory_space<hbm>> -> memref<512xf32, #tpu.memory_space<hbm>>
      %dma_wait3A_279 = arith.constant 0 : i32
      %dma_wait3A_280 = tpu.memref_slice %arg13[%dma_wait3A_274, %dma_wait3A_279] : memref<3x1024xf32, #tpu.memory_space<vmem>> -> memref<1x512xf32, #tpu.memory_space<vmem>>
      %dma_wait3A_281 = tpu.memref_squeeze %dma_wait3A_280 : memref<1x512xf32, #tpu.memory_space<vmem>> -> memref<512xf32, #tpu.memory_space<vmem>>
      %dma_wait3A_282 = tpu.memref_slice %arg7[%multiple_of3A_117] : memref<1600000xf32, #tpu.memory_space<hbm>> -> memref<512xf32, #tpu.memory_space<hbm>>
      tpu.wait_dma2 semaphore(%arg18 : memref<!tpu.dma_semaphore, #tpu.memory_space<semaphore_mem>>) src(%dma_wait3A_282 : memref<512xf32, #tpu.memory_space<hbm>>) dst(%dma_wait3A_281 : memref<512xf32, #tpu.memory_space<vmem>>)
      %dma_wait3A_283 = arith.constant 0 : i32
      %dma_wait3A_284 = tpu.memref_slice %arg14[%dma_wait3A_283] : memref<1024xf32, #tpu.memory_space<vmem>> -> memref<512xf32, #tpu.memory_space<vmem>>
      %dma_wait3A_285 = tpu.memref_slice %arg8[%multiple_of3A_117] : memref<1600000xf32, #tpu.memory_space<hbm>> -> memref<512xf32, #tpu.memory_space<hbm>>
      %dma_wait3A_286 = arith.constant 0 : i32
      %dma_wait3A_287 = tpu.memref_slice %arg14[%dma_wait3A_286] : memref<1024xf32, #tpu.memory_space<vmem>> -> memref<512xf32, #tpu.memory_space<vmem>>
      %dma_wait3A_288 = tpu.memref_slice %arg8[%multiple_of3A_117] : memref<1600000xf32, #tpu.memory_space<hbm>> -> memref<512xf32, #tpu.memory_space<hbm>>
      tpu.wait_dma2 semaphore(%arg18 : memref<!tpu.dma_semaphore, #tpu.memory_space<semaphore_mem>>) src(%dma_wait3A_288 : memref<512xf32, #tpu.memory_space<hbm>>) dst(%dma_wait3A_287 : memref<512xf32, #tpu.memory_space<vmem>>)
      %dma_wait3A_289 = arith.constant 0 : i32
      %dma_wait3A_290 = arith.constant 0 : i32
      %dma_wait3A_291 = arith.constant 0 : i32
      %dma_wait3A_292 = tpu.memref_slice %arg16[%dma_wait3A_289, %dma_wait3A_290, %dma_wait3A_291] : memref<2x8x128xi32, #tpu.memory_space<vmem>> -> memref<1x1x128xi32, #tpu.memory_space<vmem>>
      %dma_wait3A_293 = tpu.memref_squeeze %dma_wait3A_292 : memref<1x1x128xi32, #tpu.memory_space<vmem>> -> memref<128xi32, #tpu.memory_space<vmem>>
      %dma_wait3A_294 = tpu.memref_slice %arg9[%multiple_of3A_179] : memref<1600000xi32, #tpu.memory_space<hbm>> -> memref<128xi32, #tpu.memory_space<hbm>>
      %dma_wait3A_295 = arith.constant 0 : i32
      %dma_wait3A_296 = tpu.memref_slice %arg16[%dma_wait3A_289, %dma_wait3A_290, %dma_wait3A_295] : memref<2x8x128xi32, #tpu.memory_space<vmem>> -> memref<1x1x128xi32, #tpu.memory_space<vmem>>
      %dma_wait3A_297 = tpu.memref_squeeze %dma_wait3A_296 : memref<1x1x128xi32, #tpu.memory_space<vmem>> -> memref<128xi32, #tpu.memory_space<vmem>>
      %dma_wait3A_298 = tpu.memref_slice %arg9[%multiple_of3A_179] : memref<1600000xi32, #tpu.memory_space<hbm>> -> memref<128xi32, #tpu.memory_space<hbm>>
      tpu.wait_dma2 semaphore(%arg18 : memref<!tpu.dma_semaphore, #tpu.memory_space<semaphore_mem>>) src(%dma_wait3A_298 : memref<128xi32, #tpu.memory_space<hbm>>) dst(%dma_wait3A_297 : memref<128xi32, #tpu.memory_space<vmem>>)
      %dma_wait3A_299 = arith.constant 0 : i32
      %dma_wait3A_300 = arith.constant 1 : i32
      %dma_wait3A_301 = arith.constant 0 : i32
      %dma_wait3A_302 = tpu.memref_slice %arg16[%dma_wait3A_299, %dma_wait3A_300, %dma_wait3A_301] : memref<2x8x128xi32, #tpu.memory_space<vmem>> -> memref<1x1x128xi32, #tpu.memory_space<vmem>>
      %dma_wait3A_303 = tpu.memref_squeeze %dma_wait3A_302 : memref<1x1x128xi32, #tpu.memory_space<vmem>> -> memref<128xi32, #tpu.memory_space<vmem>>
      %dma_wait3A_304 = tpu.memref_slice %arg9[%multiple_of3A_192] : memref<1600000xi32, #tpu.memory_space<hbm>> -> memref<128xi32, #tpu.memory_space<hbm>>
      %dma_wait3A_305 = arith.constant 0 : i32
      %dma_wait3A_306 = tpu.memref_slice %arg16[%dma_wait3A_299, %dma_wait3A_300, %dma_wait3A_305] : memref<2x8x128xi32, #tpu.memory_space<vmem>> -> memref<1x1x128xi32, #tpu.memory_space<vmem>>
      %dma_wait3A_307 = tpu.memref_squeeze %dma_wait3A_306 : memref<1x1x128xi32, #tpu.memory_space<vmem>> -> memref<128xi32, #tpu.memory_space<vmem>>
      %dma_wait3A_308 = tpu.memref_slice %arg9[%multiple_of3A_192] : memref<1600000xi32, #tpu.memory_space<hbm>> -> memref<128xi32, #tpu.memory_space<hbm>>
      tpu.wait_dma2 semaphore(%arg18 : memref<!tpu.dma_semaphore, #tpu.memory_space<semaphore_mem>>) src(%dma_wait3A_308 : memref<128xi32, #tpu.memory_space<hbm>>) dst(%dma_wait3A_307 : memref<128xi32, #tpu.memory_space<vmem>>)
      %dma_wait3A_309 = arith.constant 0 : i32
      %dma_wait3A_310 = arith.constant 2 : i32
      %dma_wait3A_311 = arith.constant 0 : i32
      %dma_wait3A_312 = tpu.memref_slice %arg16[%dma_wait3A_309, %dma_wait3A_310, %dma_wait3A_311] : memref<2x8x128xi32, #tpu.memory_space<vmem>> -> memref<1x1x128xi32, #tpu.memory_space<vmem>>
      %dma_wait3A_313 = tpu.memref_squeeze %dma_wait3A_312 : memref<1x1x128xi32, #tpu.memory_space<vmem>> -> memref<128xi32, #tpu.memory_space<vmem>>
      %dma_wait3A_314 = tpu.memref_slice %arg9[%multiple_of3A_205] : memref<1600000xi32, #tpu.memory_space<hbm>> -> memref<128xi32, #tpu.memory_space<hbm>>
      %dma_wait3A_315 = arith.constant 0 : i32
      %dma_wait3A_316 = tpu.memref_slice %arg16[%dma_wait3A_309, %dma_wait3A_310, %dma_wait3A_315] : memref<2x8x128xi32, #tpu.memory_space<vmem>> -> memref<1x1x128xi32, #tpu.memory_space<vmem>>
      %dma_wait3A_317 = tpu.memref_squeeze %dma_wait3A_316 : memref<1x1x128xi32, #tpu.memory_space<vmem>> -> memref<128xi32, #tpu.memory_space<vmem>>
      %dma_wait3A_318 = tpu.memref_slice %arg9[%multiple_of3A_205] : memref<1600000xi32, #tpu.memory_space<hbm>> -> memref<128xi32, #tpu.memory_space<hbm>>
      tpu.wait_dma2 semaphore(%arg18 : memref<!tpu.dma_semaphore, #tpu.memory_space<semaphore_mem>>) src(%dma_wait3A_318 : memref<128xi32, #tpu.memory_space<hbm>>) dst(%dma_wait3A_317 : memref<128xi32, #tpu.memory_space<vmem>>)
      %dma_wait3A_319 = arith.constant 0 : i32
      %dma_wait3A_320 = arith.constant 3 : i32
      %dma_wait3A_321 = arith.constant 0 : i32
      %dma_wait3A_322 = tpu.memref_slice %arg16[%dma_wait3A_319, %dma_wait3A_320, %dma_wait3A_321] : memref<2x8x128xi32, #tpu.memory_space<vmem>> -> memref<1x1x128xi32, #tpu.memory_space<vmem>>
      %dma_wait3A_323 = tpu.memref_squeeze %dma_wait3A_322 : memref<1x1x128xi32, #tpu.memory_space<vmem>> -> memref<128xi32, #tpu.memory_space<vmem>>
      %dma_wait3A_324 = tpu.memref_slice %arg9[%multiple_of3A_218] : memref<1600000xi32, #tpu.memory_space<hbm>> -> memref<128xi32, #tpu.memory_space<hbm>>
      %dma_wait3A_325 = arith.constant 0 : i32
      %dma_wait3A_326 = tpu.memref_slice %arg16[%dma_wait3A_319, %dma_wait3A_320, %dma_wait3A_325] : memref<2x8x128xi32, #tpu.memory_space<vmem>> -> memref<1x1x128xi32, #tpu.memory_space<vmem>>
      %dma_wait3A_327 = tpu.memref_squeeze %dma_wait3A_326 : memref<1x1x128xi32, #tpu.memory_space<vmem>> -> memref<128xi32, #tpu.memory_space<vmem>>
      %dma_wait3A_328 = tpu.memref_slice %arg9[%multiple_of3A_218] : memref<1600000xi32, #tpu.memory_space<hbm>> -> memref<128xi32, #tpu.memory_space<hbm>>
      tpu.wait_dma2 semaphore(%arg18 : memref<!tpu.dma_semaphore, #tpu.memory_space<semaphore_mem>>) src(%dma_wait3A_328 : memref<128xi32, #tpu.memory_space<hbm>>) dst(%dma_wait3A_327 : memref<128xi32, #tpu.memory_space<vmem>>)
      %scan3A_329 = arith.constant 0 : i32
      %scan3A_330 = arith.constant 0 : i32
      %scan3A_331 = arith.constant 8 : i32
      %scan3A_332 = arith.addi %scan3A_330, %scan3A_331 : i32
      %scan3A_333 = arith.constant 1 : i32
      scf.for %scan3A_423 = %scan3A_330 to %scan3A_332 step %scan3A_333  : i32 {
        %mul3A_424 = arith.constant 64 : i32
        %mul3A_425 = arith.muli %scan3A_423, %mul3A_424 : i32
        %add3A_426 = arith.constant 0 : i32
        %add3A_427 = arith.addi %mul3A_425, %add3A_426 : i32
        %add3A_428 = vector.broadcast %add3A_427 : i32 to vector<16xi32>
        %add3A_429 = arith.addi %add3A_428, %iota3A : vector<16xi32>
        %get3A = arith.constant 0 : i32
        %get3A_430 = arith.index_cast %get3A : i32 to index
        %get3A_431 = arith.index_cast %add3A_427 : i32 to index
        %get3A_432 = tpu.vector_load %arg12[%get3A_430, %get3A_431] {strides = array<i32>} : memref<3x1024xf32, #tpu.memory_space<vmem>>, vector<16xf32>,
        %get3A_433 = arith.constant 0 : i32
        %get3A_434 = arith.index_cast %get3A_433 : i32 to index
        %get3A_435 = arith.index_cast %add3A_427 : i32 to index
        %get3A_436 = tpu.vector_load %arg13[%get3A_434, %get3A_435] {strides = array<i32>} : memref<3x1024xf32, #tpu.memory_space<vmem>>, vector<16xf32>,
        %get3A_437 = arith.index_cast %add3A_427 : i32 to index
        %get3A_438 = tpu.vector_load %arg14[%get3A_437] {strides = array<i32>} : memref<1024xf32, #tpu.memory_space<vmem>>, vector<16xf32>,
        %mul3A_439 = arith.mulf %get3A_436, %get3A_438 : vector<16xf32>
        %mul3A_440 = arith.constant 4.80320454 : f32
        %mul3A_441 = vector.broadcast %mul3A_440 : f32 to vector<16xf32>
        %mul3A_442 = arith.mulf %mul3A_439, %mul3A_441 : vector<16xf32>
        %add3A_443 = arith.addf %get3A_432, %mul3A_442 : vector<16xf32>
        tpu.vector_store_idx %arg15[%add3A_429, %add3A_8], %add3A_443 : memref<1024x16xf32, #tpu.memory_space<vmem>>[vector<16xi32>, vector<16xi32>], vector<16xf32>,
        %get3A_444 = arith.constant 1 : i32
        %get3A_445 = arith.index_cast %get3A_444 : i32 to index
        %get3A_446 = arith.index_cast %add3A_427 : i32 to index
        %get3A_447 = tpu.vector_load %arg12[%get3A_445, %get3A_446] {strides = array<i32>} : memref<3x1024xf32, #tpu.memory_space<vmem>>, vector<16xf32>,
        %get3A_448 = arith.constant 1 : i32
        %get3A_449 = arith.index_cast %get3A_448 : i32 to index
        %get3A_450 = arith.index_cast %add3A_427 : i32 to index
        %get3A_451 = tpu.vector_load %arg13[%get3A_449, %get3A_450] {strides = array<i32>} : memref<3x1024xf32, #tpu.memory_space<vmem>>, vector<16xf32>,
        %get3A_452 = arith.index_cast %add3A_427 : i32 to index
        %get3A_453 = tpu.vector_load %arg14[%get3A_452] {strides = array<i32>} : memref<1024xf32, #tpu.memory_space<vmem>>, vector<16xf32>,
        %mul3A_454 = arith.mulf %get3A_451, %get3A_453 : vector<16xf32>
        %mul3A_455 = arith.constant 4.80320454 : f32
        %mul3A_456 = vector.broadcast %mul3A_455 : f32 to vector<16xf32>
        %mul3A_457 = arith.mulf %mul3A_454, %mul3A_456 : vector<16xf32>
        %add3A_458 = arith.addf %get3A_447, %mul3A_457 : vector<16xf32>
        tpu.vector_store_idx %arg15[%add3A_429, %add3A_14], %add3A_458 : memref<1024x16xf32, #tpu.memory_space<vmem>>[vector<16xi32>, vector<16xi32>], vector<16xf32>,
        %get3A_459 = arith.constant 2 : i32
        %get3A_460 = arith.index_cast %get3A_459 : i32 to index
        %get3A_461 = arith.index_cast %add3A_427 : i32 to index
        %get3A_462 = tpu.vector_load %arg12[%get3A_460, %get3A_461] {strides = array<i32>} : memref<3x1024xf32, #tpu.memory_space<vmem>>, vector<16xf32>,
        %get3A_463 = arith.constant 2 : i32
        %get3A_464 = arith.index_cast %get3A_463 : i32 to index
        %get3A_465 = arith.index_cast %add3A_427 : i32 to index
        %get3A_466 = tpu.vector_load %arg13[%get3A_464, %get3A_465] {strides = array<i32>} : memref<3x1024xf32, #tpu.memory_space<vmem>>, vector<16xf32>,
        %get3A_467 = arith.index_cast %add3A_427 : i32 to index
        %get3A_468 = tpu.vector_load %arg14[%get3A_467] {strides = array<i32>} : memref<1024xf32, #tpu.memory_space<vmem>>, vector<16xf32>,
        %mul3A_469 = arith.mulf %get3A_466, %get3A_468 : vector<16xf32>
        %mul3A_470 = arith.constant 4.80320454 : f32
        %mul3A_471 = vector.broadcast %mul3A_470 : f32 to vector<16xf32>
        %mul3A_472 = arith.mulf %mul3A_469, %mul3A_471 : vector<16xf32>
        %add3A_473 = arith.addf %get3A_462, %mul3A_472 : vector<16xf32>
        tpu.vector_store_idx %arg15[%add3A_429, %add3A_20], %add3A_473 : memref<1024x16xf32, #tpu.memory_space<vmem>>[vector<16xi32>, vector<16xi32>], vector<16xf32>,
        %mul3A_474 = arith.constant 64 : i32
        %mul3A_475 = arith.muli %scan3A_423, %mul3A_474 : i32
        %add3A_476 = arith.constant 16 : i32
        %add3A_477 = arith.addi %mul3A_475, %add3A_476 : i32
        %add3A_478 = vector.broadcast %add3A_477 : i32 to vector<16xi32>
        %add3A_479 = arith.addi %add3A_478, %iota3A : vector<16xi32>
        %get3A_480 = arith.constant 0 : i32
        %get3A_481 = arith.index_cast %get3A_480 : i32 to index
        %get3A_482 = arith.index_cast %add3A_477 : i32 to index
        %get3A_483 = tpu.vector_load %arg12[%get3A_481, %get3A_482] {strides = array<i32>} : memref<3x1024xf32, #tpu.memory_space<vmem>>, vector<16xf32>,
        %get3A_484 = arith.constant 0 : i32
        %get3A_485 = arith.index_cast %get3A_484 : i32 to index
        %get3A_486 = arith.index_cast %add3A_477 : i32 to index
        %get3A_487 = tpu.vector_load %arg13[%get3A_485, %get3A_486] {strides = array<i32>} : memref<3x1024xf32, #tpu.memory_space<vmem>>, vector<16xf32>,
        %get3A_488 = arith.index_cast %add3A_477 : i32 to index
        %get3A_489 = tpu.vector_load %arg14[%get3A_488] {strides = array<i32>} : memref<1024xf32, #tpu.memory_space<vmem>>, vector<16xf32>,
        %mul3A_490 = arith.mulf %get3A_487, %get3A_489 : vector<16xf32>
        %mul3A_491 = arith.constant 4.80320454 : f32
        %mul3A_492 = vector.broadcast %mul3A_491 : f32 to vector<16xf32>
        %mul3A_493 = arith.mulf %mul3A_490, %mul3A_492 : vector<16xf32>
        %add3A_494 = arith.addf %get3A_483, %mul3A_493 : vector<16xf32>
        tpu.vector_store_idx %arg15[%add3A_479, %add3A_8], %add3A_494 : memref<1024x16xf32, #tpu.memory_space<vmem>>[vector<16xi32>, vector<16xi32>], vector<16xf32>,
        %get3A_495 = arith.constant 1 : i32
        %get3A_496 = arith.index_cast %get3A_495 : i32 to index
        %get3A_497 = arith.index_cast %add3A_477 : i32 to index
        %get3A_498 = tpu.vector_load %arg12[%get3A_496, %get3A_497] {strides = array<i32>} : memref<3x1024xf32, #tpu.memory_space<vmem>>, vector<16xf32>,
        %get3A_499 = arith.constant 1 : i32
        %get3A_500 = arith.index_cast %get3A_499 : i32 to index
        %get3A_501 = arith.index_cast %add3A_477 : i32 to index
        %get3A_502 = tpu.vector_load %arg13[%get3A_500, %get3A_501] {strides = array<i32>} : memref<3x1024xf32, #tpu.memory_space<vmem>>, vector<16xf32>,
        %get3A_503 = arith.index_cast %add3A_477 : i32 to index
        %get3A_504 = tpu.vector_load %arg14[%get3A_503] {strides = array<i32>} : memref<1024xf32, #tpu.memory_space<vmem>>, vector<16xf32>,
        %mul3A_505 = arith.mulf %get3A_502, %get3A_504 : vector<16xf32>
        %mul3A_506 = arith.constant 4.80320454 : f32
        %mul3A_507 = vector.broadcast %mul3A_506 : f32 to vector<16xf32>
        %mul3A_508 = arith.mulf %mul3A_505, %mul3A_507 : vector<16xf32>
        %add3A_509 = arith.addf %get3A_498, %mul3A_508 : vector<16xf32>
        tpu.vector_store_idx %arg15[%add3A_479, %add3A_14], %add3A_509 : memref<1024x16xf32, #tpu.memory_space<vmem>>[vector<16xi32>, vector<16xi32>], vector<16xf32>,
        %get3A_510 = arith.constant 2 : i32
        %get3A_511 = arith.index_cast %get3A_510 : i32 to index
        %get3A_512 = arith.index_cast %add3A_477 : i32 to index
        %get3A_513 = tpu.vector_load %arg12[%get3A_511, %get3A_512] {strides = array<i32>} : memref<3x1024xf32, #tpu.memory_space<vmem>>, vector<16xf32>,
        %get3A_514 = arith.constant 2 : i32
        %get3A_515 = arith.index_cast %get3A_514 : i32 to index
        %get3A_516 = arith.index_cast %add3A_477 : i32 to index
        %get3A_517 = tpu.vector_load %arg13[%get3A_515, %get3A_516] {strides = array<i32>} : memref<3x1024xf32, #tpu.memory_space<vmem>>, vector<16xf32>,
        %get3A_518 = arith.index_cast %add3A_477 : i32 to index
        %get3A_519 = tpu.vector_load %arg14[%get3A_518] {strides = array<i32>} : memref<1024xf32, #tpu.memory_space<vmem>>, vector<16xf32>,
        %mul3A_520 = arith.mulf %get3A_517, %get3A_519 : vector<16xf32>
        %mul3A_521 = arith.constant 4.80320454 : f32
        %mul3A_522 = vector.broadcast %mul3A_521 : f32 to vector<16xf32>
        %mul3A_523 = arith.mulf %mul3A_520, %mul3A_522 : vector<16xf32>
        %add3A_524 = arith.addf %get3A_513, %mul3A_523 : vector<16xf32>
        tpu.vector_store_idx %arg15[%add3A_479, %add3A_20], %add3A_524 : memref<1024x16xf32, #tpu.memory_space<vmem>>[vector<16xi32>, vector<16xi32>], vector<16xf32>,
        %mul3A_525 = arith.constant 64 : i32
        %mul3A_526 = arith.muli %scan3A_423, %mul3A_525 : i32
        %add3A_527 = arith.constant 32 : i32
        %add3A_528 = arith.addi %mul3A_526, %add3A_527 : i32
        %add3A_529 = vector.broadcast %add3A_528 : i32 to vector<16xi32>
        %add3A_530 = arith.addi %add3A_529, %iota3A : vector<16xi32>
        %get3A_531 = arith.constant 0 : i32
        %get3A_532 = arith.index_cast %get3A_531 : i32 to index
        %get3A_533 = arith.index_cast %add3A_528 : i32 to index
        %get3A_534 = tpu.vector_load %arg12[%get3A_532, %get3A_533] {strides = array<i32>} : memref<3x1024xf32, #tpu.memory_space<vmem>>, vector<16xf32>,
        %get3A_535 = arith.constant 0 : i32
        %get3A_536 = arith.index_cast %get3A_535 : i32 to index
        %get3A_537 = arith.index_cast %add3A_528 : i32 to index
        %get3A_538 = tpu.vector_load %arg13[%get3A_536, %get3A_537] {strides = array<i32>} : memref<3x1024xf32, #tpu.memory_space<vmem>>, vector<16xf32>,
        %get3A_539 = arith.index_cast %add3A_528 : i32 to index
        %get3A_540 = tpu.vector_load %arg14[%get3A_539] {strides = array<i32>} : memref<1024xf32, #tpu.memory_space<vmem>>, vector<16xf32>,
        %mul3A_541 = arith.mulf %get3A_538, %get3A_540 : vector<16xf32>
        %mul3A_542 = arith.constant 4.80320454 : f32
        %mul3A_543 = vector.broadcast %mul3A_542 : f32 to vector<16xf32>
        %mul3A_544 = arith.mulf %mul3A_541, %mul3A_543 : vector<16xf32>
        %add3A_545 = arith.addf %get3A_534, %mul3A_544 : vector<16xf32>
        tpu.vector_store_idx %arg15[%add3A_530, %add3A_8], %add3A_545 : memref<1024x16xf32, #tpu.memory_space<vmem>>[vector<16xi32>, vector<16xi32>], vector<16xf32>,
        %get3A_546 = arith.constant 1 : i32
        %get3A_547 = arith.index_cast %get3A_546 : i32 to index
        %get3A_548 = arith.index_cast %add3A_528 : i32 to index
        %get3A_549 = tpu.vector_load %arg12[%get3A_547, %get3A_548] {strides = array<i32>} : memref<3x1024xf32, #tpu.memory_space<vmem>>, vector<16xf32>,
        %get3A_550 = arith.constant 1 : i32
        %get3A_551 = arith.index_cast %get3A_550 : i32 to index
        %get3A_552 = arith.index_cast %add3A_528 : i32 to index
        %get3A_553 = tpu.vector_load %arg13[%get3A_551, %get3A_552] {strides = array<i32>} : memref<3x1024xf32, #tpu.memory_space<vmem>>, vector<16xf32>,
        %get3A_554 = arith.index_cast %add3A_528 : i32 to index
        %get3A_555 = tpu.vector_load %arg14[%get3A_554] {strides = array<i32>} : memref<1024xf32, #tpu.memory_space<vmem>>, vector<16xf32>,
        %mul3A_556 = arith.mulf %get3A_553, %get3A_555 : vector<16xf32>
        %mul3A_557 = arith.constant 4.80320454 : f32
        %mul3A_558 = vector.broadcast %mul3A_557 : f32 to vector<16xf32>
        %mul3A_559 = arith.mulf %mul3A_556, %mul3A_558 : vector<16xf32>
        %add3A_560 = arith.addf %get3A_549, %mul3A_559 : vector<16xf32>
        tpu.vector_store_idx %arg15[%add3A_530, %add3A_14], %add3A_560 : memref<1024x16xf32, #tpu.memory_space<vmem>>[vector<16xi32>, vector<16xi32>], vector<16xf32>,
        %get3A_561 = arith.constant 2 : i32
        %get3A_562 = arith.index_cast %get3A_561 : i32 to index
        %get3A_563 = arith.index_cast %add3A_528 : i32 to index
        %get3A_564 = tpu.vector_load %arg12[%get3A_562, %get3A_563] {strides = array<i32>} : memref<3x1024xf32, #tpu.memory_space<vmem>>, vector<16xf32>,
        %get3A_565 = arith.constant 2 : i32
        %get3A_566 = arith.index_cast %get3A_565 : i32 to index
        %get3A_567 = arith.index_cast %add3A_528 : i32 to index
        %get3A_568 = tpu.vector_load %arg13[%get3A_566, %get3A_567] {strides = array<i32>} : memref<3x1024xf32, #tpu.memory_space<vmem>>, vector<16xf32>,
        %get3A_569 = arith.index_cast %add3A_528 : i32 to index
        %get3A_570 = tpu.vector_load %arg14[%get3A_569] {strides = array<i32>} : memref<1024xf32, #tpu.memory_space<vmem>>, vector<16xf32>,
        %mul3A_571 = arith.mulf %get3A_568, %get3A_570 : vector<16xf32>
        %mul3A_572 = arith.constant 4.80320454 : f32
        %mul3A_573 = vector.broadcast %mul3A_572 : f32 to vector<16xf32>
        %mul3A_574 = arith.mulf %mul3A_571, %mul3A_573 : vector<16xf32>
        %add3A_575 = arith.addf %get3A_564, %mul3A_574 : vector<16xf32>
        tpu.vector_store_idx %arg15[%add3A_530, %add3A_20], %add3A_575 : memref<1024x16xf32, #tpu.memory_space<vmem>>[vector<16xi32>, vector<16xi32>], vector<16xf32>,
        %mul3A_576 = arith.constant 64 : i32
        %mul3A_577 = arith.muli %scan3A_423, %mul3A_576 : i32
        %add3A_578 = arith.constant 48 : i32
        %add3A_579 = arith.addi %mul3A_577, %add3A_578 : i32
        %add3A_580 = vector.broadcast %add3A_579 : i32 to vector<16xi32>
        %add3A_581 = arith.addi %add3A_580, %iota3A : vector<16xi32>
        %get3A_582 = arith.constant 0 : i32
        %get3A_583 = arith.index_cast %get3A_582 : i32 to index
        %get3A_584 = arith.index_cast %add3A_579 : i32 to index
        %get3A_585 = tpu.vector_load %arg12[%get3A_583, %get3A_584] {strides = array<i32>} : memref<3x1024xf32, #tpu.memory_space<vmem>>, vector<16xf32>,
        %get3A_586 = arith.constant 0 : i32
        %get3A_587 = arith.index_cast %get3A_586 : i32 to index
        %get3A_588 = arith.index_cast %add3A_579 : i32 to index
        %get3A_589 = tpu.vector_load %arg13[%get3A_587, %get3A_588] {strides = array<i32>} : memref<3x1024xf32, #tpu.memory_space<vmem>>, vector<16xf32>,
        %get3A_590 = arith.index_cast %add3A_579 : i32 to index
        %get3A_591 = tpu.vector_load %arg14[%get3A_590] {strides = array<i32>} : memref<1024xf32, #tpu.memory_space<vmem>>, vector<16xf32>,
        %mul3A_592 = arith.mulf %get3A_589, %get3A_591 : vector<16xf32>
        %mul3A_593 = arith.constant 4.80320454 : f32
        %mul3A_594 = vector.broadcast %mul3A_593 : f32 to vector<16xf32>
        %mul3A_595 = arith.mulf %mul3A_592, %mul3A_594 : vector<16xf32>
        %add3A_596 = arith.addf %get3A_585, %mul3A_595 : vector<16xf32>
        tpu.vector_store_idx %arg15[%add3A_581, %add3A_8], %add3A_596 : memref<1024x16xf32, #tpu.memory_space<vmem>>[vector<16xi32>, vector<16xi32>], vector<16xf32>,
        %get3A_597 = arith.constant 1 : i32
        %get3A_598 = arith.index_cast %get3A_597 : i32 to index
        %get3A_599 = arith.index_cast %add3A_579 : i32 to index
        %get3A_600 = tpu.vector_load %arg12[%get3A_598, %get3A_599] {strides = array<i32>} : memref<3x1024xf32, #tpu.memory_space<vmem>>, vector<16xf32>,
        %get3A_601 = arith.constant 1 : i32
        %get3A_602 = arith.index_cast %get3A_601 : i32 to index
        %get3A_603 = arith.index_cast %add3A_579 : i32 to index
        %get3A_604 = tpu.vector_load %arg13[%get3A_602, %get3A_603] {strides = array<i32>} : memref<3x1024xf32, #tpu.memory_space<vmem>>, vector<16xf32>,
        %get3A_605 = arith.index_cast %add3A_579 : i32 to index
        %get3A_606 = tpu.vector_load %arg14[%get3A_605] {strides = array<i32>} : memref<1024xf32, #tpu.memory_space<vmem>>, vector<16xf32>,
        %mul3A_607 = arith.mulf %get3A_604, %get3A_606 : vector<16xf32>
        %mul3A_608 = arith.constant 4.80320454 : f32
        %mul3A_609 = vector.broadcast %mul3A_608 : f32 to vector<16xf32>
        %mul3A_610 = arith.mulf %mul3A_607, %mul3A_609 : vector<16xf32>
        %add3A_611 = arith.addf %get3A_600, %mul3A_610 : vector<16xf32>
        tpu.vector_store_idx %arg15[%add3A_581, %add3A_14], %add3A_611 : memref<1024x16xf32, #tpu.memory_space<vmem>>[vector<16xi32>, vector<16xi32>], vector<16xf32>,
        %get3A_612 = arith.constant 2 : i32
        %get3A_613 = arith.index_cast %get3A_612 : i32 to index
        %get3A_614 = arith.index_cast %add3A_579 : i32 to index
        %get3A_615 = tpu.vector_load %arg12[%get3A_613, %get3A_614] {strides = array<i32>} : memref<3x1024xf32, #tpu.memory_space<vmem>>, vector<16xf32>,
        %get3A_616 = arith.constant 2 : i32
        %get3A_617 = arith.index_cast %get3A_616 : i32 to index
        %get3A_618 = arith.index_cast %add3A_579 : i32 to index
        %get3A_619 = tpu.vector_load %arg13[%get3A_617, %get3A_618] {strides = array<i32>} : memref<3x1024xf32, #tpu.memory_space<vmem>>, vector<16xf32>,
        %get3A_620 = arith.index_cast %add3A_579 : i32 to index
        %get3A_621 = tpu.vector_load %arg14[%get3A_620] {strides = array<i32>} : memref<1024xf32, #tpu.memory_space<vmem>>, vector<16xf32>,
        %mul3A_622 = arith.mulf %get3A_619, %get3A_621 : vector<16xf32>
        %mul3A_623 = arith.constant 4.80320454 : f32
        %mul3A_624 = vector.broadcast %mul3A_623 : f32 to vector<16xf32>
        %mul3A_625 = arith.mulf %mul3A_622, %mul3A_624 : vector<16xf32>
        %add3A_626 = arith.addf %get3A_615, %mul3A_625 : vector<16xf32>
        tpu.vector_store_idx %arg15[%add3A_581, %add3A_20], %add3A_626 : memref<1024x16xf32, #tpu.memory_space<vmem>>[vector<16xi32>, vector<16xi32>], vector<16xf32>,
      }
      %scan3A_334 = arith.constant 8 : i32
      %dma_start3A_335 = arith.constant 0 : i32
      %dma_start3A_336 = arith.constant 0 : i32
      %dma_start3A_337 = arith.constant 0 : i32
      %dma_start3A_338 = arith.constant 0 : i32
      %dma_start3A_339 = tpu.memref_slice %arg15[%dma_start3A_337, %dma_start3A_338] : memref<1024x16xf32, #tpu.memory_space<vmem>> -> memref<128x16xf32, #tpu.memory_space<vmem>>
      %dma_start3A_340 = arith.constant 0 : i32
      %dma_start3A_341 = tpu.memref_slice %arg16[%dma_start3A_335, %dma_start3A_336, %dma_start3A_340] : memref<2x8x128xi32, #tpu.memory_space<vmem>> -> memref<1x1x128xi32, #tpu.memory_space<vmem>>
      %dma_start3A_342 = tpu.memref_squeeze %dma_start3A_341 : memref<1x1x128xi32, #tpu.memory_space<vmem>> -> memref<128xi32, #tpu.memory_space<vmem>>
      %dma_start3A_343 = arith.constant 0 : i32
      %dma_start3A_344 = arith.constant 0 : i32
      %dma_start3A_345 = tpu.memref_slice %arg17[%dma_start3A_343, %dma_start3A_344] : memref<100096x16xf32, #tpu.memory_space<vmem_shared>> -> memref<100096x16xf32, #tpu.memory_space<vmem_shared>>
      tpu.enqueue_indirect_dma source(%dma_start3A_339 : memref<128x16xf32, #tpu.memory_space<vmem>>) target(%dma_start3A_345 : memref<100096x16xf32, #tpu.memory_space<vmem_shared>>) offsets(%dma_start3A_342 : memref<128xi32, #tpu.memory_space<vmem>>) semaphore(%arg19 : memref<!tpu.dma_semaphore, #tpu.memory_space<semaphore_mem>>) {add = true}
      %dma_start3A_346 = arith.constant 0 : i32
      %dma_start3A_347 = arith.constant 1 : i32
      %dma_start3A_348 = arith.constant 128 : i32
      %dma_start3A_349 = arith.constant 0 : i32
      %dma_start3A_350 = tpu.memref_slice %arg15[%dma_start3A_348, %dma_start3A_349] : memref<1024x16xf32, #tpu.memory_space<vmem>> -> memref<128x16xf32, #tpu.memory_space<vmem>>
      %dma_start3A_351 = arith.constant 0 : i32
      %dma_start3A_352 = tpu.memref_slice %arg16[%dma_start3A_346, %dma_start3A_347, %dma_start3A_351] : memref<2x8x128xi32, #tpu.memory_space<vmem>> -> memref<1x1x128xi32, #tpu.memory_space<vmem>>
      %dma_start3A_353 = tpu.memref_squeeze %dma_start3A_352 : memref<1x1x128xi32, #tpu.memory_space<vmem>> -> memref<128xi32, #tpu.memory_space<vmem>>
      %dma_start3A_354 = arith.constant 0 : i32
      %dma_start3A_355 = arith.constant 0 : i32
      %dma_start3A_356 = tpu.memref_slice %arg17[%dma_start3A_354, %dma_start3A_355] : memref<100096x16xf32, #tpu.memory_space<vmem_shared>> -> memref<100096x16xf32, #tpu.memory_space<vmem_shared>>
      tpu.enqueue_indirect_dma source(%dma_start3A_350 : memref<128x16xf32, #tpu.memory_space<vmem>>) target(%dma_start3A_356 : memref<100096x16xf32, #tpu.memory_space<vmem_shared>>) offsets(%dma_start3A_353 : memref<128xi32, #tpu.memory_space<vmem>>) semaphore(%arg19 : memref<!tpu.dma_semaphore, #tpu.memory_space<semaphore_mem>>) {add = true}
      %dma_start3A_357 = arith.constant 0 : i32
      %dma_start3A_358 = arith.constant 2 : i32
      %dma_start3A_359 = arith.constant 256 : i32
      %dma_start3A_360 = arith.constant 0 : i32
      %dma_start3A_361 = tpu.memref_slice %arg15[%dma_start3A_359, %dma_start3A_360] : memref<1024x16xf32, #tpu.memory_space<vmem>> -> memref<128x16xf32, #tpu.memory_space<vmem>>
      %dma_start3A_362 = arith.constant 0 : i32
      %dma_start3A_363 = tpu.memref_slice %arg16[%dma_start3A_357, %dma_start3A_358, %dma_start3A_362] : memref<2x8x128xi32, #tpu.memory_space<vmem>> -> memref<1x1x128xi32, #tpu.memory_space<vmem>>
      %dma_start3A_364 = tpu.memref_squeeze %dma_start3A_363 : memref<1x1x128xi32, #tpu.memory_space<vmem>> -> memref<128xi32, #tpu.memory_space<vmem>>
      %dma_start3A_365 = arith.constant 0 : i32
      %dma_start3A_366 = arith.constant 0 : i32
      %dma_start3A_367 = tpu.memref_slice %arg17[%dma_start3A_365, %dma_start3A_366] : memref<100096x16xf32, #tpu.memory_space<vmem_shared>> -> memref<100096x16xf32, #tpu.memory_space<vmem_shared>>
      tpu.enqueue_indirect_dma source(%dma_start3A_361 : memref<128x16xf32, #tpu.memory_space<vmem>>) target(%dma_start3A_367 : memref<100096x16xf32, #tpu.memory_space<vmem_shared>>) offsets(%dma_start3A_364 : memref<128xi32, #tpu.memory_space<vmem>>) semaphore(%arg19 : memref<!tpu.dma_semaphore, #tpu.memory_space<semaphore_mem>>) {add = true}
      %dma_start3A_368 = arith.constant 0 : i32
      %dma_start3A_369 = arith.constant 3 : i32
      %dma_start3A_370 = arith.constant 384 : i32
      %dma_start3A_371 = arith.constant 0 : i32
      %dma_start3A_372 = tpu.memref_slice %arg15[%dma_start3A_370, %dma_start3A_371] : memref<1024x16xf32, #tpu.memory_space<vmem>> -> memref<128x16xf32, #tpu.memory_space<vmem>>
      %dma_start3A_373 = arith.constant 0 : i32
      %dma_start3A_374 = tpu.memref_slice %arg16[%dma_start3A_368, %dma_start3A_369, %dma_start3A_373] : memref<2x8x128xi32, #tpu.memory_space<vmem>> -> memref<1x1x128xi32, #tpu.memory_space<vmem>>
      %dma_start3A_375 = tpu.memref_squeeze %dma_start3A_374 : memref<1x1x128xi32, #tpu.memory_space<vmem>> -> memref<128xi32, #tpu.memory_space<vmem>>
      %dma_start3A_376 = arith.constant 0 : i32
      %dma_start3A_377 = arith.constant 0 : i32
      %dma_start3A_378 = tpu.memref_slice %arg17[%dma_start3A_376, %dma_start3A_377] : memref<100096x16xf32, #tpu.memory_space<vmem_shared>> -> memref<100096x16xf32, #tpu.memory_space<vmem_shared>>
      tpu.enqueue_indirect_dma source(%dma_start3A_372 : memref<128x16xf32, #tpu.memory_space<vmem>>) target(%dma_start3A_378 : memref<100096x16xf32, #tpu.memory_space<vmem_shared>>) offsets(%dma_start3A_375 : memref<128xi32, #tpu.memory_space<vmem>>) semaphore(%arg19 : memref<!tpu.dma_semaphore, #tpu.memory_space<semaphore_mem>>) {add = true}
      %dma_wait3A_379 = arith.constant 0 : i32
      %dma_wait3A_380 = arith.constant 0 : i32
      %dma_wait3A_381 = arith.constant 0 : i32
      %dma_wait3A_382 = arith.constant 0 : i32
      %dma_wait3A_383 = tpu.memref_slice %arg15[%dma_wait3A_381, %dma_wait3A_382] : memref<1024x16xf32, #tpu.memory_space<vmem>> -> memref<128x16xf32, #tpu.memory_space<vmem>>
      %dma_wait3A_384 = arith.constant 0 : i32
      %dma_wait3A_385 = tpu.memref_slice %arg16[%dma_wait3A_379, %dma_wait3A_380, %dma_wait3A_384] : memref<2x8x128xi32, #tpu.memory_space<vmem>> -> memref<1x1x128xi32, #tpu.memory_space<vmem>>
      %dma_wait3A_386 = tpu.memref_squeeze %dma_wait3A_385 : memref<1x1x128xi32, #tpu.memory_space<vmem>> -> memref<128xi32, #tpu.memory_space<vmem>>
      %dma_wait3A_387 = arith.constant 0 : i32
      %dma_wait3A_388 = arith.constant 0 : i32
      %dma_wait3A_389 = tpu.memref_slice %arg17[%dma_wait3A_387, %dma_wait3A_388] : memref<100096x16xf32, #tpu.memory_space<vmem_shared>> -> memref<100096x16xf32, #tpu.memory_space<vmem_shared>>
      tpu.wait_indirect_dma semaphore(%arg19 : memref<!tpu.dma_semaphore, #tpu.memory_space<semaphore_mem>>) src(%dma_wait3A_383 : memref<128x16xf32, #tpu.memory_space<vmem>>) dst(%dma_wait3A_389 : memref<100096x16xf32, #tpu.memory_space<vmem_shared>>)
      %dma_wait3A_390 = arith.constant 0 : i32
      %dma_wait3A_391 = arith.constant 1 : i32
      %dma_wait3A_392 = arith.constant 128 : i32
      %dma_wait3A_393 = arith.constant 0 : i32
      %dma_wait3A_394 = tpu.memref_slice %arg15[%dma_wait3A_392, %dma_wait3A_393] : memref<1024x16xf32, #tpu.memory_space<vmem>> -> memref<128x16xf32, #tpu.memory_space<vmem>>
      %dma_wait3A_395 = arith.constant 0 : i32
      %dma_wait3A_396 = tpu.memref_slice %arg16[%dma_wait3A_390, %dma_wait3A_391, %dma_wait3A_395] : memref<2x8x128xi32, #tpu.memory_space<vmem>> -> memref<1x1x128xi32, #tpu.memory_space<vmem>>
      %dma_wait3A_397 = tpu.memref_squeeze %dma_wait3A_396 : memref<1x1x128xi32, #tpu.memory_space<vmem>> -> memref<128xi32, #tpu.memory_space<vmem>>
      %dma_wait3A_398 = arith.constant 0 : i32
      %dma_wait3A_399 = arith.constant 0 : i32
      %dma_wait3A_400 = tpu.memref_slice %arg17[%dma_wait3A_398, %dma_wait3A_399] : memref<100096x16xf32, #tpu.memory_space<vmem_shared>> -> memref<100096x16xf32, #tpu.memory_space<vmem_shared>>
      tpu.wait_indirect_dma semaphore(%arg19 : memref<!tpu.dma_semaphore, #tpu.memory_space<semaphore_mem>>) src(%dma_wait3A_394 : memref<128x16xf32, #tpu.memory_space<vmem>>) dst(%dma_wait3A_400 : memref<100096x16xf32, #tpu.memory_space<vmem_shared>>)
      %dma_wait3A_401 = arith.constant 0 : i32
      %dma_wait3A_402 = arith.constant 2 : i32
      %dma_wait3A_403 = arith.constant 256 : i32
      %dma_wait3A_404 = arith.constant 0 : i32
      %dma_wait3A_405 = tpu.memref_slice %arg15[%dma_wait3A_403, %dma_wait3A_404] : memref<1024x16xf32, #tpu.memory_space<vmem>> -> memref<128x16xf32, #tpu.memory_space<vmem>>
      %dma_wait3A_406 = arith.constant 0 : i32
      %dma_wait3A_407 = tpu.memref_slice %arg16[%dma_wait3A_401, %dma_wait3A_402, %dma_wait3A_406] : memref<2x8x128xi32, #tpu.memory_space<vmem>> -> memref<1x1x128xi32, #tpu.memory_space<vmem>>
      %dma_wait3A_408 = tpu.memref_squeeze %dma_wait3A_407 : memref<1x1x128xi32, #tpu.memory_space<vmem>> -> memref<128xi32, #tpu.memory_space<vmem>>
      %dma_wait3A_409 = arith.constant 0 : i32
      %dma_wait3A_410 = arith.constant 0 : i32
      %dma_wait3A_411 = tpu.memref_slice %arg17[%dma_wait3A_409, %dma_wait3A_410] : memref<100096x16xf32, #tpu.memory_space<vmem_shared>> -> memref<100096x16xf32, #tpu.memory_space<vmem_shared>>
      tpu.wait_indirect_dma semaphore(%arg19 : memref<!tpu.dma_semaphore, #tpu.memory_space<semaphore_mem>>) src(%dma_wait3A_405 : memref<128x16xf32, #tpu.memory_space<vmem>>) dst(%dma_wait3A_411 : memref<100096x16xf32, #tpu.memory_space<vmem_shared>>)
      %dma_wait3A_412 = arith.constant 0 : i32
      %dma_wait3A_413 = arith.constant 3 : i32
      %dma_wait3A_414 = arith.constant 384 : i32
      %dma_wait3A_415 = arith.constant 0 : i32
      %dma_wait3A_416 = tpu.memref_slice %arg15[%dma_wait3A_414, %dma_wait3A_415] : memref<1024x16xf32, #tpu.memory_space<vmem>> -> memref<128x16xf32, #tpu.memory_space<vmem>>
      %dma_wait3A_417 = arith.constant 0 : i32
      %dma_wait3A_418 = tpu.memref_slice %arg16[%dma_wait3A_412, %dma_wait3A_413, %dma_wait3A_417] : memref<2x8x128xi32, #tpu.memory_space<vmem>> -> memref<1x1x128xi32, #tpu.memory_space<vmem>>
      %dma_wait3A_419 = tpu.memref_squeeze %dma_wait3A_418 : memref<1x1x128xi32, #tpu.memory_space<vmem>> -> memref<128xi32, #tpu.memory_space<vmem>>
      %dma_wait3A_420 = arith.constant 0 : i32
      %dma_wait3A_421 = arith.constant 0 : i32
      %dma_wait3A_422 = tpu.memref_slice %arg17[%dma_wait3A_420, %dma_wait3A_421] : memref<100096x16xf32, #tpu.memory_space<vmem_shared>> -> memref<100096x16xf32, #tpu.memory_space<vmem_shared>>
      tpu.wait_indirect_dma semaphore(%arg19 : memref<!tpu.dma_semaphore, #tpu.memory_space<semaphore_mem>>) src(%dma_wait3A_416 : memref<128x16xf32, #tpu.memory_space<vmem>>) dst(%dma_wait3A_422 : memref<100096x16xf32, #tpu.memory_space<vmem_shared>>)
    } else {
    }
    %barrier3A_115 = arith.constant 0 : index
    tpu.barrier barrier_id(%barrier3A_115)
    "tpu.region"() ({
      %run_scoped3A = tpu.sem_alloc : memref<!tpu.dma_semaphore, #tpu.memory_space<semaphore_mem>>
      %dma_start3A = arith.constant 0 : i32
      %dma_start3A_116 = tpu.memref_slice %arg11[%arg0, %multiple_of3A, %dma_start3A] : memref<2x100096x16xf32, #tpu.memory_space<hbm>> -> memref<1x6256x16xf32, #tpu.memory_space<hbm>>
      %dma_start3A_117 = tpu.memref_squeeze %dma_start3A_116 : memref<1x6256x16xf32, #tpu.memory_space<hbm>> -> memref<6256x16xf32, #tpu.memory_space<hbm>>
      %dma_start3A_118 = arith.constant 0 : i32
      %dma_start3A_119 = tpu.memref_slice %arg17[%multiple_of3A, %dma_start3A_118] : memref<100096x16xf32, #tpu.memory_space<vmem_shared>> -> memref<6256x16xf32, #tpu.memory_space<vmem_shared>>
      tpu.enqueue_dma source(%dma_start3A_119 : memref<6256x16xf32, #tpu.memory_space<vmem_shared>>) target(%dma_start3A_117 : memref<6256x16xf32, #tpu.memory_space<hbm>>) target_semaphore(%run_scoped3A : memref<!tpu.dma_semaphore, #tpu.memory_space<semaphore_mem>>)
      %dma_wait3A_120 = arith.constant 0 : i32
      %dma_wait3A_121 = tpu.memref_slice %arg11[%arg0, %multiple_of3A, %dma_wait3A_120] : memref<2x100096x16xf32, #tpu.memory_space<hbm>> -> memref<1x6256x16xf32, #tpu.memory_space<hbm>>
      %dma_wait3A_122 = tpu.memref_squeeze %dma_wait3A_121 : memref<1x6256x16xf32, #tpu.memory_space<hbm>> -> memref<6256x16xf32, #tpu.memory_space<hbm>>
      %dma_wait3A_123 = arith.constant 0 : i32
      %dma_wait3A_124 = tpu.memref_slice %arg17[%multiple_of3A, %dma_wait3A_123] : memref<100096x16xf32, #tpu.memory_space<vmem_shared>> -> memref<6256x16xf32, #tpu.memory_space<vmem_shared>>
      tpu.wait_dma2 semaphore(%run_scoped3A : memref<!tpu.dma_semaphore, #tpu.memory_space<semaphore_mem>>) src(%dma_wait3A_124 : memref<6256x16xf32, #tpu.memory_space<vmem_shared>>) dst(%dma_wait3A_122 : memref<6256x16xf32, #tpu.memory_space<hbm>>)
      tpu.yield
    }) : () -> ()
    return
  }
}

module attributes {stable_mosaic.version = 14 : i64} {
  func.func @combine_body(%arg0: memref<2x12512x128xf32, #tpu.memory_space<vmem>>, %arg1: memref<12512x128xf32, #tpu.memory_space<vmem>>) attributes {dimension_semantics = [], scalar_prefetch = 0 : i64, scratch_operands = 0 : i64, tpu.core_type = #tpu.core_type<tc>} {
    %get3A = arith.constant 0 : index
    %get3A_0 = arith.constant 0 : index
    %get3A_1 = arith.constant 0 : index
    %get3A_2 = vector.load %arg0[%get3A, %get3A_0, %get3A_1] : memref<2x12512x128xf32, #tpu.memory_space<vmem>>, vector<1x12512x128xf32>
    %get3A_3 = vector.shape_cast %get3A_2 : vector<1x12512x128xf32> to vector<12512x128xf32>
    %get3A_4 = arith.constant 1 : index
    %get3A_5 = arith.constant 0 : index
    %get3A_6 = arith.constant 0 : index
    %get3A_7 = vector.load %arg0[%get3A_4, %get3A_5, %get3A_6] : memref<2x12512x128xf32, #tpu.memory_space<vmem>>, vector<1x12512x128xf32>
    %get3A_8 = vector.shape_cast %get3A_7 : vector<1x12512x128xf32> to vector<12512x128xf32>
    %add3A = arith.addf %get3A_3, %get3A_8 : vector<12512x128xf32>
    %swap3A = arith.constant 0 : index
    %swap3A_9 = arith.constant 0 : index
    %swap3A_10 = vector.load %arg1[%swap3A, %swap3A_9] : memref<12512x128xf32, #tpu.memory_space<vmem>>, vector<12512x128xf32>
    tpu.vector_store %arg1[%swap3A, %swap3A_9], %add3A {strides = array<i32>} : memref<12512x128xf32, #tpu.memory_space<vmem>>, vector<12512x128xf32>,
    return
  }
}

</mosaic_0001>

<sc_bundles>
// kernel: kernel.4.cloned.1.call-start
scs
__scs_entry_jumppad:
0x0: {  	(pc) =	sbr.rel $0x88, $3  }
0x1: {  	(tag) =	ssettag $0x0;
	lr =	simm.s32 $0x1  }
0x2: {  	[smem:$0x3F9D] =	sst lr;
	_ =	strace $0xD0000000  }
0x3: {  	_ = 	snop  }
0x4: {  	_ = 	snop  }
0x5: {  	_ = 	snop  }
0x6: {  	_ = 	snop  }
0x7: {  	_ = 	snop  }
__scs_overlays_trampoline_lowered:
0x8: {  	[smem:$0x3FAC] =	sst s0  }
0x9: {  	[smem:$0x3FAD] =	sst s1  }
0xa: {  	[smem:$0x3FAE] =	sst s2  }
0xb: {  	[smem:$0x3FAF] =	sst s3  }
0xc: {  	[smem:$0x3FB0] =	sst s4  }
0xd: {  	[smem:$0x3FB1] =	sst s5  }
0xe: {  	[smem:$0x3FB2] =	sst s6  }
0xf: {  	[smem:$0x3FB3] =	sst s7  }
0x10: {  	[smem:$0x3FB4] =	sst s8  }
0x11: {  	[smem:$0x3FB5] =	sst s9;
	s0 =	simm.s32 @!p0 $0x0  }
0x12: {  	s1 =	sld [smem:$0x3F9B];
	s0 =	simm.s32 @p0 $0x1  }
0x13: {  	[smem:$0x3FB6] =	sst s0;
	s0 =	simm.s32 @!p1 $0x0  }
0x14: {  	s2 =	sld [smem:$0x3F9A];
	s0 =	simm.s32 @p1 $0x1  }
0x15: {  	[smem:$0x3FB7] =	sst s0;
	s0 =	simm.s32 @!p2 $0x0  }
0x16: {  	s3 =	sld [smem:$0x3FDB];
	s0 =	simm.s32 @p2 $0x1  }
0x17: {  	s4 =	simm.s32 $0x1BF5;
	[smem:$0x3FB9] =	sst s0  }
0x18: {  	s0 =	sld [smem:$0x3F9C];
	_ =	swait.ge [sflag:s4], $0x0  }
0x19: {  	s7 =	sld [smem:$0x3F9D]  }
0x1a: {  	s8 =	sadd.s32 $0xFFFFE003, lr  }
0x1b: {  	s9 =	sadd.s32 $0xFFFFFEF7, lr;
	s5 =	simm.s32 $0xFFFFFFFF;
	p2 =	slt.u32 s8, $0xFFFFF086  }
0x1c: {  	p1 =	slt.u32 s9, $0xF7A;
	s5 =	simm.s32 @!p2 $0x0  }
0x1d: {  	s5 =	simm.s32 @p1 $0x1;
	p0 =	seq.s32 s7, s2  }
0x1e: {  	s7 =	smul.u32 @!p0 $0xF7A, s2;
	p2 =	seq.s32 @!p0 s5, $0x0  }
0x1f: {  	s9 =	smul.u32 $0xF7A, s1;
	s8 =	simm.s32 @!p0 $0x1BF5;
	p2 =	por !p2, p0  }
0x20: {  	[sflag:s8] =	ssyncset.s32 @!p0 $0xFFFFF086;
	s6 =	sadd.s32 @!p0 s3, s7;
	s7 =	simm.s32 @!p0 $0x108  }
0x21: {  	s3 =	sadd.s32 s3, s9;
	s6 =	sadd.s32 @!p0 $0x88, s6;
	s7 =	simm.s32 @p2 $0x1082  }
0x22: {  	[simem:s7], [sflag:s8] =	dma.local @!p0 [hbm:s6], $0xF7A  }
0x23: {  	s9 =	sor.u32 $0xD0000000, s2;
	s6 =	simm.s32 $0x108;
	_ =	swait.ge @!p0 [sflag:s8], $0x0  }
0x24: {  	s3 =	sadd.s32 $0x88, s3;
	s6 =	simm.s32 @!p1 $0x1082;
	[sflag:s4] =	ssyncset.s32 $0xFFFFF086  }
0x25: {  	[simem:s6], [sflag:s4] =	dma.local [hbm:s3], $0xF7A  }
0x26: {  	[smem:$0x3F9D] =	sst s1;
	(tag) =	ssettag s2;
	_ =	strace s9  }
0x27: {  	s1 =	sld [smem:$0x3FAD]  }
0x28: {  	s2 =	sld [smem:$0x3FAE]  }
0x29: {  	s4 =	sld [smem:$0x3FB0]  }
0x2a: {  	p0 =	seq.s32 s5, $0x0;
	s5 =	sld [smem:$0x3FB1]  }
0x2b: {  	s6 =	sld [smem:$0x3FB2]  }
0x2c: {  	s7 =	sld [smem:$0x3FB3]  }
0x2d: {  	s3 =	simm.s32 $0x108;
	s8 =	sld [smem:$0x3FB4]  }
0x2e: {  	s3 =	simm.s32 @!p0 $0x1082;
	s9 =	sld [smem:$0x3FB5]  }
0x2f: {  	lr =	sadd.s32 s0, s3;
	s0 =	sld [smem:$0x3FAC]  }
0x30: {  	s3 =	sld [smem:$0x3FAF]  }
0x31: {  	[smem:$0x3FB8] =	sst s10  }
0x32: {  	s10 =	sld [smem:$0x3FB6];
	_ =	sdelay $0x3  }
0x33: {  	p0 =	seq.s32 s10, $0x1;
	s10 =	sld [smem:$0x3FB8];
	_ =	sdelay $0x3  }
0x34: {  	[smem:$0x3FB8] =	sst s10  }
0x35: {  	s10 =	sld [smem:$0x3FB7];
	_ =	sdelay $0x3  }
0x36: {  	p1 =	seq.s32 s10, $0x1;
	s10 =	sld [smem:$0x3FB8];
	_ =	sdelay $0x3  }
0x37: {  	[smem:$0x3FB8] =	sst s10  }
0x38: {  	s10 =	sld [smem:$0x3FB9]  }
0x39: {  	_ = 	snop;
	(pc) =	sbr.ind lr, $3  }
0x3a: {  	_ = 	snop  }
0x3b: {  	_ = 	snop  }
0x3c: {  	p2 =	seq.s32 s10, $0x1;
	s10 =	sld [smem:$0x3FB8]  }
0x3d: {  	_ =	shalt  }
0x3e: {  	_ =	shalt  }
0x3f: {  	_ =	shalt  }
0x40: {  	_ =	shalt  }
0x41: {  	_ =	shalt  }
0x42: {  	_ =	shalt  }
0x43: {  	_ =	shalt  }
0x44: {  	_ =	shalt  }
0x45: {  	_ =	shalt  }
0x46: {  	_ =	shalt  }
0x47: {  	_ =	shalt  }
0x48: {  	_ =	shalt  }
0x49: {  	_ =	shalt  }
0x4a: {  	_ =	shalt  }
0x4b: {  	_ =	shalt  }
0x4c: {  	_ =	shalt  }
0x4d: {  	_ =	shalt  }
0x4e: {  	_ =	shalt  }
0x4f: {  	_ =	shalt  }
0x50: {  	_ =	shalt  }
0x51: {  	_ =	shalt  }
0x52: {  	_ =	shalt  }
0x53: {  	_ =	shalt  }
0x54: {  	_ =	shalt  }
0x55: {  	_ =	shalt  }
0x56: {  	_ =	shalt  }
0x57: {  	_ =	shalt  }
0x58: {  	_ =	shalt  }
0x59: {  	_ =	shalt  }
0x5a: {  	_ =	shalt  }
0x5b: {  	_ =	shalt  }
0x5c: {  	_ =	shalt  }
0x5d: {  	_ =	shalt  }
0x5e: {  	_ =	shalt  }
0x5f: {  	_ =	shalt  }
0x60: {  	_ =	shalt  }
0x61: {  	_ =	shalt  }
0x62: {  	_ =	shalt  }
0x63: {  	_ =	shalt  }
0x64: {  	_ =	shalt  }
0x65: {  	_ =	shalt  }
0x66: {  	_ =	shalt  }
0x67: {  	_ =	shalt  }
0x68: {  	_ =	shalt  }
0x69: {  	_ =	shalt  }
0x6a: {  	_ =	shalt  }
0x6b: {  	_ =	shalt  }
0x6c: {  	_ =	shalt  }
0x6d: {  	_ =	shalt  }
0x6e: {  	_ =	shalt  }
0x6f: {  	_ =	shalt  }
0x70: {  	_ =	shalt  }
0x71: {  	_ =	shalt  }
0x72: {  	_ =	shalt  }
0x73: {  	_ =	shalt  }
0x74: {  	_ =	shalt  }
0x75: {  	_ =	shalt  }
0x76: {  	_ =	shalt  }
0x77: {  	_ =	shalt  }
0x78: {  	_ =	shalt  }
0x79: {  	_ =	shalt  }
0x7a: {  	_ =	shalt  }
0x7b: {  	_ =	shalt  }
0x7c: {  	_ =	shalt  }
0x7d: {  	_ =	shalt  }
0x7e: {  	_ =	shalt  }
0x7f: {  	_ =	shalt  }
0x80: {  	_ =	shalt  }
0x81: {  	_ =	shalt  }
0x82: {  	_ =	shalt  }
0x83: {  	_ =	shalt  }
0x84: {  	_ =	shalt  }
0x85: {  	_ =	shalt  }
0x86: {  	_ =	shalt  }
0x87: {  	_ =	shalt  }
.Lfunc_end0:
.L_simem_size_0:
called_computation_lowered:
.L_overlay_start_0:
0x88: {  	s2 =	sld [smem:$0x3FD9]  }
0x89: {  	s3 =	sld [smem:$0x3FFE];
	_ =	sdelay $0x1  }
0x8a: {  	s1 =	srdreg.scid  }
0x8b: {  	s0 =	sand.u32 $0x1, s1  }
0x8c: {  	s17 =	sshll.u32 s0, $0xA;
	s2 =	sadd.s32 s3, s2  }
0x8d: {  	s2 =	sadd.s32 s2, s17  }
0x8e: {  	[smem:$0x3FC4] =	sst s2  }
0x8f: {  	_ = 	snop  }
0x90: {  	s2 =	sld [smem:$0x3FC8]  }
0x91: {  	s18 =	sld [smem:$0x3FC6]  }
0x92: {  	s4 =	sld [smem:$0x3FD0];
	(tm) =	ssettm $0x1  }
0x93: {  	s5 =	sld [smem:$0x3FFB];
	_ =	sdelay $0x3  }
0x94: {  	_ =	strace s5  }
0x95: {  	s5 =	sld [smem:$0x3FFC];
	_ =	sdelay $0x3  }
0x96: {  	_ =	strace s5  }
0x97: {  	s5 =	sld [smem:$0x3FFD];
	_ =	sdelay $0x3  }
0x98: {  	_ =	strace s5  }
0x99: {  	_ =	strace $0x8FFFFFFF  }
0x9a: {  	s19 =	sld [smem:$0x3FDB];
	_ =	sdelay $0x1  }
0x9b: {  	s6 =	simm.s32 $_scs_section_size  }
0x9c: {  	s7 =	simm.s32 $_size__tile_overlayer_lowered;
	s8 =	simm.s32 $_tile_overlayer_lowered  }
0x9d: {  	s22 =	simm.s32 $0x1BFF;
	s21 =	sshll.u32 s8, $0x1;
	s5 =	sadd.s32 s6, s19  }
0x9e: {  	s9 =	simm.s32 $0x0;
	s20 =	sshll.u32 s7, $0x1;
	s7 =	sadd.s32 s21, s5  }
0x9f: {  	[timem:s9], [sflag:s22] =	dma.local [hbm:s7], s20  }
0xa0: {  	_ =	swait.ge [sflag:s22], s20  }
0xa1: {  	s6 =	ssub.s32 $0x0, s20;
	[sflag:s22] =	ssyncset.done $0x0  }
0xa2: {  	[sflag:s22] =	ssyncadd.s32 s6;
	_ =	sdelay $0x1  }
0xa3: {  	s23 =	simm.s32 $0x1B8B  }
0xa4: {  	_ =	swait.ge [sflag:s23], $0x1  }
0xa5: {  	[sflag:s23] =	ssyncset.done $0x0  }
0xa6: {  	s25 =	simm.s32 $0x1B8E;
	s24 =	sld [smem:$0x3FFE];
	[sflag:s23] =	ssyncadd.s32 $0xFFFFFFFF  }
0xa7: {  	s26 =	simm.s32 $execute0_lowered;
	[smem:$0x3FD2] =	sst s25  }
0xa8: {  	s7 =	sshll.u32 s26, $0x1;
	_ =	strace $0x80000046;
	[dreg:$0x1] =	wrdreg $0xFFFFFFFF  }
0xa9: {  	s28 =	simm.s32 $_size_execute0_lowered;
	s5 =	sadd.s32 s5, s7;
	[dreg:$0x0] =	wrdreg $0x0  }
0xaa: {  	s7 =	sshll.u32 s28, $0x1;
	[dreg:$0x2] =	wrdreg s5  }
0xab: {  	[dreg:$0x3] =	wrdreg s7  }
0xac: {  	[dreg:$0x4] =	wrdreg $0xC0  }
0xad: {  	_ =	task [dreg:s9], $0x5FFFF  }
0xae: {  	[dreg:$0x1] =	wrdreg $0xFFFFFFFF  }
0xaf: {  	[dreg:$0x0] =	wrdreg $0x60  }
0xb0: {  	[dreg:$0x2] =	wrdreg s24  }
0xb1: {  	[dreg:$0x3] =	wrdreg s2  }
0xb2: {  	[dreg:$0x4] =	wrdreg s18  }
0xb3: {  	[dreg:$0x5] =	wrdreg s4  }
0xb4: {  	[dreg:$0x6] =	wrdreg $0x64000  }
0xb5: {  	[dreg:$0x7] =	wrdreg $0x9  }
0xb6: {  	_ =	task.clear_ibuf [dreg:s9], $0x8FFFF;
	_ =	strace $0x90000046  }
0xb7: {  	s29 =	simm.s32 $0x9;
	_ =	strace $0x80000048  }
0xb8: {  	_ =	swait.ge [sflag:s29], $0x1  }
0xb9: {  	[sflag:s29] =	ssyncadd.s32 $0xFFFFFFFF  }
0xba: {  	_ =	strace $0x90000048  }
0xbb: {  	_ =	sfence  }
0xbc: {  	s30 =	sld [smem:$0x0];
	_ =	sdelay $0x2  }
0xbd: {  	s31 =	sshll.u32 s1, $0xD;
	s1 =	sshrl.u32 s1, $0x2  }
0xbe: {  	s3 =	sand.u32 $0x4000, s31;
	s1 =	sadd.s32 s1, s30  }
0xbf: {  	s0 =	sor.u32 s3, s0;
	s1 =	sshll.u32 s1, $0x11  }
0xc0: {  	s0 =	sor.u32 s1, s0  }
0xc1: {  	s0 =	sadd.s32 $0x8F2B, s0  }
0xc2: {  	[sflag:s0] =	ssyncadd.remote.s32 $0x1  }
0xc3: {  	_ =	sfence.sel $0xFFFF  }
0xc4: {  	[dreg:$0x0] =	wrdreg $0xFFFFFFFF;
	(pc) =	sbr.abs _section_cstart, $3  }
0xc5: {  	[dreg:$0x1] =	wrdreg $0xFFFFFFFF  }
0xc6: {  	_ =	task.clear_ibuf [dreg:s9], $0x2FFFF;
	_ =	strace $0x9FFFFFFF  }
0xc7: {  	(tm) =	ssettm $0x7FFFFFFF  }
tec
execute0_lowered:
.L_overlay_start_1:
0x0: {  	(tag) =	ssettag $0x1  }
0x1: {  	s5 =	rddreg [dreg:$0x0]  }
0x2: {  	s8 =	rddreg [dreg:$0x1]  }
0x3: {  	s9 =	rddreg [dreg:$0x2]  }
0x4: {  	s6 =	rddreg [dreg:$0x4];
	s7 =	simm.s32 $0x0;
	s0 =	srdreg.scid  }
0x5: {  	s10 =	stileid.u32;
	[smem:$0x7FF] =	sst s7  }
0x6: {  	s0 =	sand.u32 $0x1, s0;
	s1 =	smul.u32 $0x18700, s10;
	s3 =	sadd.s32 $0x61C00, s5  }
0x7: {  	s25 =	sadd.s32 $0x30E00, s5;
	s26 =	sadd.s32 $0xF4600, s5;
	s28 =	sadd.s32 $0xC3800, s5  }
0x8: {  	s12 =	sadd.s32 $0x92A00, s5;
	s30 =	sshll.u32 s10, $0x1;
	s16 =	sadd.s32 $0x10, s9  }
0x9: {  	s17 =	sadd.s32 $0x20, s9;
	_ =	strace $0x80000047;
	[dreg:$0x6] =	wrdreg s3  }
0xa: {  	s18 =	sadd.s32 $0x30, s9;
	s19 =	sadd.s32 $0x40, s9;
	[dreg:$0x7] =	wrdreg s25  }
0xb: {  	s20 =	sadd.s32 $0x50, s9;
	s21 =	sadd.s32 $0x60, s9;
	[dreg:$0x8] =	wrdreg s26  }
0xc: {  	s22 =	sadd.s32 $0x70, s9;
	s14 =	sadd.s32 $0x61B00, s5;
	[dreg:$0x9] =	wrdreg s28  }
0xd: {  	s15 =	sadd.s32 $0x30D00, s5;
	s23 =	sadd.s32 $0x125300, s5;
	[dreg:$0xf] =	wrdreg s14  }
0xe: {  	s24 =	sadd.s32 $0xF4500, s5;
	s2 =	smul.u32 $0x187000, s0;
	[dreg:$0x10] =	wrdreg s15  }
0xf: {  	s29 =	ssub.s32 $0x2, s0;
	s13 =	sor.u32 s0, s30;
	[dreg:$0x11] =	wrdreg s23  }
0x10: {  	[dreg:$0x12] =	wrdreg s24;
	s25 =	sadd.s32 $0xC3700, s5;
	s26 =	sadd.s32 $0x30D00, s8  }
0x11: {  	s28 =	sadd.s32 $0x30D00, s9;
	s30 =	sadd.s32 $0x30D20, s9;
	[dreg:$0x13] =	wrdreg s25  }
0x12: {  	s23 =	simm.s32 $0x1;
	s14 =	simm.s32 $0x80;
	[dreg:$0x14] =	wrdreg s26  }
0x13: {  	s4 =	sshrl.u32 s29, $0x1;
	s31 =	sadd.s32 s1, s6;
	[dreg:$0x15] =	wrdreg s28  }
0x14: {  	p0 =	sne.s32 s13, $0x1F;
	[dreg:$0x17] =	wrdreg s30;
	s2 =	sadd.s32 s1, s2  }
0x15: {  	s3 =	ssub.s32 s29, s4;
	[dreg:$0xa] =	wrdreg s31;
	s4 =	sadd.s32 $0x92900, s5  }
0x16: {  	s1 =	sshll.u32 s10, $0x6;
	s29 =	sadd.s32 $0x30D10, s9;
	[dreg:$0xc] =	wrdreg s4  }
.Ltmp0:
0x17: {  	s31 =	sadd.s32 $0x30D30, s9;
	[dreg:$0x16] =	wrdreg s29;
	(pc) =	sbr.rel .LBB2_1-.Ltmp0, $4  }
0x18: {  	s2 =	sshrl.u32 s2, $0x3;
	s11 =	smax.u32 s3, $0x1;
	[dreg:$0x18] =	wrdreg s31  }
0x19: {  	s1 =	sor.u32 $0x1C03, s1;
	s2 =	sadd.s32 s2, s5;
	[dreg:$0xe] =	wrdreg s11  }
0x1a: {  	v0 =	vlaneseq.u32;
	s26 =	simm.s32 $0x1C00;
	[dreg:$0xb] =	wrdreg s1;
	s10 =	sadd.s32 $0x125400, s2  }
0x1b: {  	v0 =	vmul.u32 $0x10, v0;
	s3 =	simm.s32 $0x0;
	s2 =	simm.s32 $0x3;
	[dreg:$0xd] =	wrdreg s10  }
.LBB2_11:
0x1c: {  	[bflag:$0x0] =	sbarrier.arrive $0xFFFF  }
0x1d: {  	s1 =	rddreg [dreg:$0xb]  }
0x1e: {  	s0 =	rddreg [dreg:$0xd]  }
0x1f: {  	s2 =	rddreg [dreg:$0x1a]  }
0x20: {  	[hbm:s0], [sflag:s1] =	dma.local [spmem:s2], $0x30E0  }
0x21: {  	s2 =	simm.s32 $0x3  }
0x22: {  	_ =	swait.ge [sflag:s2], $0x30E0  }
0x23: {  	s3 =	sadd.s32 $0x1, s3;
	s31 =	rddreg [dreg:$0xe]  }
0x24: {  	p1 =	sne.s32 s3, s31  }
.Ltmp1:
0x25: {  	_ = 	snop;
	(pc) =	sbr.rel @!p1 .LBB2_12-.Ltmp1, $3  }
0x26: {  	_ =	sdelay $0x1  }
0x27: {  	[sflag:s2] =	ssyncset.done $0x0  }
0x28: {  	[sflag:s2] =	ssyncadd.s32 $0xFFFFCF20  }
.LBB2_1:
0x29: {  	[dreg:$0x19] =	wrdreg s3  }
0x2a: {  	s0 =	rddreg [dreg:$0xa]  }
0x2b: {  	s31 =	rddreg [dreg:$0x3];
	s30 =	sshrl.u32 s0, $0x3  }
0x2c: {  	[dreg:$0x1a] =	wrdreg s30  }
0x2d: {  	[spmem:s30], [sflag:s1] =	dma.local [hbm:s31], $0x30E0  }
.Ltmp2:
0x2e: {  	_ =	swait.ge [sflag:s2], $0x30E0;
	(pc) =	sbr.rel .LBB2_2-.Ltmp2, $4  }
0x2f: {  	[sflag:s2] =	ssyncset.done $0x0  }
0x30: {  	[sflag:s2] =	ssyncadd.s32 $0xFFFFCF20  }
0x31: {  	[bflag:$0x0] =	sbarrier.arrive $0xFFFF  }
0x32: {  	s2 =	simm.s32 $0x0  }
.LBB2_6:
0x33: {  	s2 =	sadd.s32 $0x1, s2  }
0x34: {  	p1 =	sne.s32 s2, $0x31  }
.Ltmp3:
0x35: {  	_ = 	snop;
	(pc) =	sbr.rel @!p1 .LBB2_7-.Ltmp3, $1  }
0x36: {  	_ =	sdelay $0x3  }
.LBB2_2:
0x37: {  	s0 =	sshll.u32 s2, $0x5  }
0x38: {  	s0 =	sor.u32 s13, s0  }
0x39: {  	p1 =	sgt.u32 s0, $0x619  }
.Ltmp4:
0x3a: {  	_ = 	snop;
	(pc) =	sbr.rel @p1 .LBB2_6-.Ltmp4, $1  }
0x3b: {  	_ =	sdelay $0x3  }
0x3c: {  	s8 =	sshll.u32 s0, $0x7;
	s9 =	rddreg [dreg:$0x6]  }
0x3d: {  	s10 =	rddreg [dreg:$0x7];
	s1 =	simm.s32 $0x400;
	s0 =	sadd.s32 s9, s8  }
0x3e: {  	[tilespmem:s7], [sflag:$0x1] =	stream.linear.gather [hbm4b:s0+s7], $0x400, $0x38;
	[tilespmem:$0x1EB00] =	vst v63  }
0x3f: {  	s11 =	rddreg [dreg:$0x0];
	s15 =	simm.s32 $0x800;
	s0 =	sadd.s32 s10, s8  }
0x40: {  	[tilespmem:s1], [sflag:$0x1] =	stream.linear.gather [hbm4b:s0+s7], $0x400, $0x38;
	[tilespmem:$0x1EB00] =	vst v63  }
0x41: {  	s24 =	rddreg [dreg:$0x8];
	s25 =	simm.s32 $0xC00;
	s0 =	sadd.s32 s11, s8  }
0x42: {  	[tilespmem:s15], [sflag:$0x1] =	stream.linear.gather [hbm4b:s0+s7], $0x400, $0x38;
	[tilespmem:$0x1EB00] =	vst v63  }
0x43: {  	s3 =	rddreg [dreg:$0x9];
	s4 =	simm.s32 $0x1000;
	s0 =	sadd.s32 s24, s8  }
0x44: {  	[tilespmem:s25], [sflag:$0x1] =	stream.linear.gather [hbm4b:s0+s7], $0x400, $0x38;
	[tilespmem:$0x1EB00] =	vst v63  }
0x45: {  	s5 =	sadd.s32 s12, s8;
	s9 =	simm.s32 $0x1400;
	s0 =	sadd.s32 s3, s8  }
0x46: {  	[tilespmem:s4], [sflag:$0x1] =	stream.linear.gather [hbm4b:s0+s7], $0x400, $0x38;
	[tilespmem:$0x1EB00] =	vst v63  }
0x47: {  	s10 =	rddreg [dreg:$0x1];
	s11 =	simm.s32 $0x1800;
	s15 =	sshll.u32 s2, $0xA  }
0x48: {  	[tilespmem:s9], [sflag:$0x1] =	stream.linear.gather [hbm4b:s5+s7], $0x400, $0x38;
	[tilespmem:$0x1EB00] =	vst v63  }
0x49: {  	s24 =	rddreg [dreg:$0x2];
	s0 =	sadd.s32 s10, s8;
	s4 =	sand.u32 $0x400, s15  }
0x4a: {  	[tilespmem:s11], [sflag:$0x1] =	stream.linear.gather [hbm4b:s0+s7], $0x400, $0x38;
	[tilespmem:$0x1EB00] =	vst v63  }
0x4b: {  	s3 =	sadd.s32 $0x5C00, s4;
	s0 =	sadd.s32 s24, s8  }
0x4c: {  	[tilespmem:s3], [sflag:$0x1] =	stream.linear.gather [hbm4b:s0+s7], $0x80, $0x38;
	[tilespmem:$0x1EB00] =	vst v63  }
0x4d: {  	s25 =	sadd.s32 s8, s16;
	s1 =	sadd.s32 $0x5C80, s4  }
0x4e: {  	[tilespmem:s1], [sflag:$0x1] =	stream.linear.gather [hbm4b:s25+s7], $0x80, $0x38;
	[tilespmem:$0x1EB00] =	vst v63  }
0x4f: {  	s29 =	sadd.s32 $0x5D00, s4;
	s5 =	sadd.s32 s8, s17  }
0x50: {  	[tilespmem:s29], [sflag:$0x1] =	stream.linear.gather [hbm4b:s5+s7], $0x80, $0x38;
	[tilespmem:$0x1EB00] =	vst v63  }
0x51: {  	s30 =	sadd.s32 $0x5D80, s4;
	s9 =	sadd.s32 s8, s18  }
0x52: {  	[tilespmem:s30], [sflag:$0x1] =	stream.linear.gather [hbm4b:s9+s7], $0x80, $0x38;
	[tilespmem:$0x1EB00] =	vst v63  }
0x53: {  	s10 =	sadd.s32 s8, s19;
	s31 =	sadd.s32 $0x5E00, s4  }
0x54: {  	[tilespmem:s31], [sflag:$0x1] =	stream.linear.gather [hbm4b:s10+s7], $0x80, $0x38;
	[tilespmem:$0x1EB00] =	vst v63  }
0x55: {  	s0 =	sadd.s32 $0x5E80, s4;
	s5 =	sadd.s32 s8, s20  }
0x56: {  	[tilespmem:s0], [sflag:$0x1] =	stream.linear.gather [hbm4b:s5+s7], $0x80, $0x38;
	[tilespmem:$0x1EB00] =	vst v63  }
0x57: {  	s9 =	sadd.s32 s8, s21;
	s5 =	sadd.s32 $0x5F00, s4  }
0x58: {  	[tilespmem:s5], [sflag:$0x1] =	stream.linear.gather [hbm4b:s9+s7], $0x80, $0x38;
	[tilespmem:$0x1EB00] =	vst v63  }
0x59: {  	p1 =	seq.s32 s2, $0x0;
	s8 =	sadd.s32 s8, s22;
	s4 =	sadd.s32 $0x5F80, s4  }
0x5a: {  	[tilespmem:s4], [sflag:$0x1] =	stream.linear.gather [hbm4b:s8+s7], $0x80, $0x38;
	[tilespmem:$0x1EB00] =	vst v63  }
0x5b: {  	s8 =	simm.s32 @!p1 $0x2  }
0x5c: {  	_ =	swait.ge @!p1 [sflag:s8], $0x800  }
0x5d: {  	[sflag:s8] =	ssyncset.done @!p1 $0x0  }
0x5e: {  	[sflag:s8] =	ssyncadd.s32 @!p1 $0xFFFFF800  }
0x5f: {  	_ =	swait.ge @!p1 [sflag:s8], $0x800  }
0x60: {  	[sflag:s8] =	ssyncset.done @!p1 $0x0  }
0x61: {  	[sflag:s8] =	ssyncadd.s32 @!p1 $0xFFFFF800  }
0x62: {  	_ =	swait.ge @!p1 [sflag:s8], $0x800  }
0x63: {  	[sflag:s8] =	ssyncset.done @!p1 $0x0  }
0x64: {  	[sflag:s8] =	ssyncadd.s32 @!p1 $0xFFFFF800  }
0x65: {  	_ =	swait.ge @!p1 [sflag:s8], $0x800  }
0x66: {  	[sflag:s8] =	ssyncset.done @!p1 $0x0  }
0x67: {  	[sflag:s8] =	ssyncadd.s32 @!p1 $0xFFFFF800  }
0x68: {  	_ =	swait.ge @!p1 [sflag:s8], $0x800  }
0x69: {  	[sflag:s8] =	ssyncset.done @!p1 $0x0  }
0x6a: {  	[sflag:s8] =	ssyncadd.s32 @!p1 $0xFFFFF800  }
0x6b: {  	_ =	swait.ge @!p1 [sflag:s8], $0x800  }
0x6c: {  	[sflag:s8] =	ssyncset.done @!p1 $0x0  }
0x6d: {  	[sflag:s8] =	ssyncadd.s32 @!p1 $0xFFFFF800  }
0x6e: {  	_ =	swait.ge @!p1 [sflag:s8], $0x800  }
0x6f: {  	[sflag:s8] =	ssyncset.done @!p1 $0x0  }
0x70: {  	[sflag:s8] =	ssyncadd.s32 @!p1 $0xFFFFF800  }
0x71: {  	_ =	swait.ge @!p1 [sflag:s8], $0x800  }
0x72: {  	[sflag:s8] =	ssyncset.done @!p1 $0x0  }
0x73: {  	[sflag:s8] =	ssyncadd.s32 @!p1 $0xFFFFF800  }
0x74: {  	_ =	swait.ge [sflag:s23], $0x400  }
0x75: {  	[sflag:s23] =	ssyncset.done $0x0  }
0x76: {  	[sflag:s23] =	ssyncadd.s32 $0xFFFFFC00  }
0x77: {  	_ =	swait.ge [sflag:s23], $0x400  }
0x78: {  	[sflag:s23] =	ssyncset.done $0x0  }
0x79: {  	[sflag:s23] =	ssyncadd.s32 $0xFFFFFC00  }
0x7a: {  	_ =	swait.ge [sflag:s23], $0x400  }
0x7b: {  	[sflag:s23] =	ssyncset.done $0x0  }
0x7c: {  	[sflag:s23] =	ssyncadd.s32 $0xFFFFFC00  }
0x7d: {  	_ =	swait.ge [sflag:s23], $0x400  }
0x7e: {  	[sflag:s23] =	ssyncset.done $0x0  }
0x7f: {  	[sflag:s23] =	ssyncadd.s32 $0xFFFFFC00  }
0x80: {  	_ =	swait.ge [sflag:s23], $0x400  }
0x81: {  	[sflag:s23] =	ssyncset.done $0x0  }
0x82: {  	[sflag:s23] =	ssyncadd.s32 $0xFFFFFC00  }
0x83: {  	_ =	swait.ge [sflag:s23], $0x400  }
0x84: {  	[sflag:s23] =	ssyncset.done $0x0  }
0x85: {  	[sflag:s23] =	ssyncadd.s32 $0xFFFFFC00  }
0x86: {  	_ =	swait.ge [sflag:s23], $0x400  }
0x87: {  	[sflag:s23] =	ssyncset.done $0x0  }
0x88: {  	[sflag:s23] =	ssyncadd.s32 $0xFFFFFC00  }
0x89: {  	_ =	swait.ge [sflag:s23], $0x80  }
0x8a: {  	[sflag:s23] =	ssyncset.done $0x0  }
0x8b: {  	[sflag:s23] =	ssyncadd.s32 $0xFFFFFF80  }
0x8c: {  	_ =	swait.ge [sflag:s23], $0x80  }
0x8d: {  	[sflag:s23] =	ssyncset.done $0x0  }
0x8e: {  	[sflag:s23] =	ssyncadd.s32 $0xFFFFFF80  }
0x8f: {  	_ =	swait.ge [sflag:s23], $0x80  }
0x90: {  	[sflag:s23] =	ssyncset.done $0x0  }
0x91: {  	[sflag:s23] =	ssyncadd.s32 $0xFFFFFF80  }
0x92: {  	_ =	swait.ge [sflag:s23], $0x80  }
0x93: {  	[sflag:s23] =	ssyncset.done $0x0  }
0x94: {  	[sflag:s23] =	ssyncadd.s32 $0xFFFFFF80  }
0x95: {  	_ =	swait.ge [sflag:s23], $0x80  }
0x96: {  	[sflag:s23] =	ssyncset.done $0x0  }
0x97: {  	[sflag:s23] =	ssyncadd.s32 $0xFFFFFF80  }
0x98: {  	_ =	swait.ge [sflag:s23], $0x80  }
0x99: {  	[sflag:s23] =	ssyncset.done $0x0  }
0x9a: {  	[sflag:s23] =	ssyncadd.s32 $0xFFFFFF80  }
0x9b: {  	_ =	swait.ge [sflag:s23], $0x80  }
0x9c: {  	[sflag:s23] =	ssyncset.done $0x0  }
0x9d: {  	[sflag:s23] =	ssyncadd.s32 $0xFFFFFF80  }
0x9e: {  	_ =	swait.ge [sflag:s23], $0x80  }
0x9f: {  	[sflag:s23] =	ssyncset.done $0x0  }
0xa0: {  	s25 =	simm.s32 $0x1020;
	[sflag:s23] =	ssyncadd.s32 $0xFFFFFF80  }
0xa1: {  	s24 =	simm.s32 $0x1820;
	v1 =	vld [tilespmem:s25+$0xFFFFFBE0]  }
0xa2: {  	v2 =	vld [tilespmem:s24+$0xFFFFFFE0];
	_ =	sdelay $0x2  }
0xa3: {  	s15 =	simm.s32 $0x420;
	s11 =	simm.s32 $0x0  }
0xa4: {  	v4 =	vmov s11;
	v3 =	vld [tilespmem:s15+$0xFFFFFBE0]  }
0xa5: {  	v4 =	vshll.u32 v4, $0x4;
	v1 =	vmul.f32 v2, v1  }
0xa6: {  	v2 =	vor.u32 v0, v4  }
0xa7: {  	v1 =	vmul.f32 $4.803204540e+00, v1;
	_ =	sdelay $0x1  }
0xa8: {  	v1 =	vadd.f32 v1, v3;
	_ =	sdelay $0x1  }
0xa9: {  	[tilespmem:v2+s26+$0x0] =	vst.idx.msk $0xffff, v1  }
0xaa: {  	v1 =	vld [tilespmem:s25+$0xFFFFFFE0]  }
0xab: {  	v3 =	vld [tilespmem:s24+$0xFFFFFFE0];
	_ =	sdelay $0x3  }
0xac: {  	v54 =	vld [tilespmem:s15+$0xFFFFFFE0]  }
0xad: {  	v1 =	vmul.f32 v3, v1  }
0xae: {  	v3 =	vor.u32 $0x1, v2  }
0xaf: {  	v1 =	vmul.f32 $4.803204540e+00, v1;
	_ =	sdelay $0x1  }
0xb0: {  	v1 =	vadd.f32 v1, v54;
	_ =	sdelay $0x1  }
0xb1: {  	[tilespmem:v3+s26+$0x0] =	vst.idx.msk $0xffff, v1  }
0xb2: {  	v1 =	vld [tilespmem:s25+$0x3E0]  }
0xb3: {  	v3 =	vld [tilespmem:s24+$0xFFFFFFE0];
	_ =	sdelay $0x3  }
0xb4: {  	v55 =	vld [tilespmem:s15+$0x3E0]  }
0xb5: {  	v1 =	vmul.f32 v3, v1  }
0xb6: {  	v2 =	vor.u32 $0x2, v2  }
0xb7: {  	v1 =	vmul.f32 $4.803204540e+00, v1;
	_ =	sdelay $0x1  }
0xb8: {  	v1 =	vadd.f32 v1, v55;
	_ =	sdelay $0x1  }
0xb9: {  	[tilespmem:v2+s26+$0x0] =	vst.idx.msk $0xffff, v1  }
0xba: {  	v1 =	vld [tilespmem:s25+$0xFFFFFBF0]  }
0xbb: {  	v2 =	vld [tilespmem:s24+$0xFFFFFFF0];
	_ =	sdelay $0x2  }
0xbc: {  	s9 =	simm.s32 $0x10  }
0xbd: {  	v3 =	vmov s9;
	v56 =	vld [tilespmem:s15+$0xFFFFFBF0]  }
0xbe: {  	v3 =	vshll.u32 v3, $0x4;
	v1 =	vmul.f32 v2, v1  }
0xbf: {  	v2 =	vor.u32 v0, v3  }
0xc0: {  	v1 =	vmul.f32 $4.803204540e+00, v1;
	_ =	sdelay $0x1  }
0xc1: {  	v1 =	vadd.f32 v1, v56;
	_ =	sdelay $0x1  }
0xc2: {  	[tilespmem:v2+s26+$0x0] =	vst.idx.msk $0xffff, v1  }
0xc3: {  	v1 =	vld [tilespmem:s25+$0xFFFFFFF0]  }
0xc4: {  	v3 =	vld [tilespmem:s24+$0xFFFFFFF0];
	_ =	sdelay $0x3  }
0xc5: {  	v57 =	vld [tilespmem:s15+$0xFFFFFFF0]  }
0xc6: {  	v1 =	vmul.f32 v3, v1  }
0xc7: {  	v3 =	vor.u32 $0x1, v2  }
0xc8: {  	v1 =	vmul.f32 $4.803204540e+00, v1;
	_ =	sdelay $0x1  }
0xc9: {  	v1 =	vadd.f32 v1, v57;
	_ =	sdelay $0x1  }
0xca: {  	[tilespmem:v3+s26+$0x0] =	vst.idx.msk $0xffff, v1  }
0xcb: {  	v1 =	vld [tilespmem:s25+$0x3F0]  }
0xcc: {  	v3 =	vld [tilespmem:s24+$0xFFFFFFF0];
	_ =	sdelay $0x3  }
0xcd: {  	v58 =	vld [tilespmem:s15+$0x3F0]  }
0xce: {  	v1 =	vmul.f32 v3, v1  }
0xcf: {  	v2 =	vor.u32 $0x2, v2  }
0xd0: {  	v1 =	vmul.f32 $4.803204540e+00, v1;
	_ =	sdelay $0x1  }
0xd1: {  	v1 =	vadd.f32 v1, v58;
	_ =	sdelay $0x1  }
0xd2: {  	[tilespmem:v2+s26+$0x0] =	vst.idx.msk $0xffff, v1  }
0xd3: {  	v1 =	vld [tilespmem:s25+$0xFFFFFC00]  }
0xd4: {  	v2 =	vld [tilespmem:s24+$0x0];
	_ =	sdelay $0x2  }
0xd5: {  	s10 =	simm.s32 $0x20  }
0xd6: {  	v3 =	vmov s10;
	v59 =	vld [tilespmem:s15+$0xFFFFFC00]  }
0xd7: {  	v3 =	vshll.u32 v3, $0x4;
	v1 =	vmul.f32 v2, v1  }
0xd8: {  	v2 =	vor.u32 v0, v3  }
0xd9: {  	v1 =	vmul.f32 $4.803204540e+00, v1;
	_ =	sdelay $0x1  }
0xda: {  	v1 =	vadd.f32 v1, v59;
	_ =	sdelay $0x1  }
0xdb: {  	[tilespmem:v2+s26+$0x0] =	vst.idx.msk $0xffff, v1  }
0xdc: {  	v1 =	vld [tilespmem:s25+$0x0]  }
0xdd: {  	v3 =	vld [tilespmem:s24+$0x0];
	_ =	sdelay $0x3  }
0xde: {  	v60 =	vld [tilespmem:s15+$0x0]  }
0xdf: {  	v1 =	vmul.f32 v3, v1  }
0xe0: {  	v3 =	vor.u32 $0x1, v2  }
0xe1: {  	v1 =	vmul.f32 $4.803204540e+00, v1;
	_ =	sdelay $0x1  }
0xe2: {  	v1 =	vadd.f32 v1, v60;
	_ =	sdelay $0x1  }
0xe3: {  	[tilespmem:v3+s26+$0x0] =	vst.idx.msk $0xffff, v1  }
0xe4: {  	v1 =	vld [tilespmem:s25+$0x400]  }
0xe5: {  	v3 =	vld [tilespmem:s24+$0x0];
	_ =	sdelay $0x3  }
0xe6: {  	v61 =	vld [tilespmem:s15+$0x400]  }
0xe7: {  	v1 =	vmul.f32 v3, v1  }
0xe8: {  	v2 =	vor.u32 $0x2, v2  }
0xe9: {  	v1 =	vmul.f32 $4.803204540e+00, v1;
	_ =	sdelay $0x1  }
0xea: {  	v1 =	vadd.f32 v1, v61;
	_ =	sdelay $0x1  }
0xeb: {  	[tilespmem:v2+s26+$0x0] =	vst.idx.msk $0xffff, v1  }
0xec: {  	v1 =	vld [tilespmem:s25+$0xFFFFFC10]  }
0xed: {  	v2 =	vld [tilespmem:s24+$0x10];
	_ =	sdelay $0x2  }
0xee: {  	s11 =	simm.s32 $0x30  }
0xef: {  	v62 =	vmov s11;
	v3 =	vld [tilespmem:s15+$0xFFFFFC10]  }
0xf0: {  	v4 =	vshll.u32 v62, $0x4;
	v2 =	vmul.f32 v2, v1  }
0xf1: {  	v1 =	vor.u32 v0, v4  }
0xf2: {  	v2 =	vmul.f32 $4.803204540e+00, v2;
	_ =	sdelay $0x1  }
0xf3: {  	v2 =	vadd.f32 v2, v3;
	_ =	sdelay $0x1  }
0xf4: {  	[tilespmem:v1+s26+$0x0] =	vst.idx.msk $0xffff, v2  }
0xf5: {  	v2 =	vld [tilespmem:s25+$0x10]  }
0xf6: {  	v3 =	vld [tilespmem:s24+$0x10];
	_ =	sdelay $0x3  }
0xf7: {  	v63 =	vld [tilespmem:s15+$0x10]  }
0xf8: {  	v2 =	vmul.f32 v3, v2  }
0xf9: {  	v3 =	vor.u32 $0x1, v1  }
0xfa: {  	v2 =	vmul.f32 $4.803204540e+00, v2;
	_ =	sdelay $0x1  }
0xfb: {  	v2 =	vadd.f32 v2, v63;
	_ =	sdelay $0x1  }
0xfc: {  	s28 =	simm.s32 $0x70;
	s8 =	simm.s32 $0x1020;
	s9 =	simm.s32 $0x420;
	[tilespmem:v3+s26+$0x0] =	vst.idx.msk $0xffff, v2  }
.LBB2_4:
0xfd: {  	v2 =	vld [tilespmem:s24+$0x10];
	s24 =	sadd.s32 $0x40, s24  }
0xfe: {  	s15 =	sadd.s32 $0x40, s15;
	s25 =	sadd.s32 $0x40, s25;
	s10 =	smov.u32 s28  }
0xff: {  	p1 =	sne.s32 s28, $0x3F0;
	s28 =	sadd.s32 $0x40, s28;
	v3 =	vld [tilespmem:s8+$0x410];
	s8 =	smov.u32 s25  }
0x100: {  	_ =	sdelay $0x1  }
0x101: {  	v4 =	vld [tilespmem:s9+$0x410];
	s9 =	smov.u32 s15;
	_ =	sdelay $0x1  }
0x102: {  	v1 =	vor.u32 $0x2, v1;
	v2 =	vmul.f32 v2, v3;
	_ =	sdelay $0x1  }
0x103: {  	v2 =	vmul.f32 $4.803204540e+00, v2;
	_ =	sdelay $0x1  }
0x104: {  	v2 =	vadd.f32 v2, v4;
	_ =	sdelay $0x1  }
0x105: {  	[tilespmem:v1+s26+$0x0] =	vst.idx.msk $0xffff, v2  }
0x106: {  	v1 =	vld [tilespmem:s25+$0xFFFFFBE0]  }
0x107: {  	v2 =	vld [tilespmem:s24+$0xFFFFFFE0];
	_ =	sdelay $0x2  }
0x108: {  	s11 =	sadd.s32 $0xFFFFFFD0, s10;
	v3 =	vld [tilespmem:s15+$0xFFFFFBE0]  }
0x109: {  	v4 =	vmov s11  }
0x10a: {  	v4 =	vshll.u32 v4, $0x4;
	v1 =	vmul.f32 v2, v1  }
0x10b: {  	v2 =	vor.u32 v0, v4  }
0x10c: {  	v1 =	vmul.f32 $4.803204540e+00, v1;
	_ =	sdelay $0x1  }
0x10d: {  	v1 =	vadd.f32 v1, v3;
	_ =	sdelay $0x1  }
0x10e: {  	[tilespmem:v2+s26+$0x0] =	vst.idx.msk $0xffff, v1  }
0x10f: {  	v1 =	vld [tilespmem:s25+$0xFFFFFFE0]  }
0x110: {  	v3 =	vld [tilespmem:s24+$0xFFFFFFE0];
	_ =	sdelay $0x3  }
0x111: {  	v4 =	vld [tilespmem:s15+$0xFFFFFFE0]  }
0x112: {  	v1 =	vmul.f32 v3, v1  }
0x113: {  	v3 =	vor.u32 $0x1, v2  }
0x114: {  	v1 =	vmul.f32 $4.803204540e+00, v1;
	_ =	sdelay $0x1  }
0x115: {  	v1 =	vadd.f32 v1, v4;
	_ =	sdelay $0x1  }
0x116: {  	[tilespmem:v3+s26+$0x0] =	vst.idx.msk $0xffff, v1  }
0x117: {  	v1 =	vld [tilespmem:s25+$0x3E0]  }
0x118: {  	v3 =	vld [tilespmem:s24+$0xFFFFFFE0];
	_ =	sdelay $0x3  }
0x119: {  	v4 =	vld [tilespmem:s15+$0x3E0]  }
0x11a: {  	v1 =	vmul.f32 v3, v1  }
0x11b: {  	v2 =	vor.u32 $0x2, v2  }
0x11c: {  	v1 =	vmul.f32 $4.803204540e+00, v1;
	_ =	sdelay $0x1  }
0x11d: {  	v1 =	vadd.f32 v1, v4;
	_ =	sdelay $0x1  }
0x11e: {  	[tilespmem:v2+s26+$0x0] =	vst.idx.msk $0xffff, v1  }
0x11f: {  	v1 =	vld [tilespmem:s25+$0xFFFFFBF0]  }
0x120: {  	v2 =	vld [tilespmem:s24+$0xFFFFFFF0];
	_ =	sdelay $0x2  }
0x121: {  	s11 =	sadd.s32 $0xFFFFFFE0, s10  }
0x122: {  	v3 =	vmov s11;
	v4 =	vld [tilespmem:s15+$0xFFFFFBF0]  }
0x123: {  	v3 =	vshll.u32 v3, $0x4;
	v1 =	vmul.f32 v2, v1  }
0x124: {  	v2 =	vor.u32 v0, v3  }
0x125: {  	v1 =	vmul.f32 $4.803204540e+00, v1;
	_ =	sdelay $0x1  }
0x126: {  	v1 =	vadd.f32 v1, v4;
	_ =	sdelay $0x1  }
0x127: {  	[tilespmem:v2+s26+$0x0] =	vst.idx.msk $0xffff, v1  }
0x128: {  	v1 =	vld [tilespmem:s25+$0xFFFFFFF0]  }
0x129: {  	v3 =	vld [tilespmem:s24+$0xFFFFFFF0]  }
0x12a: {  	v4 =	vld [tilespmem:s15+$0xFFFFFFF0];
	_ =	sdelay $0x3  }
0x12b: {  	v1 =	vmul.f32 v3, v1  }
0x12c: {  	v3 =	vor.u32 $0x1, v2  }
0x12d: {  	v1 =	vmul.f32 $4.803204540e+00, v1;
	_ =	sdelay $0x1  }
0x12e: {  	v1 =	vadd.f32 v1, v4;
	_ =	sdelay $0x1  }
0x12f: {  	[tilespmem:v3+s26+$0x0] =	vst.idx.msk $0xffff, v1  }
0x130: {  	v1 =	vld [tilespmem:s25+$0x3F0]  }
0x131: {  	v3 =	vld [tilespmem:s24+$0xFFFFFFF0];
	_ =	sdelay $0x3  }
0x132: {  	v4 =	vld [tilespmem:s15+$0x3F0]  }
0x133: {  	v1 =	vmul.f32 v3, v1  }
0x134: {  	v2 =	vor.u32 $0x2, v2  }
0x135: {  	v1 =	vmul.f32 $4.803204540e+00, v1;
	_ =	sdelay $0x1  }
0x136: {  	v1 =	vadd.f32 v1, v4;
	_ =	sdelay $0x1  }
0x137: {  	[tilespmem:v2+s26+$0x0] =	vst.idx.msk $0xffff, v1  }
0x138: {  	v1 =	vld [tilespmem:s25+$0xFFFFFC00]  }
0x139: {  	v2 =	vld [tilespmem:s24+$0x0];
	_ =	sdelay $0x2  }
0x13a: {  	s11 =	sadd.s32 $0xFFFFFFF0, s10  }
0x13b: {  	v3 =	vmov s11;
	v4 =	vld [tilespmem:s15+$0xFFFFFC00]  }
0x13c: {  	v3 =	vshll.u32 v3, $0x4;
	v1 =	vmul.f32 v2, v1  }
0x13d: {  	v2 =	vor.u32 v0, v3  }
0x13e: {  	v1 =	vmul.f32 $4.803204540e+00, v1;
	_ =	sdelay $0x1  }
0x13f: {  	v1 =	vadd.f32 v1, v4;
	_ =	sdelay $0x1  }
0x140: {  	[tilespmem:v2+s26+$0x0] =	vst.idx.msk $0xffff, v1  }
0x141: {  	v1 =	vld [tilespmem:s25+$0x0]  }
0x142: {  	v3 =	vld [tilespmem:s24+$0x0]  }
0x143: {  	v4 =	vld [tilespmem:s15+$0x0];
	_ =	sdelay $0x3  }
0x144: {  	v1 =	vmul.f32 v3, v1  }
0x145: {  	v3 =	vor.u32 $0x1, v2  }
0x146: {  	v1 =	vmul.f32 $4.803204540e+00, v1;
	_ =	sdelay $0x1  }
0x147: {  	v1 =	vadd.f32 v1, v4;
	_ =	sdelay $0x1  }
0x148: {  	[tilespmem:v3+s26+$0x0] =	vst.idx.msk $0xffff, v1  }
0x149: {  	v1 =	vld [tilespmem:s25+$0x400]  }
0x14a: {  	v3 =	vld [tilespmem:s24+$0x0]  }
0x14b: {  	v4 =	vld [tilespmem:s15+$0x400];
	_ =	sdelay $0x3  }
0x14c: {  	v1 =	vmul.f32 v3, v1  }
0x14d: {  	v2 =	vor.u32 $0x2, v2  }
0x14e: {  	v1 =	vmul.f32 $4.803204540e+00, v1;
	_ =	sdelay $0x1  }
0x14f: {  	v1 =	vadd.f32 v1, v4;
	_ =	sdelay $0x1  }
0x150: {  	[tilespmem:v2+s26+$0x0] =	vst.idx.msk $0xffff, v1  }
0x151: {  	v1 =	vld [tilespmem:s25+$0xFFFFFC10]  }
0x152: {  	v2 =	vld [tilespmem:s24+$0x10]  }
0x153: {  	v3 =	vld [tilespmem:s15+$0xFFFFFC10];
	_ =	sdelay $0x2  }
0x154: {  	v4 =	vmov s10  }
0x155: {  	v4 =	vshll.u32 v4, $0x4;
	v2 =	vmul.f32 v2, v1  }
0x156: {  	v1 =	vor.u32 v0, v4  }
0x157: {  	v2 =	vmul.f32 $4.803204540e+00, v2;
	_ =	sdelay $0x1  }
0x158: {  	v2 =	vadd.f32 v2, v3;
	_ =	sdelay $0x1  }
0x159: {  	[tilespmem:v1+s26+$0x0] =	vst.idx.msk $0xffff, v2  }
0x15a: {  	v2 =	vld [tilespmem:s25+$0x10]  }
0x15b: {  	v3 =	vld [tilespmem:s24+$0x10]  }
0x15c: {  	v4 =	vld [tilespmem:s15+$0x10];
	_ =	sdelay $0x3  }
0x15d: {  	v2 =	vmul.f32 v3, v2  }
0x15e: {  	v3 =	vor.u32 $0x1, v1  }
.Ltmp5:
0x15f: {  	v2 =	vmul.f32 $4.803204540e+00, v2;
	(pc) =	sbr.rel @p1 .LBB2_4-.Ltmp5, $3  }
0x160: {  	_ = 	snop  }
0x161: {  	v2 =	vadd.f32 v2, v4;
	_ =	sdelay $0x1  }
0x162: {  	[tilespmem:v3+s26+$0x0] =	vst.idx.msk $0xffff, v2  }
0x163: {  	v2 =	vld [tilespmem:s24+$0x10]  }
0x164: {  	v3 =	vld [tilespmem:s8+$0x410];
	_ =	sdelay $0x3  }
0x165: {  	v4 =	vld [tilespmem:s9+$0x410]  }
0x166: {  	v2 =	vmul.f32 v2, v3  }
0x167: {  	v1 =	vor.u32 $0x2, v1  }
0x168: {  	v2 =	vmul.f32 $4.803204540e+00, v2;
	_ =	sdelay $0x1  }
0x169: {  	v2 =	vadd.f32 v2, v4;
	_ =	sdelay $0x1  }
0x16a: {  	[tilespmem:v1+s26+$0x0] =	vst.idx.msk $0xffff, v2  }
0x16b: {  	[spmem:s6] =	stream.indirect.scatter.add.f32 [tilespmem:s26], [sflag:$0x2], $0x10, s3, s14, $0xb8;
	[tilespmem:$0x1EB00] =	vst v63  }
0x16c: {  	s15 =	simm.s32 $0x2400  }
0x16d: {  	[spmem:s6] =	stream.indirect.scatter.add.f32 [tilespmem:s15], [sflag:$0x2], $0x10, s1, s14, $0xb8;
	[tilespmem:$0x1EB00] =	vst v63  }
0x16e: {  	s24 =	simm.s32 $0x2C00  }
0x16f: {  	[spmem:s6] =	stream.indirect.scatter.add.f32 [tilespmem:s24], [sflag:$0x2], $0x10, s29, s14, $0xb8;
	[tilespmem:$0x1EB00] =	vst v63  }
0x170: {  	s25 =	simm.s32 $0x3400  }
0x171: {  	[spmem:s6] =	stream.indirect.scatter.add.f32 [tilespmem:s25], [sflag:$0x2], $0x10, s30, s14, $0xb8;
	[tilespmem:$0x1EB00] =	vst v63  }
0x172: {  	s28 =	simm.s32 $0x3C00  }
0x173: {  	[spmem:s6] =	stream.indirect.scatter.add.f32 [tilespmem:s28], [sflag:$0x2], $0x10, s31, s14, $0xb8;
	[tilespmem:$0x1EB00] =	vst v63  }
0x174: {  	s29 =	simm.s32 $0x4400  }
0x175: {  	[spmem:s6] =	stream.indirect.scatter.add.f32 [tilespmem:s29], [sflag:$0x2], $0x10, s0, s14, $0xb8;
	[tilespmem:$0x1EB00] =	vst v63  }
.Ltmp6:
0x176: {  	_ = 	snop;
	(pc) =	sbr.rel .LBB2_6-.Ltmp6, $4  }
0x177: {  	s30 =	simm.s32 $0x4C00  }
0x178: {  	[spmem:s6] =	stream.indirect.scatter.add.f32 [tilespmem:s30], [sflag:$0x2], $0x10, s5, s14, $0xb8;
	[tilespmem:$0x1EB00] =	vst v63  }
0x179: {  	s31 =	simm.s32 $0x5400  }
0x17a: {  	[spmem:s6] =	stream.indirect.scatter.add.f32 [tilespmem:s31], [sflag:$0x2], $0x10, s4, s14, $0xb8;
	[tilespmem:$0x1EB00] =	vst v63  }
.LBB2_7:
0x17b: {  	s0 =	simm.s32 $0x2  }
0x17c: {  	_ =	swait.ge [sflag:s0], $0x800  }
0x17d: {  	[sflag:s0] =	ssyncset.done $0x0  }
0x17e: {  	[sflag:s0] =	ssyncadd.s32 $0xFFFFF800  }
0x17f: {  	_ =	swait.ge [sflag:s0], $0x800  }
0x180: {  	[sflag:s0] =	ssyncset.done $0x0  }
0x181: {  	[sflag:s0] =	ssyncadd.s32 $0xFFFFF800  }
0x182: {  	_ =	swait.ge [sflag:s0], $0x800  }
0x183: {  	[sflag:s0] =	ssyncset.done $0x0  }
0x184: {  	[sflag:s0] =	ssyncadd.s32 $0xFFFFF800  }
0x185: {  	_ =	swait.ge [sflag:s0], $0x800  }
0x186: {  	[sflag:s0] =	ssyncset.done $0x0  }
0x187: {  	[sflag:s0] =	ssyncadd.s32 $0xFFFFF800  }
0x188: {  	_ =	swait.ge [sflag:s0], $0x800  }
0x189: {  	[sflag:s0] =	ssyncset.done $0x0  }
0x18a: {  	[sflag:s0] =	ssyncadd.s32 $0xFFFFF800  }
0x18b: {  	_ =	swait.ge [sflag:s0], $0x800  }
0x18c: {  	[sflag:s0] =	ssyncset.done $0x0  }
0x18d: {  	[sflag:s0] =	ssyncadd.s32 $0xFFFFF800  }
0x18e: {  	_ =	swait.ge [sflag:s0], $0x800  }
.Ltmp7:
0x18f: {  	[sflag:s0] =	ssyncset.done $0x0;
	(pc) =	sbr.rel @p0 .LBB2_11-.Ltmp7, $4  }
0x190: {  	[sflag:s0] =	ssyncadd.s32 $0xFFFFF800  }
0x191: {  	_ =	swait.ge [sflag:s0], $0x800  }
0x192: {  	[sflag:s0] =	ssyncset.done $0x0  }
0x193: {  	s3 =	rddreg [dreg:$0x19];
	[sflag:s0] =	ssyncadd.s32 $0xFFFFF800  }
0x194: {  	s0 =	rddreg [dreg:$0xc]  }
0x195: {  	[tilespmem:s7], [sflag:$0x1] =	stream.linear.gather [hbm4b:s0+s7], $0x200, $0x38;
	[tilespmem:$0x1EB00] =	vst v63  }
0x196: {  	s15 =	rddreg [dreg:$0xf];
	s1 =	simm.s32 $0x400  }
0x197: {  	[tilespmem:s1], [sflag:$0x1] =	stream.linear.gather [hbm4b:s15+s7], $0x200, $0x38;
	[tilespmem:$0x1EB00] =	vst v63  }
0x198: {  	s24 =	rddreg [dreg:$0x10];
	s25 =	simm.s32 $0x800  }
0x199: {  	[tilespmem:s25], [sflag:$0x1] =	stream.linear.gather [hbm4b:s24+s7], $0x200, $0x38;
	[tilespmem:$0x1EB00] =	vst v63  }
0x19a: {  	s28 =	rddreg [dreg:$0x11];
	s29 =	simm.s32 $0xC00  }
0x19b: {  	[tilespmem:s29], [sflag:$0x1] =	stream.linear.gather [hbm4b:s28+s7], $0x200, $0x38;
	[tilespmem:$0x1EB00] =	vst v63  }
0x19c: {  	s30 =	rddreg [dreg:$0x12];
	s31 =	simm.s32 $0x1000  }
0x19d: {  	[tilespmem:s31], [sflag:$0x1] =	stream.linear.gather [hbm4b:s30+s7], $0x200, $0x38;
	[tilespmem:$0x1EB00] =	vst v63  }
0x19e: {  	s2 =	rddreg [dreg:$0x13];
	s3 =	simm.s32 $0x1400  }
0x19f: {  	[tilespmem:s3], [sflag:$0x1] =	stream.linear.gather [hbm4b:s2+s7], $0x200, $0x38;
	[tilespmem:$0x1EB00] =	vst v63  }
0x1a0: {  	s4 =	rddreg [dreg:$0x14];
	s5 =	simm.s32 $0x1800  }
0x1a1: {  	[tilespmem:s5], [sflag:$0x1] =	stream.linear.gather [hbm4b:s4+s7], $0x200, $0x38;
	[tilespmem:$0x1EB00] =	vst v63  }
0x1a2: {  	s8 =	rddreg [dreg:$0x15];
	s9 =	simm.s32 $0x5C00  }
0x1a3: {  	[tilespmem:s9], [sflag:$0x1] =	stream.linear.gather [hbm4b:s8+s7], $0x80, $0x38;
	[tilespmem:$0x1EB00] =	vst v63  }
0x1a4: {  	s10 =	rddreg [dreg:$0x16];
	s11 =	simm.s32 $0x5C80  }
0x1a5: {  	[tilespmem:s11], [sflag:$0x1] =	stream.linear.gather [hbm4b:s10+s7], $0x80, $0x38;
	[tilespmem:$0x1EB00] =	vst v63  }
0x1a6: {  	s15 =	rddreg [dreg:$0x17];
	s24 =	simm.s32 $0x5D00  }
0x1a7: {  	[tilespmem:s24], [sflag:$0x1] =	stream.linear.gather [hbm4b:s15+s7], $0x80, $0x38;
	[tilespmem:$0x1EB00] =	vst v63  }
0x1a8: {  	s25 =	rddreg [dreg:$0x18];
	s28 =	simm.s32 $0x5D80  }
0x1a9: {  	[tilespmem:s28], [sflag:$0x1] =	stream.linear.gather [hbm4b:s25+s7], $0x80, $0x38;
	[tilespmem:$0x1EB00] =	vst v63  }
0x1aa: {  	_ =	swait.ge [sflag:s23], $0x200  }
0x1ab: {  	[sflag:s23] =	ssyncset.done $0x0  }
0x1ac: {  	[sflag:s23] =	ssyncadd.s32 $0xFFFFFE00  }
0x1ad: {  	_ =	swait.ge [sflag:s23], $0x200  }
0x1ae: {  	[sflag:s23] =	ssyncset.done $0x0  }
0x1af: {  	[sflag:s23] =	ssyncadd.s32 $0xFFFFFE00  }
0x1b0: {  	_ =	swait.ge [sflag:s23], $0x200  }
0x1b1: {  	[sflag:s23] =	ssyncset.done $0x0  }
0x1b2: {  	[sflag:s23] =	ssyncadd.s32 $0xFFFFFE00  }
0x1b3: {  	_ =	swait.ge [sflag:s23], $0x200  }
0x1b4: {  	[sflag:s23] =	ssyncset.done $0x0  }
0x1b5: {  	[sflag:s23] =	ssyncadd.s32 $0xFFFFFE00  }
0x1b6: {  	_ =	swait.ge [sflag:s23], $0x200  }
0x1b7: {  	[sflag:s23] =	ssyncset.done $0x0  }
0x1b8: {  	[sflag:s23] =	ssyncadd.s32 $0xFFFFFE00  }
0x1b9: {  	_ =	swait.ge [sflag:s23], $0x200  }
0x1ba: {  	[sflag:s23] =	ssyncset.done $0x0  }
0x1bb: {  	[sflag:s23] =	ssyncadd.s32 $0xFFFFFE00  }
0x1bc: {  	_ =	swait.ge [sflag:s23], $0x200  }
0x1bd: {  	[sflag:s23] =	ssyncset.done $0x0  }
0x1be: {  	[sflag:s23] =	ssyncadd.s32 $0xFFFFFE00  }
0x1bf: {  	_ =	swait.ge [sflag:s23], $0x80  }
0x1c0: {  	[sflag:s23] =	ssyncset.done $0x0  }
0x1c1: {  	[sflag:s23] =	ssyncadd.s32 $0xFFFFFF80  }
0x1c2: {  	_ =	swait.ge [sflag:s23], $0x80  }
0x1c3: {  	[sflag:s23] =	ssyncset.done $0x0  }
0x1c4: {  	[sflag:s23] =	ssyncadd.s32 $0xFFFFFF80  }
0x1c5: {  	_ =	swait.ge [sflag:s23], $0x80  }
0x1c6: {  	[sflag:s23] =	ssyncset.done $0x0  }
0x1c7: {  	[sflag:s23] =	ssyncadd.s32 $0xFFFFFF80  }
0x1c8: {  	_ =	swait.ge [sflag:s23], $0x80  }
0x1c9: {  	[sflag:s23] =	ssyncset.done $0x0  }
0x1ca: {  	s1 =	simm.s32 $0x1020;
	[sflag:s23] =	ssyncadd.s32 $0xFFFFFF80  }
0x1cb: {  	s0 =	simm.s32 $0x1820;
	v1 =	vld [tilespmem:s1+$0xFFFFFBE0]  }
0x1cc: {  	v2 =	vld [tilespmem:s0+$0xFFFFFFE0];
	_ =	sdelay $0x2  }
0x1cd: {  	s2 =	simm.s32 $0x420;
	s3 =	simm.s32 $0x0  }
0x1ce: {  	v4 =	vmov s3;
	v3 =	vld [tilespmem:s2+$0xFFFFFBE0]  }
0x1cf: {  	v4 =	vshll.u32 v4, $0x4;
	v1 =	vmul.f32 v2, v1  }
0x1d0: {  	v2 =	vor.u32 v0, v4  }
0x1d1: {  	v1 =	vmul.f32 $4.803204540e+00, v1;
	_ =	sdelay $0x1  }
0x1d2: {  	v1 =	vadd.f32 v1, v3;
	_ =	sdelay $0x1  }
0x1d3: {  	[tilespmem:v2+s26+$0x0] =	vst.idx.msk $0xffff, v1  }
0x1d4: {  	v1 =	vld [tilespmem:s1+$0xFFFFFFE0]  }
0x1d5: {  	v3 =	vld [tilespmem:s0+$0xFFFFFFE0];
	_ =	sdelay $0x3  }
0x1d6: {  	v54 =	vld [tilespmem:s2+$0xFFFFFFE0]  }
0x1d7: {  	v1 =	vmul.f32 v3, v1  }
0x1d8: {  	v3 =	vor.u32 $0x1, v2  }
0x1d9: {  	v1 =	vmul.f32 $4.803204540e+00, v1;
	_ =	sdelay $0x1  }
0x1da: {  	v1 =	vadd.f32 v1, v54;
	_ =	sdelay $0x1  }
0x1db: {  	[tilespmem:v3+s26+$0x0] =	vst.idx.msk $0xffff, v1  }
0x1dc: {  	v1 =	vld [tilespmem:s1+$0x3E0]  }
0x1dd: {  	v3 =	vld [tilespmem:s0+$0xFFFFFFE0];
	_ =	sdelay $0x3  }
0x1de: {  	v55 =	vld [tilespmem:s2+$0x3E0]  }
0x1df: {  	v1 =	vmul.f32 v3, v1  }
0x1e0: {  	v2 =	vor.u32 $0x2, v2  }
0x1e1: {  	v1 =	vmul.f32 $4.803204540e+00, v1;
	_ =	sdelay $0x1  }
0x1e2: {  	v1 =	vadd.f32 v1, v55;
	_ =	sdelay $0x1  }
0x1e3: {  	[tilespmem:v2+s26+$0x0] =	vst.idx.msk $0xffff, v1  }
0x1e4: {  	v1 =	vld [tilespmem:s1+$0xFFFFFBF0]  }
0x1e5: {  	v2 =	vld [tilespmem:s0+$0xFFFFFFF0];
	_ =	sdelay $0x2  }
0x1e6: {  	s29 =	simm.s32 $0x10  }
0x1e7: {  	v3 =	vmov s29;
	v56 =	vld [tilespmem:s2+$0xFFFFFBF0]  }
0x1e8: {  	v3 =	vshll.u32 v3, $0x4;
	v1 =	vmul.f32 v2, v1  }
0x1e9: {  	v2 =	vor.u32 v0, v3  }
0x1ea: {  	v1 =	vmul.f32 $4.803204540e+00, v1;
	_ =	sdelay $0x1  }
0x1eb: {  	v1 =	vadd.f32 v1, v56;
	_ =	sdelay $0x1  }
0x1ec: {  	[tilespmem:v2+s26+$0x0] =	vst.idx.msk $0xffff, v1  }
0x1ed: {  	v1 =	vld [tilespmem:s1+$0xFFFFFFF0]  }
0x1ee: {  	v3 =	vld [tilespmem:s0+$0xFFFFFFF0];
	_ =	sdelay $0x3  }
0x1ef: {  	v57 =	vld [tilespmem:s2+$0xFFFFFFF0]  }
0x1f0: {  	v1 =	vmul.f32 v3, v1  }
0x1f1: {  	v3 =	vor.u32 $0x1, v2  }
0x1f2: {  	v1 =	vmul.f32 $4.803204540e+00, v1;
	_ =	sdelay $0x1  }
0x1f3: {  	v1 =	vadd.f32 v1, v57;
	_ =	sdelay $0x1  }
0x1f4: {  	[tilespmem:v3+s26+$0x0] =	vst.idx.msk $0xffff, v1  }
0x1f5: {  	v1 =	vld [tilespmem:s1+$0x3F0]  }
0x1f6: {  	v3 =	vld [tilespmem:s0+$0xFFFFFFF0];
	_ =	sdelay $0x3  }
0x1f7: {  	v58 =	vld [tilespmem:s2+$0x3F0]  }
0x1f8: {  	v1 =	vmul.f32 v3, v1  }
0x1f9: {  	v2 =	vor.u32 $0x2, v2  }
0x1fa: {  	v1 =	vmul.f32 $4.803204540e+00, v1;
	_ =	sdelay $0x1  }
0x1fb: {  	v1 =	vadd.f32 v1, v58;
	_ =	sdelay $0x1  }
0x1fc: {  	[tilespmem:v2+s26+$0x0] =	vst.idx.msk $0xffff, v1  }
0x1fd: {  	v1 =	vld [tilespmem:s1+$0xFFFFFC00]  }
0x1fe: {  	v2 =	vld [tilespmem:s0+$0x0];
	_ =	sdelay $0x2  }
0x1ff: {  	s30 =	simm.s32 $0x20  }
0x200: {  	v3 =	vmov s30;
	v59 =	vld [tilespmem:s2+$0xFFFFFC00]  }
0x201: {  	v3 =	vshll.u32 v3, $0x4;
	v1 =	vmul.f32 v2, v1  }
0x202: {  	v2 =	vor.u32 v0, v3  }
0x203: {  	v1 =	vmul.f32 $4.803204540e+00, v1;
	_ =	sdelay $0x1  }
0x204: {  	v1 =	vadd.f32 v1, v59;
	_ =	sdelay $0x1  }
0x205: {  	[tilespmem:v2+s26+$0x0] =	vst.idx.msk $0xffff, v1  }
0x206: {  	v1 =	vld [tilespmem:s1+$0x0]  }
0x207: {  	v3 =	vld [tilespmem:s0+$0x0];
	_ =	sdelay $0x3  }
0x208: {  	v60 =	vld [tilespmem:s2+$0x0]  }
0x209: {  	v1 =	vmul.f32 v3, v1  }
0x20a: {  	v3 =	vor.u32 $0x1, v2  }
0x20b: {  	v1 =	vmul.f32 $4.803204540e+00, v1;
	_ =	sdelay $0x1  }
0x20c: {  	v1 =	vadd.f32 v1, v60;
	_ =	sdelay $0x1  }
0x20d: {  	[tilespmem:v3+s26+$0x0] =	vst.idx.msk $0xffff, v1  }
0x20e: {  	v1 =	vld [tilespmem:s1+$0x400]  }
0x20f: {  	v3 =	vld [tilespmem:s0+$0x0];
	_ =	sdelay $0x3  }
0x210: {  	v61 =	vld [tilespmem:s2+$0x400]  }
0x211: {  	v1 =	vmul.f32 v3, v1  }
0x212: {  	v2 =	vor.u32 $0x2, v2  }
0x213: {  	v1 =	vmul.f32 $4.803204540e+00, v1;
	_ =	sdelay $0x1  }
0x214: {  	v1 =	vadd.f32 v1, v61;
	_ =	sdelay $0x1  }
0x215: {  	[tilespmem:v2+s26+$0x0] =	vst.idx.msk $0xffff, v1  }
0x216: {  	v1 =	vld [tilespmem:s1+$0xFFFFFC10]  }
0x217: {  	v2 =	vld [tilespmem:s0+$0x10];
	_ =	sdelay $0x2  }
0x218: {  	s31 =	simm.s32 $0x30  }
0x219: {  	v62 =	vmov s31;
	v3 =	vld [tilespmem:s2+$0xFFFFFC10]  }
0x21a: {  	v4 =	vshll.u32 v62, $0x4;
	v2 =	vmul.f32 v2, v1  }
0x21b: {  	v1 =	vor.u32 v0, v4  }
0x21c: {  	v2 =	vmul.f32 $4.803204540e+00, v2;
	_ =	sdelay $0x1  }
0x21d: {  	v2 =	vadd.f32 v2, v3;
	_ =	sdelay $0x1  }
0x21e: {  	[tilespmem:v1+s26+$0x0] =	vst.idx.msk $0xffff, v2  }
0x21f: {  	v2 =	vld [tilespmem:s1+$0x10]  }
0x220: {  	v3 =	vld [tilespmem:s0+$0x10];
	_ =	sdelay $0x3  }
0x221: {  	v63 =	vld [tilespmem:s2+$0x10]  }
0x222: {  	v2 =	vmul.f32 v3, v2  }
0x223: {  	v3 =	vor.u32 $0x1, v1  }
0x224: {  	v2 =	vmul.f32 $4.803204540e+00, v2;
	_ =	sdelay $0x1  }
0x225: {  	v2 =	vadd.f32 v2, v63;
	_ =	sdelay $0x1  }
0x226: {  	s3 =	simm.s32 $0x70;
	s4 =	simm.s32 $0x1020;
	s5 =	simm.s32 $0x420;
	[tilespmem:v3+s26+$0x0] =	vst.idx.msk $0xffff, v2  }
.LBB2_9:
0x227: {  	v2 =	vld [tilespmem:s0+$0x10];
	s0 =	sadd.s32 $0x40, s0  }
0x228: {  	s2 =	sadd.s32 $0x40, s2;
	s1 =	sadd.s32 $0x40, s1;
	s8 =	smov.u32 s3  }
0x229: {  	p1 =	sne.s32 s3, $0x1F0;
	s3 =	sadd.s32 $0x40, s3;
	v3 =	vld [tilespmem:s4+$0x410];
	s4 =	smov.u32 s1  }
0x22a: {  	_ =	sdelay $0x1  }
0x22b: {  	v4 =	vld [tilespmem:s5+$0x410];
	s5 =	smov.u32 s2;
	_ =	sdelay $0x1  }
0x22c: {  	v1 =	vor.u32 $0x2, v1;
	v2 =	vmul.f32 v2, v3;
	_ =	sdelay $0x1  }
0x22d: {  	v2 =	vmul.f32 $4.803204540e+00, v2;
	_ =	sdelay $0x1  }
0x22e: {  	v2 =	vadd.f32 v2, v4;
	_ =	sdelay $0x1  }
0x22f: {  	[tilespmem:v1+s26+$0x0] =	vst.idx.msk $0xffff, v2  }
0x230: {  	v1 =	vld [tilespmem:s1+$0xFFFFFBE0]  }
0x231: {  	v2 =	vld [tilespmem:s0+$0xFFFFFFE0];
	_ =	sdelay $0x2  }
0x232: {  	s9 =	sadd.s32 $0xFFFFFFD0, s8;
	v3 =	vld [tilespmem:s2+$0xFFFFFBE0]  }
0x233: {  	v4 =	vmov s9  }
0x234: {  	v4 =	vshll.u32 v4, $0x4;
	v1 =	vmul.f32 v2, v1  }
0x235: {  	v2 =	vor.u32 v0, v4  }
0x236: {  	v1 =	vmul.f32 $4.803204540e+00, v1;
	_ =	sdelay $0x1  }
0x237: {  	v1 =	vadd.f32 v1, v3;
	_ =	sdelay $0x1  }
0x238: {  	[tilespmem:v2+s26+$0x0] =	vst.idx.msk $0xffff, v1  }
0x239: {  	v1 =	vld [tilespmem:s1+$0xFFFFFFE0]  }
0x23a: {  	v3 =	vld [tilespmem:s0+$0xFFFFFFE0];
	_ =	sdelay $0x3  }
0x23b: {  	v4 =	vld [tilespmem:s2+$0xFFFFFFE0]  }
0x23c: {  	v1 =	vmul.f32 v3, v1  }
0x23d: {  	v3 =	vor.u32 $0x1, v2  }
0x23e: {  	v1 =	vmul.f32 $4.803204540e+00, v1;
	_ =	sdelay $0x1  }
0x23f: {  	v1 =	vadd.f32 v1, v4;
	_ =	sdelay $0x1  }
0x240: {  	[tilespmem:v3+s26+$0x0] =	vst.idx.msk $0xffff, v1  }
0x241: {  	v1 =	vld [tilespmem:s1+$0x3E0]  }
0x242: {  	v3 =	vld [tilespmem:s0+$0xFFFFFFE0];
	_ =	sdelay $0x3  }
0x243: {  	v4 =	vld [tilespmem:s2+$0x3E0]  }
0x244: {  	v1 =	vmul.f32 v3, v1  }
0x245: {  	v2 =	vor.u32 $0x2, v2  }
0x246: {  	v1 =	vmul.f32 $4.803204540e+00, v1;
	_ =	sdelay $0x1  }
0x247: {  	v1 =	vadd.f32 v1, v4;
	_ =	sdelay $0x1  }
0x248: {  	[tilespmem:v2+s26+$0x0] =	vst.idx.msk $0xffff, v1  }
0x249: {  	v1 =	vld [tilespmem:s1+$0xFFFFFBF0]  }
0x24a: {  	v2 =	vld [tilespmem:s0+$0xFFFFFFF0];
	_ =	sdelay $0x2  }
0x24b: {  	s9 =	sadd.s32 $0xFFFFFFE0, s8  }
0x24c: {  	v3 =	vmov s9;
	v4 =	vld [tilespmem:s2+$0xFFFFFBF0]  }
0x24d: {  	v3 =	vshll.u32 v3, $0x4;
	v1 =	vmul.f32 v2, v1  }
0x24e: {  	v2 =	vor.u32 v0, v3  }
0x24f: {  	v1 =	vmul.f32 $4.803204540e+00, v1;
	_ =	sdelay $0x1  }
0x250: {  	v1 =	vadd.f32 v1, v4;
	_ =	sdelay $0x1  }
0x251: {  	[tilespmem:v2+s26+$0x0] =	vst.idx.msk $0xffff, v1  }
0x252: {  	v1 =	vld [tilespmem:s1+$0xFFFFFFF0]  }
0x253: {  	v3 =	vld [tilespmem:s0+$0xFFFFFFF0]  }
0x254: {  	v4 =	vld [tilespmem:s2+$0xFFFFFFF0];
	_ =	sdelay $0x3  }
0x255: {  	v1 =	vmul.f32 v3, v1  }
0x256: {  	v3 =	vor.u32 $0x1, v2  }
0x257: {  	v1 =	vmul.f32 $4.803204540e+00, v1;
	_ =	sdelay $0x1  }
0x258: {  	v1 =	vadd.f32 v1, v4;
	_ =	sdelay $0x1  }
0x259: {  	[tilespmem:v3+s26+$0x0] =	vst.idx.msk $0xffff, v1  }
0x25a: {  	v1 =	vld [tilespmem:s1+$0x3F0]  }
0x25b: {  	v3 =	vld [tilespmem:s0+$0xFFFFFFF0];
	_ =	sdelay $0x3  }
0x25c: {  	v4 =	vld [tilespmem:s2+$0x3F0]  }
0x25d: {  	v1 =	vmul.f32 v3, v1  }
0x25e: {  	v2 =	vor.u32 $0x2, v2  }
0x25f: {  	v1 =	vmul.f32 $4.803204540e+00, v1;
	_ =	sdelay $0x1  }
0x260: {  	v1 =	vadd.f32 v1, v4;
	_ =	sdelay $0x1  }
0x261: {  	[tilespmem:v2+s26+$0x0] =	vst.idx.msk $0xffff, v1  }
0x262: {  	v1 =	vld [tilespmem:s1+$0xFFFFFC00]  }
0x263: {  	v2 =	vld [tilespmem:s0+$0x0];
	_ =	sdelay $0x2  }
0x264: {  	s9 =	sadd.s32 $0xFFFFFFF0, s8  }
0x265: {  	v3 =	vmov s9;
	v4 =	vld [tilespmem:s2+$0xFFFFFC00]  }
0x266: {  	v3 =	vshll.u32 v3, $0x4;
	v1 =	vmul.f32 v2, v1  }
0x267: {  	v2 =	vor.u32 v0, v3  }
0x268: {  	v1 =	vmul.f32 $4.803204540e+00, v1;
	_ =	sdelay $0x1  }
0x269: {  	v1 =	vadd.f32 v1, v4;
	_ =	sdelay $0x1  }
0x26a: {  	[tilespmem:v2+s26+$0x0] =	vst.idx.msk $0xffff, v1  }
0x26b: {  	v1 =	vld [tilespmem:s1+$0x0]  }
0x26c: {  	v3 =	vld [tilespmem:s0+$0x0]  }
0x26d: {  	v4 =	vld [tilespmem:s2+$0x0];
	_ =	sdelay $0x3  }
0x26e: {  	v1 =	vmul.f32 v3, v1  }
0x26f: {  	v3 =	vor.u32 $0x1, v2  }
0x270: {  	v1 =	vmul.f32 $4.803204540e+00, v1;
	_ =	sdelay $0x1  }
0x271: {  	v1 =	vadd.f32 v1, v4;
	_ =	sdelay $0x1  }
0x272: {  	[tilespmem:v3+s26+$0x0] =	vst.idx.msk $0xffff, v1  }
0x273: {  	v1 =	vld [tilespmem:s1+$0x400]  }
0x274: {  	v3 =	vld [tilespmem:s0+$0x0]  }
0x275: {  	v4 =	vld [tilespmem:s2+$0x400];
	_ =	sdelay $0x3  }
0x276: {  	v1 =	vmul.f32 v3, v1  }
0x277: {  	v2 =	vor.u32 $0x2, v2  }
0x278: {  	v1 =	vmul.f32 $4.803204540e+00, v1;
	_ =	sdelay $0x1  }
0x279: {  	v1 =	vadd.f32 v1, v4;
	_ =	sdelay $0x1  }
0x27a: {  	[tilespmem:v2+s26+$0x0] =	vst.idx.msk $0xffff, v1  }
0x27b: {  	v1 =	vld [tilespmem:s1+$0xFFFFFC10]  }
0x27c: {  	v2 =	vld [tilespmem:s0+$0x10]  }
0x27d: {  	v3 =	vld [tilespmem:s2+$0xFFFFFC10];
	_ =	sdelay $0x2  }
0x27e: {  	v4 =	vmov s8  }
0x27f: {  	v4 =	vshll.u32 v4, $0x4;
	v2 =	vmul.f32 v2, v1  }
0x280: {  	v1 =	vor.u32 v0, v4  }
0x281: {  	v2 =	vmul.f32 $4.803204540e+00, v2;
	_ =	sdelay $0x1  }
0x282: {  	v2 =	vadd.f32 v2, v3;
	_ =	sdelay $0x1  }
0x283: {  	[tilespmem:v1+s26+$0x0] =	vst.idx.msk $0xffff, v2  }
0x284: {  	v2 =	vld [tilespmem:s1+$0x10]  }
0x285: {  	v3 =	vld [tilespmem:s0+$0x10]  }
0x286: {  	v4 =	vld [tilespmem:s2+$0x10];
	_ =	sdelay $0x3  }
0x287: {  	v2 =	vmul.f32 v3, v2  }
0x288: {  	v3 =	vor.u32 $0x1, v1  }
.Ltmp8:
0x289: {  	v2 =	vmul.f32 $4.803204540e+00, v2;
	(pc) =	sbr.rel @p1 .LBB2_9-.Ltmp8, $3  }
0x28a: {  	_ = 	snop  }
0x28b: {  	v2 =	vadd.f32 v2, v4;
	_ =	sdelay $0x1  }
0x28c: {  	[tilespmem:v3+s26+$0x0] =	vst.idx.msk $0xffff, v2  }
0x28d: {  	v2 =	vld [tilespmem:s0+$0x10]  }
0x28e: {  	v3 =	vld [tilespmem:s4+$0x410];
	_ =	sdelay $0x3  }
0x28f: {  	v4 =	vld [tilespmem:s5+$0x410]  }
0x290: {  	v2 =	vmul.f32 v2, v3  }
0x291: {  	v1 =	vor.u32 $0x2, v1  }
0x292: {  	v2 =	vmul.f32 $4.803204540e+00, v2;
	_ =	sdelay $0x1  }
0x293: {  	v2 =	vadd.f32 v2, v4;
	_ =	sdelay $0x1  }
0x294: {  	s15 =	simm.s32 $0x5C00;
	[tilespmem:v1+s26+$0x0] =	vst.idx.msk $0xffff, v2  }
0x295: {  	[spmem:s6] =	stream.indirect.scatter.add.f32 [tilespmem:s26], [sflag:$0x2], $0x10, s15, s14, $0xb8;
	[tilespmem:$0x1EB00] =	vst v63  }
0x296: {  	s24 =	simm.s32 $0x2400;
	s1 =	simm.s32 $0x5C80  }
0x297: {  	[spmem:s6] =	stream.indirect.scatter.add.f32 [tilespmem:s24], [sflag:$0x2], $0x10, s1, s14, $0xb8;
	[tilespmem:$0x1EB00] =	vst v63  }
0x298: {  	s25 =	simm.s32 $0x2C00;
	s28 =	simm.s32 $0x5D00  }
0x299: {  	[spmem:s6] =	stream.indirect.scatter.add.f32 [tilespmem:s25], [sflag:$0x2], $0x10, s28, s14, $0xb8;
	[tilespmem:$0x1EB00] =	vst v63  }
0x29a: {  	s29 =	simm.s32 $0x3400;
	s30 =	simm.s32 $0x5D80;
	s31 =	simm.s32 $0x2  }
0x29b: {  	[spmem:s6] =	stream.indirect.scatter.add.f32 [tilespmem:s29], [sflag:$0x2], $0x10, s30, s14, $0xb8;
	[tilespmem:$0x1EB00] =	vst v63  }
0x29c: {  	_ =	swait.ge [sflag:s31], $0x800  }
0x29d: {  	[sflag:s31] =	ssyncset.done $0x0  }
0x29e: {  	[sflag:s31] =	ssyncadd.s32 $0xFFFFF800  }
0x29f: {  	_ =	swait.ge [sflag:s31], $0x800  }
0x2a0: {  	[sflag:s31] =	ssyncset.done $0x0  }
0x2a1: {  	[sflag:s31] =	ssyncadd.s32 $0xFFFFF800  }
0x2a2: {  	_ =	swait.ge [sflag:s31], $0x800  }
.Ltmp9:
0x2a3: {  	[sflag:s31] =	ssyncset.done $0x0;
	(pc) =	sbr.rel .LBB2_11-.Ltmp9, $4  }
0x2a4: {  	[sflag:s31] =	ssyncadd.s32 $0xFFFFF800  }
0x2a5: {  	_ =	swait.ge [sflag:s31], $0x800  }
0x2a6: {  	[sflag:s31] =	ssyncset.done $0x0  }
0x2a7: {  	s3 =	rddreg [dreg:$0x19];
	[sflag:s31] =	ssyncadd.s32 $0xFFFFF800  }
.LBB2_12:
0x2a8: {  	_ =	sfence.sel $0x180000  }
0x2a9: {  	[bflag:$0x0] =	sbarrier.arrive $0xFFFF  }
0x2aa: {  	_ =	strace $0x90000047  }
0x2ab: {  	s0 =	stileid.u32;
	[bflag:$0x2] =	sbarrier.arrive $0xFFFF  }
0x2ac: {  	p0 =	sne.s32 s0, $0x0;
	s0 =	rddreg [dreg:$0x5]  }
0x2ad: {  	s0 =	sadd.s32 @!p0 $0x100000, s0  }
0x2ae: {  	[sflag:s0] =	ssyncadd.tile.s32 @!p0 $0x1;
	_ =	shalt  }
.Lfunc_end2:
_tile_overlayer_lowered:
.L_overlay_start_2:
0x2af: {  	(tag) =	ssettag $0x2  }
0x2b0: {  	s0 =	rddreg [dreg:$0x0];
	s2 =	stileid.u32  }
0x2b1: {  	s1 =	rddreg [dreg:$0x1];
	p0 =	sne.s32 s2, $0x0  }
0x2b2: {  	s3 =	rddreg [dreg:$0x2];
	[bflag:$0x3] =	sbarrier.arrive $0xFFFF;
	s2 =	simm.s32 @!p0 $0x1C03  }
0x2b3: {  	[timem:s3], [sflag:s2] =	dma.local @!p0 [hbm:s0], s1  }
0x2b4: {  	s0 =	simm.s32 @!p0 $0x3  }
0x2b5: {  	_ =	swait.ge @!p0 [sflag:s0], s1  }
0x2b6: {  	s1 =	ssub.s32 @!p0 $0x0, s1;
	[sflag:s0] =	ssyncset.done @!p0 $0x0  }
0x2b7: {  	[sflag:s0] =	ssyncadd.s32 @!p0 s1  }
0x2b8: {  	[bflag:$0x3] =	sbarrier.arrive $0xFFFF  }
0x2b9: {  	_ =	shalt  }

</sc_bundles>
